<compile_context>
chip_gen: v7x
topology: tpu7x:2x2x1
jax: 0.10.2.dev20260603
libtpu: 0.0.44.dev20260713+nightly
codegen_flags: <defaults>
</compile_context>

<pallas_src>
import functools

import jax
import jax.numpy as jnp
from jax import lax
from jax.experimental import pallas as pl
from jax.experimental.pallas import tpu as pltpu
from jax.experimental.pallas import tpu_sc as plsc

N = 10000
E = 320000
HID = 128
NSUB = 512
F2 = 2 * HID

NC = 2
NS = 16
NW = NC * NS
EPW = E // NW

NN = 10240
NPT = NN // NS
PC = 64
BR = 2048

_MESH = dict(core_axis_name="c", subcore_axis_name="s")


def _ids():
    c = lax.axis_index("c")
    s = lax.axis_index("s")
    return c, s, s * NC + c


ECL = 128
EPWP = 10240
CPW = EPWP // ECL
HC = CPW // 2


@functools.partial(
    pl.kernel,
    out_type=jax.ShapeDtypeStruct((NC, NN, HID), jnp.float32),
    mesh=plsc.VectorSubcoreMesh(**_MESH),
    scratch_types=[
        pltpu.VMEM((HC, ECL), jnp.int32),
        pltpu.VMEM((ECL, HID), jnp.float32),
        pltpu.VMEM_SHARED((NN, HID), jnp.float32),
    ],
)
def _sc_degree(ones_hbm, col2_hbm, zacc_hbm, degp_hbm, cidx2, ones_v, deg_sh):
    c, s, w = _ids()
    pltpu.sync_copy(zacc_hbm, deg_sh.at[pl.ds(NPT * s, NPT)])
    pltpu.sync_copy(ones_hbm, ones_v)
    plsc.subcore_barrier()

    def phase(p):
        base = CPW * w + p * HC
        pltpu.sync_copy(col2_hbm.at[pl.ds(base, HC)], cidx2)

        def step(k, carry):
            pltpu.sync_copy(ones_v, deg_sh.at[cidx2.at[k]], add=True)
            return carry

        lax.fori_loop(0, HC, step, 0, unroll=False)

    phase(0)
    phase(1)
    plsc.subcore_barrier()
    pltpu.sync_copy(deg_sh.at[pl.ds(NPT * s, NPT)],
                    degp_hbm.at[c, pl.ds(NPT * s, NPT)])


@functools.partial(
    pl.kernel,
    out_type=jax.ShapeDtypeStruct((NC, NN, HID), jnp.float32),
    mesh=plsc.VectorSubcoreMesh(**_MESH),
    scratch_types=[
        pltpu.VMEM((HC, ECL), jnp.int32),
        pltpu.VMEM((HC, ECL), jnp.int32),
        pltpu.VMEM((ECL, HID), jnp.float32),
        pltpu.VMEM((ECL, HID), jnp.float32),
        pltpu.VMEM_SHARED((NN, HID), jnp.float32),
        pltpu.SemaphoreType.DMA,
        pltpu.SemaphoreType.DMA,
    ],
)
def _sc_edge_agg(hs_hbm, row2_hbm, col2_hbm, zacc_hbm, accp_hbm,
                 ridx2, cidx2, rows_a, rows_b, acc_sh, ga, gb):
    c, s, w = _ids()
    pltpu.sync_copy(zacc_hbm, acc_sh.at[pl.ds(NPT * s, NPT)])
    plsc.subcore_barrier()

    def phase(p):
        base = CPW * w + p * HC
        pltpu.sync_copy(row2_hbm.at[pl.ds(base, HC)], ridx2)
        pltpu.sync_copy(col2_hbm.at[pl.ds(base, HC)], cidx2)
        pltpu.async_copy(hs_hbm.at[ridx2.at[0]], rows_a, ga)
        pltpu.async_copy(hs_hbm.at[ridx2.at[1]], rows_b, gb)

        def step(j, carry):
            k = 2 * j
            pltpu.make_async_copy(hs_hbm.at[ridx2.at[0]], rows_a, ga).wait()
            pltpu.sync_copy(rows_a, acc_sh.at[cidx2.at[k]], add=True)

            @pl.when(j + 1 < HC // 2)
            def _():
                pltpu.async_copy(hs_hbm.at[ridx2.at[k + 2]], rows_a, ga)

            pltpu.make_async_copy(hs_hbm.at[ridx2.at[1]], rows_b, gb).wait()
            pltpu.sync_copy(rows_b, acc_sh.at[cidx2.at[k + 1]], add=True)

            @pl.when(j + 1 < HC // 2)
            def _():
                pltpu.async_copy(hs_hbm.at[ridx2.at[k + 3]], rows_b, gb)

            return carry

        lax.fori_loop(0, HC // 2, step, 0, unroll=False)

    phase(0)
    phase(1)
    plsc.subcore_barrier()
    pltpu.sync_copy(acc_sh.at[pl.ds(NPT * s, NPT)],
                    accp_hbm.at[c, pl.ds(NPT * s, NPT)])


NSTEP = 6 * (NN // NW) // PC


@functools.partial(
    pl.kernel,
    out_type=jax.ShapeDtypeStruct((NC, 6 * NSUB, HID), jnp.float32),
    mesh=plsc.VectorSubcoreMesh(**_MESH),
    scratch_types=[
        pltpu.VMEM((PC,), jnp.int32),
        pltpu.VMEM((PC,), jnp.int32),
        pltpu.VMEM((PC, HID), jnp.float32),
        pltpu.VMEM((PC, HID), jnp.float32),
        pltpu.VMEM_SHARED((6 * NSUB, HID), jnp.float32),
        pltpu.SemaphoreType.DMA,
        pltpu.SemaphoreType.DMA,
        pltpu.SemaphoreType.DMA,
        pltpu.SemaphoreType.DMA,
    ],
)
def _sc_pool(v6_hbm, b6_hbm, zpool_hbm, poolp_hbm,
             bidx_a, bidx_b, vbuf_a, vbuf_b, pool_sh, ia, ib, va, vb):
    c, s, w = _ids()
    ppt = 6 * NSUB // NS
    pltpu.sync_copy(zpool_hbm, pool_sh.at[pl.ds(ppt * s, ppt)])
    plsc.subcore_barrier()
    rpw = NN // NW

    def load(t, bidx, vbuf, si, sv):
        k = t % 6
        base = w * rpw + (t // 6) * PC
        pltpu.async_copy(b6_hbm.at[k, pl.ds(base, PC)], bidx, si)
        pltpu.async_copy(v6_hbm.at[k, pl.ds(base, PC)], vbuf, sv)

    def drain(bidx, vbuf, si, sv):
        pltpu.make_async_copy(b6_hbm.at[0, pl.ds(0, PC)], bidx, si).wait()
        pltpu.make_async_copy(v6_hbm.at[0, pl.ds(0, PC)], vbuf, sv).wait()

    load(0, bidx_a, vbuf_a, ia, va)
    load(1, bidx_b, vbuf_b, ib, vb)

    def step(j, carry):
        t = 2 * j
        drain(bidx_a, vbuf_a, ia, va)
        pltpu.sync_copy(vbuf_a, pool_sh.at[bidx_a], add=True)

        @pl.when(j + 1 < NSTEP // 2)
        def _():
            load(t + 2, bidx_a, vbuf_a, ia, va)

        drain(bidx_b, vbuf_b, ib, vb)
        pltpu.sync_copy(vbuf_b, pool_sh.at[bidx_b], add=True)

        @pl.when(j + 1 < NSTEP // 2)
        def _():
            load(t + 3, bidx_b, vbuf_b, ib, vb)

        return carry

    lax.fori_loop(0, NSTEP // 2, step, 0, unroll=False)
    plsc.subcore_barrier()
    pltpu.sync_copy(pool_sh.at[pl.ds(ppt * s, ppt)],
                    poolp_hbm.at[c, pl.ds(ppt * s, ppt)])


def _tc_proj(hp, linW, linb, aggW):
    def body(hp_r, linW_r, linb_r, aggW_r, h_o, h2_o):
        h = jnp.dot(hp_r[...], linW_r[...],
                    preferred_element_type=jnp.float32) + linb_r[...]
        h_o[...] = h
        h2_o[...] = jnp.dot(h, aggW_r[...], preferred_element_type=jnp.float32)

    return pl.pallas_call(
        body,
        grid=(NN // BR,),
        in_specs=[
            pl.BlockSpec((BR, HID), lambda i: (i, 0)),
            pl.BlockSpec((HID, HID), lambda i: (0, 0)),
            pl.BlockSpec((1, HID), lambda i: (0, 0)),
            pl.BlockSpec((HID, HID), lambda i: (0, 0)),
        ],
        out_specs=[pl.BlockSpec((BR, HID), lambda i: (i, 0))] * 2,
        out_shape=[jax.ShapeDtypeStruct((NN, HID), jnp.float32)] * 2,
    )(hp, linW, linb, aggW)


def _tc_scale(h2, degp):
    def body(h2_r, degp_r, hs_o):
        d = degp_r[...].astype(jnp.float32)
        dinv = lax.rsqrt(d[0, :, 0:1] + d[1, :, 0:1] + 1.0)
        hs_o[...] = h2_r[...] * dinv

    return pl.pallas_call(
        body,
        grid=(NN // BR,),
        in_specs=[
            pl.BlockSpec((BR, HID), lambda i: (i, 0)),
            pl.BlockSpec((NC, BR, HID), lambda i: (0, i, 0)),
        ],
        out_specs=pl.BlockSpec((BR, HID), lambda i: (i, 0)),
        out_shape=jax.ShapeDtypeStruct((NN, HID), jnp.float32),
    )(h2, degp)


def _tc_stage2_stage1(h, hs, accp, degp, catWt, catWb, catb, aggb,
                      linW, linb, aggW):
    def body(h_r, hs_r, accp_r, degp_r, wt_r, wb_r, cb_r, ab_r,
             linW_r, linb_r, aggW_r, z_o, h1_o, hs1_o):
        d = degp_r[...].astype(jnp.float32)
        dinv = lax.rsqrt(d[0, :, 0:1] + d[1, :, 0:1] + 1.0)
        a = accp_r[...]
        agg = dinv * (a[0] + a[1] + hs_r[...]) + ab_r[...]
        z = jnp.tanh(
            jnp.dot(h_r[...], wt_r[...], preferred_element_type=jnp.float32)
            + jnp.dot(agg, wb_r[...], preferred_element_type=jnp.float32)
            + cb_r[...])
        h1 = jnp.dot(z, linW_r[...],
                     preferred_element_type=jnp.float32) + linb_r[...]
        h21 = jnp.dot(h1, aggW_r[...], preferred_element_type=jnp.float32)
        z_o[...] = z
        h1_o[...] = h1
        hs1_o[...] = h21 * dinv

    return pl.pallas_call(
        body,
        grid=(NN // BR,),
        in_specs=[
            pl.BlockSpec((BR, HID), lambda i: (i, 0)),
            pl.BlockSpec((BR, HID), lambda i: (i, 0)),
            pl.BlockSpec((NC, BR, HID), lambda i: (0, i, 0)),
            pl.BlockSpec((NC, BR, HID), lambda i: (0, i, 0)),
            pl.BlockSpec((HID, HID), lambda i: (0, 0)),
            pl.BlockSpec((HID, HID), lambda i: (0, 0)),
            pl.BlockSpec((1, HID), lambda i: (0, 0)),
            pl.BlockSpec((1, HID), lambda i: (0, 0)),
            pl.BlockSpec((HID, HID), lambda i: (0, 0)),
            pl.BlockSpec((1, HID), lambda i: (0, 0)),
            pl.BlockSpec((HID, HID), lambda i: (0, 0)),
        ],
        out_specs=[pl.BlockSpec((BR, HID), lambda i: (i, 0))] * 3,
        out_shape=[jax.ShapeDtypeStruct((NN, HID), jnp.float32)] * 3,
    )(h, hs, accp, degp, catWt, catWb, catb, aggb, linW, linb, aggW)


def _tc_stage2_values(h, hs, accp, degp, catWt, catWb, catb, aggb,
                      x, z0, pw, pb):
    def body(h_r, hs_r, accp_r, degp_r, wt_r, wb_r, cb_r, ab_r,
             x_r, z0_r, pw_r, pb_r, *v_os):
        i = pl.program_id(0)
        d = degp_r[...].astype(jnp.float32)
        dinv = lax.rsqrt(d[0, :, 0:1] + d[1, :, 0:1] + 1.0)
        a = accp_r[...]
        agg = dinv * (a[0] + a[1] + hs_r[...]) + ab_r[...]
        z1b = jnp.tanh(
            jnp.dot(h_r[...], wt_r[...], preferred_element_type=jnp.float32)
            + jnp.dot(agg, wb_r[...], preferred_element_type=jnp.float32)
            + cb_r[...])
        z0b = z0_r[...]
        xc = jnp.concatenate([z0b, z1b], axis=1)
        sc = jnp.exp(jnp.tanh(
            jnp.dot(xc, pw_r[...], preferred_element_type=jnp.float32)
            + pb_r[...]))
        m = (x_r[...][:, 2:5] == 1.0).astype(jnp.float32)
        s = sc * m
        rows = i * BR + lax.broadcasted_iota(jnp.int32, (BR, 1), 0)
        valid = rows < N
        zb = (z0b, z1b)
        v_o = v_os[0]
        for k in range(3):
            for j in range(2):
                v_o[2 * k + j] = jnp.where(
                    valid, zb[j] * s[:, k:k + 1], 0.0)

    return pl.pallas_call(
        body,
        grid=(NN // BR,),
        in_specs=[
            pl.BlockSpec((BR, HID), lambda i: (i, 0)),
            pl.BlockSpec((BR, HID), lambda i: (i, 0)),
            pl.BlockSpec((NC, BR, HID), lambda i: (0, i, 0)),
            pl.BlockSpec((NC, BR, HID), lambda i: (0, i, 0)),
            pl.BlockSpec((HID, HID), lambda i: (0, 0)),
            pl.BlockSpec((HID, HID), lambda i: (0, 0)),
            pl.BlockSpec((1, HID), lambda i: (0, 0)),
            pl.BlockSpec((1, HID), lambda i: (0, 0)),
            pl.BlockSpec((BR, HID), lambda i: (i, 0)),
            pl.BlockSpec((BR, HID), lambda i: (i, 0)),
            pl.BlockSpec((F2, 3), lambda i: (0, 0)),
            pl.BlockSpec((1, 3), lambda i: (0, 0)),
        ],
        out_specs=pl.BlockSpec((6, BR, HID), lambda i: (0, i, 0)),
        out_shape=jax.ShapeDtypeStruct((6, NN, HID), jnp.float32),
    )(h, hs, accp, degp, catWt, catWb, catb, aggb, x, z0, pw, pb)


def _tc_mlp(poolp, w0, b0, w1, b1, w2, b2, w3, b3):
    def body(pp_r, w0_r, b0_r, w1_r, b1_r, w2_r, b2_r, w3_r, b3_r, o_r):
        p = pp_r[...]
        psum = p[0] + p[1]
        xo = jnp.concatenate(
            [psum[NSUB * k:NSUB * (k + 1)] for k in range(6)], axis=1)
        h = jnp.maximum(jnp.dot(xo, w0_r[...],
                                preferred_element_type=jnp.float32)
                        + b0_r[...], 0.0)
        h = jnp.maximum(jnp.dot(h, w1_r[...],
                                preferred_element_type=jnp.float32)
                        + b1_r[...], 0.0)
        h = jnp.maximum(jnp.dot(h, w2_r[...],
                                preferred_element_type=jnp.float32)
                        + b2_r[...], 0.0)
        o_r[...] = jnp.dot(h, w3_r[...],
                           preferred_element_type=jnp.float32) + b3_r[...]

    return pl.pallas_call(
        body,
        out_shape=jax.ShapeDtypeStruct((NSUB, 4), jnp.float32),
    )(poolp, w0, b0, w1, b1, w2, b2, w3, b3)


def kernel(x, edge_index, batch,
           lin0_W, lin0_b, lin1_W, lin1_b,
           agg0_W, agg0_b, agg1_W, agg1_b,
           cat0_W, cat0_b, cat1_W, cat1_b,
           ex0_W, ex0_b, ex1_W, ex1_b, ex2_W, ex2_b, ex3_W, ex3_b,
           pool0_W, pool0_b, pool1_W, pool1_b, pool2_W, pool2_b):
    f32 = jnp.float32
    row = edge_index[0].astype(jnp.int32)
    col = edge_index[1].astype(jnp.int32)
    npad_e = EPWP - EPW
    prow = (jnp.arange(npad_e, dtype=jnp.int32) * 41) % N
    pcol = N + jnp.arange(npad_e, dtype=jnp.int32) % (NN - N)
    row2 = jnp.concatenate(
        [row.reshape(NW, EPW), jnp.broadcast_to(prow, (NW, npad_e))],
        axis=1).reshape(NW * CPW, ECL)
    col2 = jnp.concatenate(
        [col.reshape(NW, EPW), jnp.broadcast_to(pcol, (NW, npad_e))],
        axis=1).reshape(NW * CPW, ECL)
    zacc = jnp.zeros((NPT, HID), f32)
    zpool = jnp.zeros((6 * NSUB // NS, HID), f32)

    ones = jnp.ones((ECL, HID), f32)
    degp = _sc_degree(ones, col2, zacc)

    h0, h20 = _tc_proj(x, lin0_W, lin0_b.reshape(1, HID), agg0_W)
    hs0 = _tc_scale(h20, degp)
    accp0 = _sc_edge_agg(hs0, row2, col2, zacc)
    z0, h1, hs1 = _tc_stage2_stage1(
        h0, hs0, accp0, degp, cat0_W[:HID], cat0_W[HID:],
        cat0_b.reshape(1, HID), agg0_b.reshape(1, HID),
        lin1_W, lin1_b.reshape(1, HID), agg1_W)
    accp1 = _sc_edge_agg(hs1, row2, col2, zacc)

    pw = jnp.concatenate([pool0_W, pool1_W, pool2_W], axis=1)
    pb = jnp.concatenate([pool0_b, pool1_b, pool2_b]).reshape(1, 3)
    batch_pad = jnp.concatenate(
        [batch.astype(jnp.int32), jnp.zeros((NN - N,), jnp.int32)])
    b6 = batch_pad[None, :] + (jnp.arange(8, dtype=jnp.int32) * NSUB)[:, None]
    v6 = _tc_stage2_values(
        h1, hs1, accp1, degp, cat1_W[:HID], cat1_W[HID:],
        cat1_b.reshape(1, HID), agg1_b.reshape(1, HID), x, z0, pw, pb)
    poolp = _sc_pool(v6, b6, zpool)

    return _tc_mlp(poolp,
                   ex0_W, ex0_b.reshape(1, -1), ex1_W, ex1_b.reshape(1, -1),
                   ex2_W, ex2_b.reshape(1, -1), ex3_W, ex3_b.reshape(1, -1))

# --- scband reference (transcript-rebuilt; emitter-appended) ---
"""Pipeline reference for scband-bssubgnn-9311489098067 (READ-ONLY COPY).

The authoritative reference and input builder live on the scoring server;
editing this copy changes nothing except your own understanding.
"""

import jax, jax.numpy as jnp
import numpy as np

N = 10000
E = 320000
ATTRI = 128
HID = 128
NL = 2
NSUB = 512

def _linear_params(key, din, dout):
    k1, k2 = jax.random.split(key)
    W = jax.random.normal(k1, (din, dout), dtype=jnp.float32) * 0.05
    b = jax.random.normal(k2, (dout,), dtype=jnp.float32) * 0.05
    return W, b

_DIMS = [('lin0', ATTRI, HID), ('lin1', HID, HID), ('agg0', HID, HID), ('agg1', HID, HID), ('cat0', 2 * HID, HID), ('cat1', 2 * HID, HID), ('ex0', 3 * NL * HID, 32), ('ex1', 32, 32), ('ex2', 32, 16), ('ex3', 16, 4), ('pool0', NL * HID, 1), ('pool1', NL * HID, 1), ('pool2', NL * HID, 1)]

def setup_inputs(seed: int = 0):
    key = jax.random.key(seed)
    ks = jax.random.split(key, 16)
    x = jax.random.randint(ks[0], (N, ATTRI), 0, 2).astype(jnp.float32)
    edge_index = jax.random.randint(ks[1], (2, E), 0, N)
    batch = jnp.sort(jax.random.randint(ks[2], (N,), 0, NSUB))
    inp = {'x': x, 'edge_index': edge_index, 'batch': batch}
    for i, (nm, di, do) in enumerate(_DIMS):
        W, b = _linear_params(ks[3 + i], di, do)
        inp[nm + '_W'] = W
        inp[nm + '_b'] = b
    return inp

def _gcn(x, row, col, W, b, n):
    h = x @ W
    loop = jnp.arange(n)
    r = jnp.concatenate([row, loop])
    c = jnp.concatenate([col, loop])
    deg = jnp.zeros((n,), jnp.float32).at[c].add(1.0)
    dinv = jnp.where(deg > 0, deg ** -0.5, 0.0)
    norm = dinv[r] * dinv[c]
    msg = h[r] * norm[:, None]
    out = jnp.zeros((n, h.shape[1]), jnp.float32).at[c].add(msg)
    return out + b

def _forward(x, edge_index, batch, p):
    n = x.shape[0]
    row, col = edge_index[0], edge_index[1]
    nsub = NSUB
    m3 = (x[:, 2] == 1).astype(jnp.float32)
    m4 = (x[:, 3] == 1).astype(jnp.float32)
    m5 = (x[:, 4] == 1).astype(jnp.float32)
    z = []
    h = x
    for i in range(NL):
        h = h @ p['lin%d_W' % i] + p['lin%d_b' % i]
        agg = _gcn(h, row, col, p['agg%d_W' % i], p['agg%d_b' % i], n)
        h = jnp.concatenate([h, agg], axis=1) @ p['cat%d_W' % i] + p['cat%d_b' % i]
        h = jnp.tanh(h)
        z.append(h)
    xc = jnp.concatenate(z, axis=1)
    def pool(mask, W, b):
        score = jnp.exp(jnp.tanh(xc @ W + b))
        val = xc * score * mask[:, None]
        return jnp.zeros((nsub, xc.shape[1]), jnp.float32).at[batch].add(val)
    x1 = pool(m3, p['pool0_W'], p['pool0_b'])
    x2 = pool(m4, p['pool1_W'], p['pool1_b'])
    x3 = pool(m5, p['pool2_W'], p['pool2_b'])
    xo = jnp.concatenate([x1, x2, x3], axis=1)
    h = jax.nn.relu(xo @ p['ex0_W'] + p['ex0_b'])
    h = jax.nn.relu(h @ p['ex1_W'] + p['ex1_b'])
    h = jax.nn.relu(h @ p['ex2_W'] + p['ex2_b'])
    return h @ p['ex3_W'] + p['ex3_b']

def reference(x, edge_index, batch,
              lin0_W, lin0_b, lin1_W, lin1_b,
              agg0_W, agg0_b, agg1_W, agg1_b,
              cat0_W, cat0_b, cat1_W, cat1_b,
              ex0_W, ex0_b, ex1_W, ex1_b, ex2_W, ex2_b, ex3_W, ex3_b,
              pool0_W, pool0_b, pool1_W, pool1_b, pool2_W, pool2_b):
    params = {
        'lin0_W': lin0_W, 'lin0_b': lin0_b, 'lin1_W': lin1_W, 'lin1_b': lin1_b,
        'agg0_W': agg0_W, 'agg0_b': agg0_b, 'agg1_W': agg1_W, 'agg1_b': agg1_b,
        'cat0_W': cat0_W, 'cat0_b': cat0_b, 'cat1_W': cat1_W, 'cat1_b': cat1_b,
        'ex0_W': ex0_W, 'ex0_b': ex0_b, 'ex1_W': ex1_W, 'ex1_b': ex1_b,
        'ex2_W': ex2_W, 'ex2_b': ex2_b, 'ex3_W': ex3_W, 'ex3_b': ex3_b,
        'pool0_W': pool0_W, 'pool0_b': pool0_b, 'pool1_W': pool1_W, 'pool1_b': pool1_b,
        'pool2_W': pool2_W, 'pool2_b': pool2_b,
    }
    return _forward(x, edge_index, batch, params)

if __name__ == "__main__":
    import jax
    _d = setup_inputs()
    print(jax.jit(kernel)(*tuple(_d.values())))

</pallas_src>

<mosaic_0001>
#map = affine_map<(d0, d1) -> (0, 0, 0)>
#map1 = affine_map<(d0, d1) -> (0, 0)>
module attributes {stable_mosaic.version = 14 : i64} {
  func.func @_sc_pool(%arg0: i32, %arg1: i32, %arg2: memref<6x10240x128xf32, #tpu.memory_space<hbm>>, %arg3: memref<8x10240xi32, #tpu.memory_space<hbm>>, %arg4: memref<192x128xf32, #tpu.memory_space<hbm>>, %arg5: memref<2x3072x128xf32, #tpu.memory_space<hbm>>, %arg6: memref<64xi32, #tpu.memory_space<vmem>>, %arg7: memref<64xi32, #tpu.memory_space<vmem>>, %arg8: memref<64x128xf32, #tpu.memory_space<vmem>>, %arg9: memref<64x128xf32, #tpu.memory_space<vmem>>, %arg10: memref<3072x128xf32, #tpu.memory_space<vmem_shared>>, %arg11: memref<!tpu.dma_semaphore, #tpu.memory_space<semaphore_mem>>, %arg12: memref<!tpu.dma_semaphore, #tpu.memory_space<semaphore_mem>>, %arg13: memref<!tpu.dma_semaphore, #tpu.memory_space<semaphore_mem>>, %arg14: memref<!tpu.dma_semaphore, #tpu.memory_space<semaphore_mem>>) attributes {dimension_semantics = [#tpu.dimension_semantics<core_parallel>, #tpu.dimension_semantics<subcore_parallel>], iteration_bounds = array<i64: 2, 16>, scalar_prefetch = 0 : i64, scratch_operands = 9 : i64, tpu.core_type = #tpu.core_type<sc_vector_subcore>, window_params = [{transform_indices = #map}, {transform_indices = #map1}, {transform_indices = #map1}, {transform_indices = #map}]} {
    %mul3A = arith.constant 2 : i32
    %mul3A_0 = arith.muli %arg1, %mul3A : i32
    %add3A = arith.addi %mul3A_0, %arg0 : i32
    %mul3A_1 = arith.constant 192 : i32
    %mul3A_2 = arith.muli %mul3A_1, %arg1 : i32
    "tpu.region"() ({
      %run_scoped3A = tpu.sem_alloc : memref<!tpu.dma_semaphore, #tpu.memory_space<semaphore_mem>>
      %dma_start3A_44 = arith.constant 0 : i32
      %dma_start3A_45 = tpu.memref_slice %arg10[%mul3A_2, %dma_start3A_44] : memref<3072x128xf32, #tpu.memory_space<vmem_shared>> -> memref<192x128xf32, #tpu.memory_space<vmem_shared>>
      tpu.enqueue_dma source(%arg4 : memref<192x128xf32, #tpu.memory_space<hbm>>) target(%dma_start3A_45 : memref<192x128xf32, #tpu.memory_space<vmem_shared>>) target_semaphore(%run_scoped3A : memref<!tpu.dma_semaphore, #tpu.memory_space<semaphore_mem>>)
      %dma_wait3A = arith.constant 0 : i32
      %dma_wait3A_46 = tpu.memref_slice %arg10[%mul3A_2, %dma_wait3A] : memref<3072x128xf32, #tpu.memory_space<vmem_shared>> -> memref<192x128xf32, #tpu.memory_space<vmem_shared>>
      tpu.wait_dma2 semaphore(%run_scoped3A : memref<!tpu.dma_semaphore, #tpu.memory_space<semaphore_mem>>) src(%arg4 : memref<192x128xf32, #tpu.memory_space<hbm>>) dst(%dma_wait3A_46 : memref<192x128xf32, #tpu.memory_space<vmem_shared>>)
      tpu.yield
    }) : () -> ()
    %barrier3A = arith.constant 0 : index
    tpu.barrier barrier_id(%barrier3A)
    %mul3A_3 = arith.constant 320 : i32
    %mul3A_4 = arith.muli %add3A, %mul3A_3 : i32
    %add3A_5 = arith.constant 0 : i32
    %add3A_6 = arith.addi %mul3A_4, %add3A_5 : i32
    %dma_start3A = arith.constant 0 : i32
    %dma_start3A_7 = tpu.memref_slice %arg3[%dma_start3A, %add3A_6] : memref<8x10240xi32, #tpu.memory_space<hbm>> -> memref<1x64xi32, #tpu.memory_space<hbm>>
    %dma_start3A_8 = tpu.memref_squeeze %dma_start3A_7 : memref<1x64xi32, #tpu.memory_space<hbm>> -> memref<64xi32, #tpu.memory_space<hbm>>
    %dma_start3A_9 = tpu.memref_slice %arg3[%dma_start3A, %add3A_6] : memref<8x10240xi32, #tpu.memory_space<hbm>> -> memref<1x64xi32, #tpu.memory_space<hbm>>
    %dma_start3A_10 = tpu.memref_squeeze %dma_start3A_9 : memref<1x64xi32, #tpu.memory_space<hbm>> -> memref<64xi32, #tpu.memory_space<hbm>>
    tpu.enqueue_dma source(%dma_start3A_10 : memref<64xi32, #tpu.memory_space<hbm>>) target(%arg6 : memref<64xi32, #tpu.memory_space<vmem>>) target_semaphore(%arg11 : memref<!tpu.dma_semaphore, #tpu.memory_space<semaphore_mem>>)
    %dma_start3A_11 = arith.constant 0 : i32
    %dma_start3A_12 = arith.constant 0 : i32
    %dma_start3A_13 = tpu.memref_slice %arg2[%dma_start3A_11, %add3A_6, %dma_start3A_12] : memref<6x10240x128xf32, #tpu.memory_space<hbm>> -> memref<1x64x128xf32, #tpu.memory_space<hbm>>
    %dma_start3A_14 = tpu.memref_squeeze %dma_start3A_13 : memref<1x64x128xf32, #tpu.memory_space<hbm>> -> memref<64x128xf32, #tpu.memory_space<hbm>>
    %dma_start3A_15 = arith.constant 0 : i32
    %dma_start3A_16 = tpu.memref_slice %arg2[%dma_start3A_11, %add3A_6, %dma_start3A_15] : memref<6x10240x128xf32, #tpu.memory_space<hbm>> -> memref<1x64x128xf32, #tpu.memory_space<hbm>>
    %dma_start3A_17 = tpu.memref_squeeze %dma_start3A_16 : memref<1x64x128xf32, #tpu.memory_space<hbm>> -> memref<64x128xf32, #tpu.memory_space<hbm>>
    tpu.enqueue_dma source(%dma_start3A_17 : memref<64x128xf32, #tpu.memory_space<hbm>>) target(%arg8 : memref<64x128xf32, #tpu.memory_space<vmem>>) target_semaphore(%arg13 : memref<!tpu.dma_semaphore, #tpu.memory_space<semaphore_mem>>)
    %mul3A_18 = arith.constant 320 : i32
    %mul3A_19 = arith.muli %add3A, %mul3A_18 : i32
    %add3A_20 = arith.constant 0 : i32
    %add3A_21 = arith.addi %mul3A_19, %add3A_20 : i32
    %dma_start3A_22 = arith.constant 1 : i32
    %dma_start3A_23 = tpu.memref_slice %arg3[%dma_start3A_22, %add3A_21] : memref<8x10240xi32, #tpu.memory_space<hbm>> -> memref<1x64xi32, #tpu.memory_space<hbm>>
    %dma_start3A_24 = tpu.memref_squeeze %dma_start3A_23 : memref<1x64xi32, #tpu.memory_space<hbm>> -> memref<64xi32, #tpu.memory_space<hbm>>
    %dma_start3A_25 = tpu.memref_slice %arg3[%dma_start3A_22, %add3A_21] : memref<8x10240xi32, #tpu.memory_space<hbm>> -> memref<1x64xi32, #tpu.memory_space<hbm>>
    %dma_start3A_26 = tpu.memref_squeeze %dma_start3A_25 : memref<1x64xi32, #tpu.memory_space<hbm>> -> memref<64xi32, #tpu.memory_space<hbm>>
    tpu.enqueue_dma source(%dma_start3A_26 : memref<64xi32, #tpu.memory_space<hbm>>) target(%arg7 : memref<64xi32, #tpu.memory_space<vmem>>) target_semaphore(%arg12 : memref<!tpu.dma_semaphore, #tpu.memory_space<semaphore_mem>>)
    %dma_start3A_27 = arith.constant 1 : i32
    %dma_start3A_28 = arith.constant 0 : i32
    %dma_start3A_29 = tpu.memref_slice %arg2[%dma_start3A_27, %add3A_21, %dma_start3A_28] : memref<6x10240x128xf32, #tpu.memory_space<hbm>> -> memref<1x64x128xf32, #tpu.memory_space<hbm>>
    %dma_start3A_30 = tpu.memref_squeeze %dma_start3A_29 : memref<1x64x128xf32, #tpu.memory_space<hbm>> -> memref<64x128xf32, #tpu.memory_space<hbm>>
    %dma_start3A_31 = arith.constant 0 : i32
    %dma_start3A_32 = tpu.memref_slice %arg2[%dma_start3A_27, %add3A_21, %dma_start3A_31] : memref<6x10240x128xf32, #tpu.memory_space<hbm>> -> memref<1x64x128xf32, #tpu.memory_space<hbm>>
    %dma_start3A_33 = tpu.memref_squeeze %dma_start3A_32 : memref<1x64x128xf32, #tpu.memory_space<hbm>> -> memref<64x128xf32, #tpu.memory_space<hbm>>
    tpu.enqueue_dma source(%dma_start3A_33 : memref<64x128xf32, #tpu.memory_space<hbm>>) target(%arg9 : memref<64x128xf32, #tpu.memory_space<vmem>>) target_semaphore(%arg14 : memref<!tpu.dma_semaphore, #tpu.memory_space<semaphore_mem>>)
    %scan3A = arith.constant 0 : i32
    %scan3A_34 = arith.constant 0 : i32
    %scan3A_35 = arith.constant 15 : i32
    %scan3A_36 = arith.addi %scan3A_34, %scan3A_35 : i32
    %scan3A_37 = arith.constant 1 : i32
    scf.for %scan3A_44 = %scan3A_34 to %scan3A_36 step %scan3A_37  : i32 {
      %mul3A_45 = arith.constant 2 : i32
      %mul3A_46 = arith.muli %mul3A_45, %scan3A_44 : i32
      %dma_wait3A = arith.constant 0 : i32
      %dma_wait3A_47 = arith.constant 0 : i32
      %dma_wait3A_48 = tpu.memref_slice %arg3[%dma_wait3A, %dma_wait3A_47] : memref<8x10240xi32, #tpu.memory_space<hbm>> -> memref<1x64xi32, #tpu.memory_space<hbm>>
      %dma_wait3A_49 = tpu.memref_squeeze %dma_wait3A_48 : memref<1x64xi32, #tpu.memory_space<hbm>> -> memref<64xi32, #tpu.memory_space<hbm>>
      %dma_wait3A_50 = arith.constant 0 : i32
      %dma_wait3A_51 = tpu.memref_slice %arg3[%dma_wait3A, %dma_wait3A_50] : memref<8x10240xi32, #tpu.memory_space<hbm>> -> memref<1x64xi32, #tpu.memory_space<hbm>>
      %dma_wait3A_52 = tpu.memref_squeeze %dma_wait3A_51 : memref<1x64xi32, #tpu.memory_space<hbm>> -> memref<64xi32, #tpu.memory_space<hbm>>
      tpu.wait_dma2 semaphore(%arg11 : memref<!tpu.dma_semaphore, #tpu.memory_space<semaphore_mem>>) src(%dma_wait3A_52 : memref<64xi32, #tpu.memory_space<hbm>>) dst(%arg6 : memref<64xi32, #tpu.memory_space<vmem>>)
      %dma_wait3A_53 = arith.constant 0 : i32
      %dma_wait3A_54 = arith.constant 0 : i32
      %dma_wait3A_55 = arith.constant 0 : i32
      %dma_wait3A_56 = tpu.memref_slice %arg2[%dma_wait3A_53, %dma_wait3A_54, %dma_wait3A_55] : memref<6x10240x128xf32, #tpu.memory_space<hbm>> -> memref<1x64x128xf32, #tpu.memory_space<hbm>>
      %dma_wait3A_57 = tpu.memref_squeeze %dma_wait3A_56 : memref<1x64x128xf32, #tpu.memory_space<hbm>> -> memref<64x128xf32, #tpu.memory_space<hbm>>
      %dma_wait3A_58 = arith.constant 0 : i32
      %dma_wait3A_59 = arith.constant 0 : i32
      %dma_wait3A_60 = tpu.memref_slice %arg2[%dma_wait3A_53, %dma_wait3A_58, %dma_wait3A_59] : memref<6x10240x128xf32, #tpu.memory_space<hbm>> -> memref<1x64x128xf32, #tpu.memory_space<hbm>>
      %dma_wait3A_61 = tpu.memref_squeeze %dma_wait3A_60 : memref<1x64x128xf32, #tpu.memory_space<hbm>> -> memref<64x128xf32, #tpu.memory_space<hbm>>
      tpu.wait_dma2 semaphore(%arg13 : memref<!tpu.dma_semaphore, #tpu.memory_space<semaphore_mem>>) src(%dma_wait3A_61 : memref<64x128xf32, #tpu.memory_space<hbm>>) dst(%arg8 : memref<64x128xf32, #tpu.memory_space<vmem>>)
      "tpu.region"() ({
        %run_scoped3A = tpu.sem_alloc : memref<!tpu.dma_semaphore, #tpu.memory_space<semaphore_mem>>
        %dma_start3A_89 = arith.constant 0 : i32
        %dma_start3A_90 = arith.constant 0 : i32
        %dma_start3A_91 = tpu.memref_slice %arg10[%dma_start3A_89, %dma_start3A_90] : memref<3072x128xf32, #tpu.memory_space<vmem_shared>> -> memref<3072x128xf32, #tpu.memory_space<vmem_shared>>
        tpu.enqueue_indirect_dma source(%arg8 : memref<64x128xf32, #tpu.memory_space<vmem>>) target(%dma_start3A_91 : memref<3072x128xf32, #tpu.memory_space<vmem_shared>>) offsets(%arg6 : memref<64xi32, #tpu.memory_space<vmem>>) semaphore(%run_scoped3A : memref<!tpu.dma_semaphore, #tpu.memory_space<semaphore_mem>>) {add = true}
        %dma_wait3A_92 = arith.constant 0 : i32
        %dma_wait3A_93 = arith.constant 0 : i32
        %dma_wait3A_94 = tpu.memref_slice %arg10[%dma_wait3A_92, %dma_wait3A_93] : memref<3072x128xf32, #tpu.memory_space<vmem_shared>> -> memref<3072x128xf32, #tpu.memory_space<vmem_shared>>
        tpu.wait_indirect_dma semaphore(%run_scoped3A : memref<!tpu.dma_semaphore, #tpu.memory_space<semaphore_mem>>) src(%arg8 : memref<64x128xf32, #tpu.memory_space<vmem>>) dst(%dma_wait3A_94 : memref<3072x128xf32, #tpu.memory_space<vmem_shared>>)
        tpu.yield
      }) : () -> ()
      %add3A_62 = arith.constant 1 : i32
      %add3A_63 = arith.addi %scan3A_44, %add3A_62 : i32
      %lt3A = arith.constant 15 : i32
      %lt3A_64 = arith.cmpi slt, %add3A_63, %lt3A : i32
      %convert_element_type3A = arith.extui %lt3A_64 : i1 to i32
      %cond3A = arith.constant 0 : i32
      %cond3A_65 = arith.cmpi ne, %convert_element_type3A, %cond3A : i32
      scf.if %cond3A_65 {
        %add3A_89 = arith.constant 2 : i32
        %add3A_90 = arith.addi %mul3A_46, %add3A_89 : i32
        %jit3A = arith.constant 6 : i32
        %eq3A = arith.constant 0 : i32
        %eq3A_91 = arith.cmpi eq, %jit3A, %eq3A : i32
        %jit3A_92 = arith.constant 1 : i32
        %select_n3A = arith.select %eq3A_91, %jit3A_92, %jit3A : i32
        %rem3A = arith.remsi %add3A_90, %select_n3A : i32
        %ne3A = arith.constant 0 : i32
        %ne3A_93 = arith.cmpi ne, %rem3A, %ne3A : i32
        %lt3A_94 = arith.constant 0 : i32
        %lt3A_95 = arith.cmpi slt, %rem3A, %lt3A_94 : i32
        %lt3A_96 = arith.constant 0 : i32
        %lt3A_97 = arith.cmpi slt, %select_n3A, %lt3A_96 : i32
        %ne3A_98 = arith.xori %lt3A_95, %lt3A_97 : i1
        %and3A = arith.andi %ne3A_98, %ne3A_93 : i1
        %add3A_99 = arith.addi %rem3A, %select_n3A : i32
        %select_n3A_100 = arith.select %and3A, %add3A_99, %rem3A : i32
        %mul3A_101 = arith.constant 320 : i32
        %mul3A_102 = arith.muli %add3A, %mul3A_101 : i32
        %jit3A_103 = arith.constant 6 : i32
        %div3A = arith.divsi %add3A_90, %jit3A_103 : i32
        %sign3A = arith.constant 0 : i32
        %sign3A_104 = arith.cmpi sgt, %add3A_90, %sign3A : i32
        %sign3A_105 = arith.extui %sign3A_104 : i1 to i32
        %sign3A_106 = arith.constant 0 : i32
        %sign3A_107 = arith.cmpi slt, %add3A_90, %sign3A_106 : i32
        %sign3A_108 = arith.extui %sign3A_107 : i1 to i32
        %sign3A_109 = arith.subi %sign3A_105, %sign3A_108 : i32
        %sign3A_110 = arith.constant 0 : i32
        %sign3A_111 = arith.cmpi sgt, %jit3A_103, %sign3A_110 : i32
        %sign3A_112 = arith.extui %sign3A_111 : i1 to i32
        %sign3A_113 = arith.constant 0 : i32
        %sign3A_114 = arith.cmpi slt, %jit3A_103, %sign3A_113 : i32
        %sign3A_115 = arith.extui %sign3A_114 : i1 to i32
        %sign3A_116 = arith.subi %sign3A_112, %sign3A_115 : i32
        %ne3A_117 = arith.cmpi ne, %sign3A_109, %sign3A_116 : i32
        %rem3A_118 = arith.remsi %add3A_90, %jit3A_103 : i32
        %ne3A_119 = arith.constant 0 : i32
        %ne3A_120 = arith.cmpi ne, %rem3A_118, %ne3A_119 : i32
        %and3A_121 = arith.andi %ne3A_117, %ne3A_120 : i1
        %sub3A = arith.constant 1 : i32
        %sub3A_122 = arith.subi %div3A, %sub3A : i32
        %select_n3A_123 = arith.select %and3A_121, %sub3A_122, %div3A : i32
        %mul3A_124 = arith.constant 64 : i32
        %mul3A_125 = arith.muli %select_n3A_123, %mul3A_124 : i32
        %add3A_126 = arith.addi %mul3A_102, %mul3A_125 : i32
        %dma_start3A_127 = tpu.memref_slice %arg3[%select_n3A_100, %add3A_126] : memref<8x10240xi32, #tpu.memory_space<hbm>> -> memref<1x64xi32, #tpu.memory_space<hbm>>
        %dma_start3A_128 = tpu.memref_squeeze %dma_start3A_127 : memref<1x64xi32, #tpu.memory_space<hbm>> -> memref<64xi32, #tpu.memory_space<hbm>>
        %dma_start3A_129 = tpu.memref_slice %arg3[%select_n3A_100, %add3A_126] : memref<8x10240xi32, #tpu.memory_space<hbm>> -> memref<1x64xi32, #tpu.memory_space<hbm>>
        %dma_start3A_130 = tpu.memref_squeeze %dma_start3A_129 : memref<1x64xi32, #tpu.memory_space<hbm>> -> memref<64xi32, #tpu.memory_space<hbm>>
        tpu.enqueue_dma source(%dma_start3A_130 : memref<64xi32, #tpu.memory_space<hbm>>) target(%arg6 : memref<64xi32, #tpu.memory_space<vmem>>) target_semaphore(%arg11 : memref<!tpu.dma_semaphore, #tpu.memory_space<semaphore_mem>>)
        %dma_start3A_131 = arith.constant 0 : i32
        %dma_start3A_132 = tpu.memref_slice %arg2[%select_n3A_100, %add3A_126, %dma_start3A_131] : memref<6x10240x128xf32, #tpu.memory_space<hbm>> -> memref<1x64x128xf32, #tpu.memory_space<hbm>>
        %dma_start3A_133 = tpu.memref_squeeze %dma_start3A_132 : memref<1x64x128xf32, #tpu.memory_space<hbm>> -> memref<64x128xf32, #tpu.memory_space<hbm>>
        %dma_start3A_134 = arith.constant 0 : i32
        %dma_start3A_135 = tpu.memref_slice %arg2[%select_n3A_100, %add3A_126, %dma_start3A_134] : memref<6x10240x128xf32, #tpu.memory_space<hbm>> -> memref<1x64x128xf32, #tpu.memory_space<hbm>>
        %dma_start3A_136 = tpu.memref_squeeze %dma_start3A_135 : memref<1x64x128xf32, #tpu.memory_space<hbm>> -> memref<64x128xf32, #tpu.memory_space<hbm>>
        tpu.enqueue_dma source(%dma_start3A_136 : memref<64x128xf32, #tpu.memory_space<hbm>>) target(%arg8 : memref<64x128xf32, #tpu.memory_space<vmem>>) target_semaphore(%arg13 : memref<!tpu.dma_semaphore, #tpu.memory_space<semaphore_mem>>)
      } else {
      }
      %dma_wait3A_66 = arith.constant 0 : i32
      %dma_wait3A_67 = arith.constant 0 : i32
      %dma_wait3A_68 = tpu.memref_slice %arg3[%dma_wait3A_66, %dma_wait3A_67] : memref<8x10240xi32, #tpu.memory_space<hbm>> -> memref<1x64xi32, #tpu.memory_space<hbm>>
      %dma_wait3A_69 = tpu.memref_squeeze %dma_wait3A_68 : memref<1x64xi32, #tpu.memory_space<hbm>> -> memref<64xi32, #tpu.memory_space<hbm>>
      %dma_wait3A_70 = arith.constant 0 : i32
      %dma_wait3A_71 = tpu.memref_slice %arg3[%dma_wait3A_66, %dma_wait3A_70] : memref<8x10240xi32, #tpu.memory_space<hbm>> -> memref<1x64xi32, #tpu.memory_space<hbm>>
      %dma_wait3A_72 = tpu.memref_squeeze %dma_wait3A_71 : memref<1x64xi32, #tpu.memory_space<hbm>> -> memref<64xi32, #tpu.memory_space<hbm>>
      tpu.wait_dma2 semaphore(%arg12 : memref<!tpu.dma_semaphore, #tpu.memory_space<semaphore_mem>>) src(%dma_wait3A_72 : memref<64xi32, #tpu.memory_space<hbm>>) dst(%arg7 : memref<64xi32, #tpu.memory_space<vmem>>)
      %dma_wait3A_73 = arith.constant 0 : i32
      %dma_wait3A_74 = arith.constant 0 : i32
      %dma_wait3A_75 = arith.constant 0 : i32
      %dma_wait3A_76 = tpu.memref_slice %arg2[%dma_wait3A_73, %dma_wait3A_74, %dma_wait3A_75] : memref<6x10240x128xf32, #tpu.memory_space<hbm>> -> memref<1x64x128xf32, #tpu.memory_space<hbm>>
      %dma_wait3A_77 = tpu.memref_squeeze %dma_wait3A_76 : memref<1x64x128xf32, #tpu.memory_space<hbm>> -> memref<64x128xf32, #tpu.memory_space<hbm>>
      %dma_wait3A_78 = arith.constant 0 : i32
      %dma_wait3A_79 = arith.constant 0 : i32
      %dma_wait3A_80 = tpu.memref_slice %arg2[%dma_wait3A_73, %dma_wait3A_78, %dma_wait3A_79] : memref<6x10240x128xf32, #tpu.memory_space<hbm>> -> memref<1x64x128xf32, #tpu.memory_space<hbm>>
      %dma_wait3A_81 = tpu.memref_squeeze %dma_wait3A_80 : memref<1x64x128xf32, #tpu.memory_space<hbm>> -> memref<64x128xf32, #tpu.memory_space<hbm>>
      tpu.wait_dma2 semaphore(%arg14 : memref<!tpu.dma_semaphore, #tpu.memory_space<semaphore_mem>>) src(%dma_wait3A_81 : memref<64x128xf32, #tpu.memory_space<hbm>>) dst(%arg9 : memref<64x128xf32, #tpu.memory_space<vmem>>)
      "tpu.region"() ({
        %run_scoped3A = tpu.sem_alloc : memref<!tpu.dma_semaphore, #tpu.memory_space<semaphore_mem>>
        %dma_start3A_89 = arith.constant 0 : i32
        %dma_start3A_90 = arith.constant 0 : i32
        %dma_start3A_91 = tpu.memref_slice %arg10[%dma_start3A_89, %dma_start3A_90] : memref<3072x128xf32, #tpu.memory_space<vmem_shared>> -> memref<3072x128xf32, #tpu.memory_space<vmem_shared>>
        tpu.enqueue_indirect_dma source(%arg9 : memref<64x128xf32, #tpu.memory_space<vmem>>) target(%dma_start3A_91 : memref<3072x128xf32, #tpu.memory_space<vmem_shared>>) offsets(%arg7 : memref<64xi32, #tpu.memory_space<vmem>>) semaphore(%run_scoped3A : memref<!tpu.dma_semaphore, #tpu.memory_space<semaphore_mem>>) {add = true}
        %dma_wait3A_92 = arith.constant 0 : i32
        %dma_wait3A_93 = arith.constant 0 : i32
        %dma_wait3A_94 = tpu.memref_slice %arg10[%dma_wait3A_92, %dma_wait3A_93] : memref<3072x128xf32, #tpu.memory_space<vmem_shared>> -> memref<3072x128xf32, #tpu.memory_space<vmem_shared>>
        tpu.wait_indirect_dma semaphore(%run_scoped3A : memref<!tpu.dma_semaphore, #tpu.memory_space<semaphore_mem>>) src(%arg9 : memref<64x128xf32, #tpu.memory_space<vmem>>) dst(%dma_wait3A_94 : memref<3072x128xf32, #tpu.memory_space<vmem_shared>>)
        tpu.yield
      }) : () -> ()
      %add3A_82 = arith.constant 1 : i32
      %add3A_83 = arith.addi %scan3A_44, %add3A_82 : i32
      %lt3A_84 = arith.constant 15 : i32
      %lt3A_85 = arith.cmpi slt, %add3A_83, %lt3A_84 : i32
      %convert_element_type3A_86 = arith.extui %lt3A_85 : i1 to i32
      %cond3A_87 = arith.constant 0 : i32
      %cond3A_88 = arith.cmpi ne, %convert_element_type3A_86, %cond3A_87 : i32
      scf.if %cond3A_88 {
        %add3A_89 = arith.constant 3 : i32
        %add3A_90 = arith.addi %mul3A_46, %add3A_89 : i32
        %jit3A = arith.constant 6 : i32
        %eq3A = arith.constant 0 : i32
        %eq3A_91 = arith.cmpi eq, %jit3A, %eq3A : i32
        %jit3A_92 = arith.constant 1 : i32
        %select_n3A = arith.select %eq3A_91, %jit3A_92, %jit3A : i32
        %rem3A = arith.remsi %add3A_90, %select_n3A : i32
        %ne3A = arith.constant 0 : i32
        %ne3A_93 = arith.cmpi ne, %rem3A, %ne3A : i32
        %lt3A_94 = arith.constant 0 : i32
        %lt3A_95 = arith.cmpi slt, %rem3A, %lt3A_94 : i32
        %lt3A_96 = arith.constant 0 : i32
        %lt3A_97 = arith.cmpi slt, %select_n3A, %lt3A_96 : i32
        %ne3A_98 = arith.xori %lt3A_95, %lt3A_97 : i1
        %and3A = arith.andi %ne3A_98, %ne3A_93 : i1
        %add3A_99 = arith.addi %rem3A, %select_n3A : i32
        %select_n3A_100 = arith.select %and3A, %add3A_99, %rem3A : i32
        %mul3A_101 = arith.constant 320 : i32
        %mul3A_102 = arith.muli %add3A, %mul3A_101 : i32
        %jit3A_103 = arith.constant 6 : i32
        %div3A = arith.divsi %add3A_90, %jit3A_103 : i32
        %sign3A = arith.constant 0 : i32
        %sign3A_104 = arith.cmpi sgt, %add3A_90, %sign3A : i32
        %sign3A_105 = arith.extui %sign3A_104 : i1 to i32
        %sign3A_106 = arith.constant 0 : i32
        %sign3A_107 = arith.cmpi slt, %add3A_90, %sign3A_106 : i32
        %sign3A_108 = arith.extui %sign3A_107 : i1 to i32
        %sign3A_109 = arith.subi %sign3A_105, %sign3A_108 : i32
        %sign3A_110 = arith.constant 0 : i32
        %sign3A_111 = arith.cmpi sgt, %jit3A_103, %sign3A_110 : i32
        %sign3A_112 = arith.extui %sign3A_111 : i1 to i32
        %sign3A_113 = arith.constant 0 : i32
        %sign3A_114 = arith.cmpi slt, %jit3A_103, %sign3A_113 : i32
        %sign3A_115 = arith.extui %sign3A_114 : i1 to i32
        %sign3A_116 = arith.subi %sign3A_112, %sign3A_115 : i32
        %ne3A_117 = arith.cmpi ne, %sign3A_109, %sign3A_116 : i32
        %rem3A_118 = arith.remsi %add3A_90, %jit3A_103 : i32
        %ne3A_119 = arith.constant 0 : i32
        %ne3A_120 = arith.cmpi ne, %rem3A_118, %ne3A_119 : i32
        %and3A_121 = arith.andi %ne3A_117, %ne3A_120 : i1
        %sub3A = arith.constant 1 : i32
        %sub3A_122 = arith.subi %div3A, %sub3A : i32
        %select_n3A_123 = arith.select %and3A_121, %sub3A_122, %div3A : i32
        %mul3A_124 = arith.constant 64 : i32
        %mul3A_125 = arith.muli %select_n3A_123, %mul3A_124 : i32
        %add3A_126 = arith.addi %mul3A_102, %mul3A_125 : i32
        %dma_start3A_127 = tpu.memref_slice %arg3[%select_n3A_100, %add3A_126] : memref<8x10240xi32, #tpu.memory_space<hbm>> -> memref<1x64xi32, #tpu.memory_space<hbm>>
        %dma_start3A_128 = tpu.memref_squeeze %dma_start3A_127 : memref<1x64xi32, #tpu.memory_space<hbm>> -> memref<64xi32, #tpu.memory_space<hbm>>
        %dma_start3A_129 = tpu.memref_slice %arg3[%select_n3A_100, %add3A_126] : memref<8x10240xi32, #tpu.memory_space<hbm>> -> memref<1x64xi32, #tpu.memory_space<hbm>>
        %dma_start3A_130 = tpu.memref_squeeze %dma_start3A_129 : memref<1x64xi32, #tpu.memory_space<hbm>> -> memref<64xi32, #tpu.memory_space<hbm>>
        tpu.enqueue_dma source(%dma_start3A_130 : memref<64xi32, #tpu.memory_space<hbm>>) target(%arg7 : memref<64xi32, #tpu.memory_space<vmem>>) target_semaphore(%arg12 : memref<!tpu.dma_semaphore, #tpu.memory_space<semaphore_mem>>)
        %dma_start3A_131 = arith.constant 0 : i32
        %dma_start3A_132 = tpu.memref_slice %arg2[%select_n3A_100, %add3A_126, %dma_start3A_131] : memref<6x10240x128xf32, #tpu.memory_space<hbm>> -> memref<1x64x128xf32, #tpu.memory_space<hbm>>
        %dma_start3A_133 = tpu.memref_squeeze %dma_start3A_132 : memref<1x64x128xf32, #tpu.memory_space<hbm>> -> memref<64x128xf32, #tpu.memory_space<hbm>>
        %dma_start3A_134 = arith.constant 0 : i32
        %dma_start3A_135 = tpu.memref_slice %arg2[%select_n3A_100, %add3A_126, %dma_start3A_134] : memref<6x10240x128xf32, #tpu.memory_space<hbm>> -> memref<1x64x128xf32, #tpu.memory_space<hbm>>
        %dma_start3A_136 = tpu.memref_squeeze %dma_start3A_135 : memref<1x64x128xf32, #tpu.memory_space<hbm>> -> memref<64x128xf32, #tpu.memory_space<hbm>>
        tpu.enqueue_dma source(%dma_start3A_136 : memref<64x128xf32, #tpu.memory_space<hbm>>) target(%arg9 : memref<64x128xf32, #tpu.memory_space<vmem>>) target_semaphore(%arg14 : memref<!tpu.dma_semaphore, #tpu.memory_space<semaphore_mem>>)
      } else {
      }
    }
    %scan3A_38 = arith.constant 15 : i32
    %barrier3A_39 = arith.constant 0 : index
    tpu.barrier barrier_id(%barrier3A_39)
    %mul3A_40 = arith.constant 192 : i32
    %mul3A_41 = arith.muli %mul3A_40, %arg1 : i32
    %mul3A_42 = arith.constant 192 : i32
    %mul3A_43 = arith.muli %mul3A_42, %arg1 : i32
    "tpu.region"() ({
      %run_scoped3A = tpu.sem_alloc : memref<!tpu.dma_semaphore, #tpu.memory_space<semaphore_mem>>
      %dma_start3A_44 = arith.constant 0 : i32
      %dma_start3A_45 = tpu.memref_slice %arg5[%arg0, %mul3A_43, %dma_start3A_44] : memref<2x3072x128xf32, #tpu.memory_space<hbm>> -> memref<1x192x128xf32, #tpu.memory_space<hbm>>
      %dma_start3A_46 = tpu.memref_squeeze %dma_start3A_45 : memref<1x192x128xf32, #tpu.memory_space<hbm>> -> memref<192x128xf32, #tpu.memory_space<hbm>>
      %dma_start3A_47 = arith.constant 0 : i32
      %dma_start3A_48 = tpu.memref_slice %arg10[%mul3A_41, %dma_start3A_47] : memref<3072x128xf32, #tpu.memory_space<vmem_shared>> -> memref<192x128xf32, #tpu.memory_space<vmem_shared>>
      tpu.enqueue_dma source(%dma_start3A_48 : memref<192x128xf32, #tpu.memory_space<vmem_shared>>) target(%dma_start3A_46 : memref<192x128xf32, #tpu.memory_space<hbm>>) target_semaphore(%run_scoped3A : memref<!tpu.dma_semaphore, #tpu.memory_space<semaphore_mem>>)
      %dma_wait3A = arith.constant 0 : i32
      %dma_wait3A_49 = tpu.memref_slice %arg5[%arg0, %mul3A_43, %dma_wait3A] : memref<2x3072x128xf32, #tpu.memory_space<hbm>> -> memref<1x192x128xf32, #tpu.memory_space<hbm>>
      %dma_wait3A_50 = tpu.memref_squeeze %dma_wait3A_49 : memref<1x192x128xf32, #tpu.memory_space<hbm>> -> memref<192x128xf32, #tpu.memory_space<hbm>>
      %dma_wait3A_51 = arith.constant 0 : i32
      %dma_wait3A_52 = tpu.memref_slice %arg10[%mul3A_41, %dma_wait3A_51] : memref<3072x128xf32, #tpu.memory_space<vmem_shared>> -> memref<192x128xf32, #tpu.memory_space<vmem_shared>>
      tpu.wait_dma2 semaphore(%run_scoped3A : memref<!tpu.dma_semaphore, #tpu.memory_space<semaphore_mem>>) src(%dma_wait3A_52 : memref<192x128xf32, #tpu.memory_space<vmem_shared>>) dst(%dma_wait3A_50 : memref<192x128xf32, #tpu.memory_space<hbm>>)
      tpu.yield
    }) : () -> ()
    return
  }
}

#map = affine_map<(d0, d1) -> (0, 0)>
#map1 = affine_map<(d0, d1) -> (0, 0, 0)>
module attributes {stable_mosaic.version = 14 : i64} {
  func.func @_sc_degree(%arg0: i32, %arg1: i32, %arg2: memref<128x128xf32, #tpu.memory_space<hbm>>, %arg3: memref<2560x128xi32, #tpu.memory_space<hbm>>, %arg4: memref<640x128xf32, #tpu.memory_space<hbm>>, %arg5: memref<2x10240x128xf32, #tpu.memory_space<hbm>>, %arg6: memref<40x128xi32, #tpu.memory_space<vmem>>, %arg7: memref<128x128xf32, #tpu.memory_space<vmem>>, %arg8: memref<10240x128xf32, #tpu.memory_space<vmem_shared>>) attributes {dimension_semantics = [#tpu.dimension_semantics<core_parallel>, #tpu.dimension_semantics<subcore_parallel>], iteration_bounds = array<i64: 2, 16>, scalar_prefetch = 0 : i64, scratch_operands = 3 : i64, tpu.core_type = #tpu.core_type<sc_vector_subcore>, window_params = [{transform_indices = #map}, {transform_indices = #map}, {transform_indices = #map}, {transform_indices = #map1}]} {
    %mul3A = arith.constant 2 : i32
    %mul3A_0 = arith.muli %arg1, %mul3A : i32
    %add3A = arith.addi %mul3A_0, %arg0 : i32
    %mul3A_1 = arith.constant 640 : i32
    %mul3A_2 = arith.muli %mul3A_1, %arg1 : i32
    "tpu.region"() ({
      %run_scoped3A = tpu.sem_alloc : memref<!tpu.dma_semaphore, #tpu.memory_space<semaphore_mem>>
      %dma_start3A = arith.constant 0 : i32
      %dma_start3A_27 = tpu.memref_slice %arg8[%mul3A_2, %dma_start3A] : memref<10240x128xf32, #tpu.memory_space<vmem_shared>> -> memref<640x128xf32, #tpu.memory_space<vmem_shared>>
      tpu.enqueue_dma source(%arg4 : memref<640x128xf32, #tpu.memory_space<hbm>>) target(%dma_start3A_27 : memref<640x128xf32, #tpu.memory_space<vmem_shared>>) target_semaphore(%run_scoped3A : memref<!tpu.dma_semaphore, #tpu.memory_space<semaphore_mem>>)
      %dma_wait3A = arith.constant 0 : i32
      %dma_wait3A_28 = tpu.memref_slice %arg8[%mul3A_2, %dma_wait3A] : memref<10240x128xf32, #tpu.memory_space<vmem_shared>> -> memref<640x128xf32, #tpu.memory_space<vmem_shared>>
      tpu.wait_dma2 semaphore(%run_scoped3A : memref<!tpu.dma_semaphore, #tpu.memory_space<semaphore_mem>>) src(%arg4 : memref<640x128xf32, #tpu.memory_space<hbm>>) dst(%dma_wait3A_28 : memref<640x128xf32, #tpu.memory_space<vmem_shared>>)
      tpu.yield
    }) : () -> ()
    "tpu.region"() ({
      %run_scoped3A = tpu.sem_alloc : memref<!tpu.dma_semaphore, #tpu.memory_space<semaphore_mem>>
      tpu.enqueue_dma source(%arg2 : memref<128x128xf32, #tpu.memory_space<hbm>>) target(%arg7 : memref<128x128xf32, #tpu.memory_space<vmem>>) target_semaphore(%run_scoped3A : memref<!tpu.dma_semaphore, #tpu.memory_space<semaphore_mem>>)
      tpu.wait_dma2 semaphore(%run_scoped3A : memref<!tpu.dma_semaphore, #tpu.memory_space<semaphore_mem>>) src(%arg2 : memref<128x128xf32, #tpu.memory_space<hbm>>) dst(%arg7 : memref<128x128xf32, #tpu.memory_space<vmem>>)
      tpu.yield
    }) : () -> ()
    %barrier3A = arith.constant 0 : index
    tpu.barrier barrier_id(%barrier3A)
    %mul3A_3 = arith.constant 80 : i32
    %mul3A_4 = arith.muli %mul3A_3, %add3A : i32
    %add3A_5 = arith.constant 0 : i32
    %add3A_6 = arith.addi %mul3A_4, %add3A_5 : i32
    "tpu.region"() ({
      %run_scoped3A = tpu.sem_alloc : memref<!tpu.dma_semaphore, #tpu.memory_space<semaphore_mem>>
      %dma_start3A = arith.constant 0 : i32
      %dma_start3A_27 = tpu.memref_slice %arg3[%add3A_6, %dma_start3A] : memref<2560x128xi32, #tpu.memory_space<hbm>> -> memref<40x128xi32, #tpu.memory_space<hbm>>
      %dma_start3A_28 = arith.constant 0 : i32
      %dma_start3A_29 = tpu.memref_slice %arg3[%add3A_6, %dma_start3A_28] : memref<2560x128xi32, #tpu.memory_space<hbm>> -> memref<40x128xi32, #tpu.memory_space<hbm>>
      tpu.enqueue_dma source(%dma_start3A_29 : memref<40x128xi32, #tpu.memory_space<hbm>>) target(%arg6 : memref<40x128xi32, #tpu.memory_space<vmem>>) target_semaphore(%run_scoped3A : memref<!tpu.dma_semaphore, #tpu.memory_space<semaphore_mem>>)
      %dma_wait3A = arith.constant 0 : i32
      %dma_wait3A_30 = tpu.memref_slice %arg3[%add3A_6, %dma_wait3A] : memref<2560x128xi32, #tpu.memory_space<hbm>> -> memref<40x128xi32, #tpu.memory_space<hbm>>
      %dma_wait3A_31 = arith.constant 0 : i32
      %dma_wait3A_32 = tpu.memref_slice %arg3[%add3A_6, %dma_wait3A_31] : memref<2560x128xi32, #tpu.memory_space<hbm>> -> memref<40x128xi32, #tpu.memory_space<hbm>>
      tpu.wait_dma2 semaphore(%run_scoped3A : memref<!tpu.dma_semaphore, #tpu.memory_space<semaphore_mem>>) src(%dma_wait3A_32 : memref<40x128xi32, #tpu.memory_space<hbm>>) dst(%arg6 : memref<40x128xi32, #tpu.memory_space<vmem>>)
      tpu.yield
    }) : () -> ()
    %scan3A = arith.constant 0 : i32
    %scan3A_7 = arith.constant 0 : i32
    %scan3A_8 = arith.constant 40 : i32
    %scan3A_9 = arith.addi %scan3A_7, %scan3A_8 : i32
    %scan3A_10 = arith.constant 1 : i32
    scf.for %scan3A_27 = %scan3A_7 to %scan3A_9 step %scan3A_10  : i32 {
      "tpu.region"() ({
        %run_scoped3A = tpu.sem_alloc : memref<!tpu.dma_semaphore, #tpu.memory_space<semaphore_mem>>
        %dma_start3A = arith.constant 0 : i32
        %dma_start3A_28 = tpu.memref_slice %arg6[%scan3A_27, %dma_start3A] : memref<40x128xi32, #tpu.memory_space<vmem>> -> memref<1x128xi32, #tpu.memory_space<vmem>>
        %dma_start3A_29 = tpu.memref_squeeze %dma_start3A_28 : memref<1x128xi32, #tpu.memory_space<vmem>> -> memref<128xi32, #tpu.memory_space<vmem>>
        %dma_start3A_30 = arith.constant 0 : i32
        %dma_start3A_31 = arith.constant 0 : i32
        %dma_start3A_32 = tpu.memref_slice %arg8[%dma_start3A_30, %dma_start3A_31] : memref<10240x128xf32, #tpu.memory_space<vmem_shared>> -> memref<10240x128xf32, #tpu.memory_space<vmem_shared>>
        tpu.enqueue_indirect_dma source(%arg7 : memref<128x128xf32, #tpu.memory_space<vmem>>) target(%dma_start3A_32 : memref<10240x128xf32, #tpu.memory_space<vmem_shared>>) offsets(%dma_start3A_29 : memref<128xi32, #tpu.memory_space<vmem>>) semaphore(%run_scoped3A : memref<!tpu.dma_semaphore, #tpu.memory_space<semaphore_mem>>) {add = true}
        %dma_wait3A = arith.constant 0 : i32
        %dma_wait3A_33 = tpu.memref_slice %arg6[%scan3A_27, %dma_wait3A] : memref<40x128xi32, #tpu.memory_space<vmem>> -> memref<1x128xi32, #tpu.memory_space<vmem>>
        %dma_wait3A_34 = tpu.memref_squeeze %dma_wait3A_33 : memref<1x128xi32, #tpu.memory_space<vmem>> -> memref<128xi32, #tpu.memory_space<vmem>>
        %dma_wait3A_35 = arith.constant 0 : i32
        %dma_wait3A_36 = arith.constant 0 : i32
        %dma_wait3A_37 = tpu.memref_slice %arg8[%dma_wait3A_35, %dma_wait3A_36] : memref<10240x128xf32, #tpu.memory_space<vmem_shared>> -> memref<10240x128xf32, #tpu.memory_space<vmem_shared>>
        tpu.wait_indirect_dma semaphore(%run_scoped3A : memref<!tpu.dma_semaphore, #tpu.memory_space<semaphore_mem>>) src(%arg7 : memref<128x128xf32, #tpu.memory_space<vmem>>) dst(%dma_wait3A_37 : memref<10240x128xf32, #tpu.memory_space<vmem_shared>>)
        tpu.yield
      }) : () -> ()
    }
    %scan3A_11 = arith.constant 40 : i32
    %mul3A_12 = arith.constant 80 : i32
    %mul3A_13 = arith.muli %mul3A_12, %add3A : i32
    %add3A_14 = arith.constant 40 : i32
    %add3A_15 = arith.addi %mul3A_13, %add3A_14 : i32
    "tpu.region"() ({
      %run_scoped3A = tpu.sem_alloc : memref<!tpu.dma_semaphore, #tpu.memory_space<semaphore_mem>>
      %dma_start3A = arith.constant 0 : i32
      %dma_start3A_27 = tpu.memref_slice %arg3[%add3A_15, %dma_start3A] : memref<2560x128xi32, #tpu.memory_space<hbm>> -> memref<40x128xi32, #tpu.memory_space<hbm>>
      %dma_start3A_28 = arith.constant 0 : i32
      %dma_start3A_29 = tpu.memref_slice %arg3[%add3A_15, %dma_start3A_28] : memref<2560x128xi32, #tpu.memory_space<hbm>> -> memref<40x128xi32, #tpu.memory_space<hbm>>
      tpu.enqueue_dma source(%dma_start3A_29 : memref<40x128xi32, #tpu.memory_space<hbm>>) target(%arg6 : memref<40x128xi32, #tpu.memory_space<vmem>>) target_semaphore(%run_scoped3A : memref<!tpu.dma_semaphore, #tpu.memory_space<semaphore_mem>>)
      %dma_wait3A = arith.constant 0 : i32
      %dma_wait3A_30 = tpu.memref_slice %arg3[%add3A_15, %dma_wait3A] : memref<2560x128xi32, #tpu.memory_space<hbm>> -> memref<40x128xi32, #tpu.memory_space<hbm>>
      %dma_wait3A_31 = arith.constant 0 : i32
      %dma_wait3A_32 = tpu.memref_slice %arg3[%add3A_15, %dma_wait3A_31] : memref<2560x128xi32, #tpu.memory_space<hbm>> -> memref<40x128xi32, #tpu.memory_space<hbm>>
      tpu.wait_dma2 semaphore(%run_scoped3A : memref<!tpu.dma_semaphore, #tpu.memory_space<semaphore_mem>>) src(%dma_wait3A_32 : memref<40x128xi32, #tpu.memory_space<hbm>>) dst(%arg6 : memref<40x128xi32, #tpu.memory_space<vmem>>)
      tpu.yield
    }) : () -> ()
    %scan3A_16 = arith.constant 0 : i32
    %scan3A_17 = arith.constant 0 : i32
    %scan3A_18 = arith.constant 40 : i32
    %scan3A_19 = arith.addi %scan3A_17, %scan3A_18 : i32
    %scan3A_20 = arith.constant 1 : i32
    scf.for %scan3A_27 = %scan3A_17 to %scan3A_19 step %scan3A_20  : i32 {
      "tpu.region"() ({
        %run_scoped3A = tpu.sem_alloc : memref<!tpu.dma_semaphore, #tpu.memory_space<semaphore_mem>>
        %dma_start3A = arith.constant 0 : i32
        %dma_start3A_28 = tpu.memref_slice %arg6[%scan3A_27, %dma_start3A] : memref<40x128xi32, #tpu.memory_space<vmem>> -> memref<1x128xi32, #tpu.memory_space<vmem>>
        %dma_start3A_29 = tpu.memref_squeeze %dma_start3A_28 : memref<1x128xi32, #tpu.memory_space<vmem>> -> memref<128xi32, #tpu.memory_space<vmem>>
        %dma_start3A_30 = arith.constant 0 : i32
        %dma_start3A_31 = arith.constant 0 : i32
        %dma_start3A_32 = tpu.memref_slice %arg8[%dma_start3A_30, %dma_start3A_31] : memref<10240x128xf32, #tpu.memory_space<vmem_shared>> -> memref<10240x128xf32, #tpu.memory_space<vmem_shared>>
        tpu.enqueue_indirect_dma source(%arg7 : memref<128x128xf32, #tpu.memory_space<vmem>>) target(%dma_start3A_32 : memref<10240x128xf32, #tpu.memory_space<vmem_shared>>) offsets(%dma_start3A_29 : memref<128xi32, #tpu.memory_space<vmem>>) semaphore(%run_scoped3A : memref<!tpu.dma_semaphore, #tpu.memory_space<semaphore_mem>>) {add = true}
        %dma_wait3A = arith.constant 0 : i32
        %dma_wait3A_33 = tpu.memref_slice %arg6[%scan3A_27, %dma_wait3A] : memref<40x128xi32, #tpu.memory_space<vmem>> -> memref<1x128xi32, #tpu.memory_space<vmem>>
        %dma_wait3A_34 = tpu.memref_squeeze %dma_wait3A_33 : memref<1x128xi32, #tpu.memory_space<vmem>> -> memref<128xi32, #tpu.memory_space<vmem>>
        %dma_wait3A_35 = arith.constant 0 : i32
        %dma_wait3A_36 = arith.constant 0 : i32
        %dma_wait3A_37 = tpu.memref_slice %arg8[%dma_wait3A_35, %dma_wait3A_36] : memref<10240x128xf32, #tpu.memory_space<vmem_shared>> -> memref<10240x128xf32, #tpu.memory_space<vmem_shared>>
        tpu.wait_indirect_dma semaphore(%run_scoped3A : memref<!tpu.dma_semaphore, #tpu.memory_space<semaphore_mem>>) src(%arg7 : memref<128x128xf32, #tpu.memory_space<vmem>>) dst(%dma_wait3A_37 : memref<10240x128xf32, #tpu.memory_space<vmem_shared>>)
        tpu.yield
      }) : () -> ()
    }
    %scan3A_21 = arith.constant 40 : i32
    %barrier3A_22 = arith.constant 0 : index
    tpu.barrier barrier_id(%barrier3A_22)
    %mul3A_23 = arith.constant 640 : i32
    %mul3A_24 = arith.muli %mul3A_23, %arg1 : i32
    %mul3A_25 = arith.constant 640 : i32
    %mul3A_26 = arith.muli %mul3A_25, %arg1 : i32
    "tpu.region"() ({
      %run_scoped3A = tpu.sem_alloc : memref<!tpu.dma_semaphore, #tpu.memory_space<semaphore_mem>>
      %dma_start3A = arith.constant 0 : i32
      %dma_start3A_27 = tpu.memref_slice %arg5[%arg0, %mul3A_26, %dma_start3A] : memref<2x10240x128xf32, #tpu.memory_space<hbm>> -> memref<1x640x128xf32, #tpu.memory_space<hbm>>
      %dma_start3A_28 = tpu.memref_squeeze %dma_start3A_27 : memref<1x640x128xf32, #tpu.memory_space<hbm>> -> memref<640x128xf32, #tpu.memory_space<hbm>>
      %dma_start3A_29 = arith.constant 0 : i32
      %dma_start3A_30 = tpu.memref_slice %arg8[%mul3A_24, %dma_start3A_29] : memref<10240x128xf32, #tpu.memory_space<vmem_shared>> -> memref<640x128xf32, #tpu.memory_space<vmem_shared>>
      tpu.enqueue_dma source(%dma_start3A_30 : memref<640x128xf32, #tpu.memory_space<vmem_shared>>) target(%dma_start3A_28 : memref<640x128xf32, #tpu.memory_space<hbm>>) target_semaphore(%run_scoped3A : memref<!tpu.dma_semaphore, #tpu.memory_space<semaphore_mem>>)
      %dma_wait3A = arith.constant 0 : i32
      %dma_wait3A_31 = tpu.memref_slice %arg5[%arg0, %mul3A_26, %dma_wait3A] : memref<2x10240x128xf32, #tpu.memory_space<hbm>> -> memref<1x640x128xf32, #tpu.memory_space<hbm>>
      %dma_wait3A_32 = tpu.memref_squeeze %dma_wait3A_31 : memref<1x640x128xf32, #tpu.memory_space<hbm>> -> memref<640x128xf32, #tpu.memory_space<hbm>>
      %dma_wait3A_33 = arith.constant 0 : i32
      %dma_wait3A_34 = tpu.memref_slice %arg8[%mul3A_24, %dma_wait3A_33] : memref<10240x128xf32, #tpu.memory_space<vmem_shared>> -> memref<640x128xf32, #tpu.memory_space<vmem_shared>>
      tpu.wait_dma2 semaphore(%run_scoped3A : memref<!tpu.dma_semaphore, #tpu.memory_space<semaphore_mem>>) src(%dma_wait3A_34 : memref<640x128xf32, #tpu.memory_space<vmem_shared>>) dst(%dma_wait3A_32 : memref<640x128xf32, #tpu.memory_space<hbm>>)
      tpu.yield
    }) : () -> ()
    return
  }
}

#map = affine_map<(d0, d1) -> (0, 0)>
#map1 = affine_map<(d0, d1) -> (0, 0, 0)>
module attributes {stable_mosaic.version = 14 : i64} {
  func.func @_sc_edge_agg(%arg0: i32, %arg1: i32, %arg2: memref<10240x128xf32, #tpu.memory_space<hbm>>, %arg3: memref<2560x128xi32, #tpu.memory_space<hbm>>, %arg4: memref<2560x128xi32, #tpu.memory_space<hbm>>, %arg5: memref<640x128xf32, #tpu.memory_space<hbm>>, %arg6: memref<2x10240x128xf32, #tpu.memory_space<hbm>>, %arg7: memref<40x128xi32, #tpu.memory_space<vmem>>, %arg8: memref<40x128xi32, #tpu.memory_space<vmem>>, %arg9: memref<128x128xf32, #tpu.memory_space<vmem>>, %arg10: memref<128x128xf32, #tpu.memory_space<vmem>>, %arg11: memref<10240x128xf32, #tpu.memory_space<vmem_shared>>, %arg12: memref<!tpu.dma_semaphore, #tpu.memory_space<semaphore_mem>>, %arg13: memref<!tpu.dma_semaphore, #tpu.memory_space<semaphore_mem>>) attributes {dimension_semantics = [#tpu.dimension_semantics<core_parallel>, #tpu.dimension_semantics<subcore_parallel>], iteration_bounds = array<i64: 2, 16>, scalar_prefetch = 0 : i64, scratch_operands = 7 : i64, tpu.core_type = #tpu.core_type<sc_vector_subcore>, window_params = [{transform_indices = #map}, {transform_indices = #map}, {transform_indices = #map}, {transform_indices = #map}, {transform_indices = #map1}]} {
    %mul3A = arith.constant 2 : i32
    %mul3A_0 = arith.muli %arg1, %mul3A : i32
    %add3A = arith.addi %mul3A_0, %arg0 : i32
    %mul3A_1 = arith.constant 640 : i32
    %mul3A_2 = arith.muli %mul3A_1, %arg1 : i32
    "tpu.region"() ({
      %run_scoped3A = tpu.sem_alloc : memref<!tpu.dma_semaphore, #tpu.memory_space<semaphore_mem>>
      %dma_start3A_54 = arith.constant 0 : i32
      %dma_start3A_55 = tpu.memref_slice %arg11[%mul3A_2, %dma_start3A_54] : memref<10240x128xf32, #tpu.memory_space<vmem_shared>> -> memref<640x128xf32, #tpu.memory_space<vmem_shared>>
      tpu.enqueue_dma source(%arg5 : memref<640x128xf32, #tpu.memory_space<hbm>>) target(%dma_start3A_55 : memref<640x128xf32, #tpu.memory_space<vmem_shared>>) target_semaphore(%run_scoped3A : memref<!tpu.dma_semaphore, #tpu.memory_space<semaphore_mem>>)
      %dma_wait3A = arith.constant 0 : i32
      %dma_wait3A_56 = tpu.memref_slice %arg11[%mul3A_2, %dma_wait3A] : memref<10240x128xf32, #tpu.memory_space<vmem_shared>> -> memref<640x128xf32, #tpu.memory_space<vmem_shared>>
      tpu.wait_dma2 semaphore(%run_scoped3A : memref<!tpu.dma_semaphore, #tpu.memory_space<semaphore_mem>>) src(%arg5 : memref<640x128xf32, #tpu.memory_space<hbm>>) dst(%dma_wait3A_56 : memref<640x128xf32, #tpu.memory_space<vmem_shared>>)
      tpu.yield
    }) : () -> ()
    %barrier3A = arith.constant 0 : index
    tpu.barrier barrier_id(%barrier3A)
    %mul3A_3 = arith.constant 80 : i32
    %mul3A_4 = arith.muli %mul3A_3, %add3A : i32
    %add3A_5 = arith.constant 0 : i32
    %add3A_6 = arith.addi %mul3A_4, %add3A_5 : i32
    "tpu.region"() ({
      %run_scoped3A = tpu.sem_alloc : memref<!tpu.dma_semaphore, #tpu.memory_space<semaphore_mem>>
      %dma_start3A_54 = arith.constant 0 : i32
      %dma_start3A_55 = tpu.memref_slice %arg3[%add3A_6, %dma_start3A_54] : memref<2560x128xi32, #tpu.memory_space<hbm>> -> memref<40x128xi32, #tpu.memory_space<hbm>>
      %dma_start3A_56 = arith.constant 0 : i32
      %dma_start3A_57 = tpu.memref_slice %arg3[%add3A_6, %dma_start3A_56] : memref<2560x128xi32, #tpu.memory_space<hbm>> -> memref<40x128xi32, #tpu.memory_space<hbm>>
      tpu.enqueue_dma source(%dma_start3A_57 : memref<40x128xi32, #tpu.memory_space<hbm>>) target(%arg7 : memref<40x128xi32, #tpu.memory_space<vmem>>) target_semaphore(%run_scoped3A : memref<!tpu.dma_semaphore, #tpu.memory_space<semaphore_mem>>)
      %dma_wait3A = arith.constant 0 : i32
      %dma_wait3A_58 = tpu.memref_slice %arg3[%add3A_6, %dma_wait3A] : memref<2560x128xi32, #tpu.memory_space<hbm>> -> memref<40x128xi32, #tpu.memory_space<hbm>>
      %dma_wait3A_59 = arith.constant 0 : i32
      %dma_wait3A_60 = tpu.memref_slice %arg3[%add3A_6, %dma_wait3A_59] : memref<2560x128xi32, #tpu.memory_space<hbm>> -> memref<40x128xi32, #tpu.memory_space<hbm>>
      tpu.wait_dma2 semaphore(%run_scoped3A : memref<!tpu.dma_semaphore, #tpu.memory_space<semaphore_mem>>) src(%dma_wait3A_60 : memref<40x128xi32, #tpu.memory_space<hbm>>) dst(%arg7 : memref<40x128xi32, #tpu.memory_space<vmem>>)
      tpu.yield
    }) : () -> ()
    "tpu.region"() ({
      %run_scoped3A = tpu.sem_alloc : memref<!tpu.dma_semaphore, #tpu.memory_space<semaphore_mem>>
      %dma_start3A_54 = arith.constant 0 : i32
      %dma_start3A_55 = tpu.memref_slice %arg4[%add3A_6, %dma_start3A_54] : memref<2560x128xi32, #tpu.memory_space<hbm>> -> memref<40x128xi32, #tpu.memory_space<hbm>>
      %dma_start3A_56 = arith.constant 0 : i32
      %dma_start3A_57 = tpu.memref_slice %arg4[%add3A_6, %dma_start3A_56] : memref<2560x128xi32, #tpu.memory_space<hbm>> -> memref<40x128xi32, #tpu.memory_space<hbm>>
      tpu.enqueue_dma source(%dma_start3A_57 : memref<40x128xi32, #tpu.memory_space<hbm>>) target(%arg8 : memref<40x128xi32, #tpu.memory_space<vmem>>) target_semaphore(%run_scoped3A : memref<!tpu.dma_semaphore, #tpu.memory_space<semaphore_mem>>)
      %dma_wait3A = arith.constant 0 : i32
      %dma_wait3A_58 = tpu.memref_slice %arg4[%add3A_6, %dma_wait3A] : memref<2560x128xi32, #tpu.memory_space<hbm>> -> memref<40x128xi32, #tpu.memory_space<hbm>>
      %dma_wait3A_59 = arith.constant 0 : i32
      %dma_wait3A_60 = tpu.memref_slice %arg4[%add3A_6, %dma_wait3A_59] : memref<2560x128xi32, #tpu.memory_space<hbm>> -> memref<40x128xi32, #tpu.memory_space<hbm>>
      tpu.wait_dma2 semaphore(%run_scoped3A : memref<!tpu.dma_semaphore, #tpu.memory_space<semaphore_mem>>) src(%dma_wait3A_60 : memref<40x128xi32, #tpu.memory_space<hbm>>) dst(%arg8 : memref<40x128xi32, #tpu.memory_space<vmem>>)
      tpu.yield
    }) : () -> ()
    %dma_start3A = arith.constant 0 : i32
    %dma_start3A_7 = arith.constant 0 : i32
    %dma_start3A_8 = tpu.memref_slice %arg7[%dma_start3A, %dma_start3A_7] : memref<40x128xi32, #tpu.memory_space<vmem>> -> memref<1x128xi32, #tpu.memory_space<vmem>>
    %dma_start3A_9 = tpu.memref_squeeze %dma_start3A_8 : memref<1x128xi32, #tpu.memory_space<vmem>> -> memref<128xi32, #tpu.memory_space<vmem>>
    %dma_start3A_10 = arith.constant 0 : i32
    %dma_start3A_11 = arith.constant 0 : i32
    %dma_start3A_12 = tpu.memref_slice %arg2[%dma_start3A_10, %dma_start3A_11] : memref<10240x128xf32, #tpu.memory_space<hbm>> -> memref<10240x128xf32, #tpu.memory_space<hbm>>
    tpu.enqueue_indirect_dma source(%dma_start3A_12 : memref<10240x128xf32, #tpu.memory_space<hbm>>) target(%arg9 : memref<128x128xf32, #tpu.memory_space<vmem>>) offsets(%dma_start3A_9 : memref<128xi32, #tpu.memory_space<vmem>>) semaphore(%arg12 : memref<!tpu.dma_semaphore, #tpu.memory_space<semaphore_mem>>)
    %dma_start3A_13 = arith.constant 1 : i32
    %dma_start3A_14 = arith.constant 0 : i32
    %dma_start3A_15 = tpu.memref_slice %arg7[%dma_start3A_13, %dma_start3A_14] : memref<40x128xi32, #tpu.memory_space<vmem>> -> memref<1x128xi32, #tpu.memory_space<vmem>>
    %dma_start3A_16 = tpu.memref_squeeze %dma_start3A_15 : memref<1x128xi32, #tpu.memory_space<vmem>> -> memref<128xi32, #tpu.memory_space<vmem>>
    %dma_start3A_17 = arith.constant 0 : i32
    %dma_start3A_18 = arith.constant 0 : i32
    %dma_start3A_19 = tpu.memref_slice %arg2[%dma_start3A_17, %dma_start3A_18] : memref<10240x128xf32, #tpu.memory_space<hbm>> -> memref<10240x128xf32, #tpu.memory_space<hbm>>
    tpu.enqueue_indirect_dma source(%dma_start3A_19 : memref<10240x128xf32, #tpu.memory_space<hbm>>) target(%arg10 : memref<128x128xf32, #tpu.memory_space<vmem>>) offsets(%dma_start3A_16 : memref<128xi32, #tpu.memory_space<vmem>>) semaphore(%arg13 : memref<!tpu.dma_semaphore, #tpu.memory_space<semaphore_mem>>)
    %scan3A = arith.constant 0 : i32
    %scan3A_20 = arith.constant 0 : i32
    %scan3A_21 = arith.constant 20 : i32
    %scan3A_22 = arith.addi %scan3A_20, %scan3A_21 : i32
    %scan3A_23 = arith.constant 1 : i32
    scf.for %scan3A_54 = %scan3A_20 to %scan3A_22 step %scan3A_23  : i32 {
      %mul3A_55 = arith.constant 2 : i32
      %mul3A_56 = arith.muli %mul3A_55, %scan3A_54 : i32
      %dma_wait3A = arith.constant 0 : i32
      %dma_wait3A_57 = arith.constant 0 : i32
      %dma_wait3A_58 = tpu.memref_slice %arg7[%dma_wait3A, %dma_wait3A_57] : memref<40x128xi32, #tpu.memory_space<vmem>> -> memref<1x128xi32, #tpu.memory_space<vmem>>
      %dma_wait3A_59 = tpu.memref_squeeze %dma_wait3A_58 : memref<1x128xi32, #tpu.memory_space<vmem>> -> memref<128xi32, #tpu.memory_space<vmem>>
      %dma_wait3A_60 = arith.constant 0 : i32
      %dma_wait3A_61 = arith.constant 0 : i32
      %dma_wait3A_62 = tpu.memref_slice %arg2[%dma_wait3A_60, %dma_wait3A_61] : memref<10240x128xf32, #tpu.memory_space<hbm>> -> memref<10240x128xf32, #tpu.memory_space<hbm>>
      tpu.wait_indirect_dma semaphore(%arg12 : memref<!tpu.dma_semaphore, #tpu.memory_space<semaphore_mem>>) src(%dma_wait3A_62 : memref<10240x128xf32, #tpu.memory_space<hbm>>) dst(%arg9 : memref<128x128xf32, #tpu.memory_space<vmem>>)
      "tpu.region"() ({
        %run_scoped3A = tpu.sem_alloc : memref<!tpu.dma_semaphore, #tpu.memory_space<semaphore_mem>>
        %dma_start3A_83 = arith.constant 0 : i32
        %dma_start3A_84 = tpu.memref_slice %arg8[%mul3A_56, %dma_start3A_83] : memref<40x128xi32, #tpu.memory_space<vmem>> -> memref<1x128xi32, #tpu.memory_space<vmem>>
        %dma_start3A_85 = tpu.memref_squeeze %dma_start3A_84 : memref<1x128xi32, #tpu.memory_space<vmem>> -> memref<128xi32, #tpu.memory_space<vmem>>
        %dma_start3A_86 = arith.constant 0 : i32
        %dma_start3A_87 = arith.constant 0 : i32
        %dma_start3A_88 = tpu.memref_slice %arg11[%dma_start3A_86, %dma_start3A_87] : memref<10240x128xf32, #tpu.memory_space<vmem_shared>> -> memref<10240x128xf32, #tpu.memory_space<vmem_shared>>
        tpu.enqueue_indirect_dma source(%arg9 : memref<128x128xf32, #tpu.memory_space<vmem>>) target(%dma_start3A_88 : memref<10240x128xf32, #tpu.memory_space<vmem_shared>>) offsets(%dma_start3A_85 : memref<128xi32, #tpu.memory_space<vmem>>) semaphore(%run_scoped3A : memref<!tpu.dma_semaphore, #tpu.memory_space<semaphore_mem>>) {add = true}
        %dma_wait3A_89 = arith.constant 0 : i32
        %dma_wait3A_90 = tpu.memref_slice %arg8[%mul3A_56, %dma_wait3A_89] : memref<40x128xi32, #tpu.memory_space<vmem>> -> memref<1x128xi32, #tpu.memory_space<vmem>>
        %dma_wait3A_91 = tpu.memref_squeeze %dma_wait3A_90 : memref<1x128xi32, #tpu.memory_space<vmem>> -> memref<128xi32, #tpu.memory_space<vmem>>
        %dma_wait3A_92 = arith.constant 0 : i32
        %dma_wait3A_93 = arith.constant 0 : i32
        %dma_wait3A_94 = tpu.memref_slice %arg11[%dma_wait3A_92, %dma_wait3A_93] : memref<10240x128xf32, #tpu.memory_space<vmem_shared>> -> memref<10240x128xf32, #tpu.memory_space<vmem_shared>>
        tpu.wait_indirect_dma semaphore(%run_scoped3A : memref<!tpu.dma_semaphore, #tpu.memory_space<semaphore_mem>>) src(%arg9 : memref<128x128xf32, #tpu.memory_space<vmem>>) dst(%dma_wait3A_94 : memref<10240x128xf32, #tpu.memory_space<vmem_shared>>)
        tpu.yield
      }) : () -> ()
      %add3A_63 = arith.constant 1 : i32
      %add3A_64 = arith.addi %scan3A_54, %add3A_63 : i32
      %lt3A = arith.constant 20 : i32
      %lt3A_65 = arith.cmpi slt, %add3A_64, %lt3A : i32
      %convert_element_type3A = arith.extui %lt3A_65 : i1 to i32
      %cond3A = arith.constant 0 : i32
      %cond3A_66 = arith.cmpi ne, %convert_element_type3A, %cond3A : i32
      scf.if %cond3A_66 {
        %add3A_83 = arith.constant 2 : i32
        %add3A_84 = arith.addi %mul3A_56, %add3A_83 : i32
        %dma_start3A_85 = arith.constant 0 : i32
        %dma_start3A_86 = tpu.memref_slice %arg7[%add3A_84, %dma_start3A_85] : memref<40x128xi32, #tpu.memory_space<vmem>> -> memref<1x128xi32, #tpu.memory_space<vmem>>
        %dma_start3A_87 = tpu.memref_squeeze %dma_start3A_86 : memref<1x128xi32, #tpu.memory_space<vmem>> -> memref<128xi32, #tpu.memory_space<vmem>>
        %dma_start3A_88 = arith.constant 0 : i32
        %dma_start3A_89 = arith.constant 0 : i32
        %dma_start3A_90 = tpu.memref_slice %arg2[%dma_start3A_88, %dma_start3A_89] : memref<10240x128xf32, #tpu.memory_space<hbm>> -> memref<10240x128xf32, #tpu.memory_space<hbm>>
        tpu.enqueue_indirect_dma source(%dma_start3A_90 : memref<10240x128xf32, #tpu.memory_space<hbm>>) target(%arg9 : memref<128x128xf32, #tpu.memory_space<vmem>>) offsets(%dma_start3A_87 : memref<128xi32, #tpu.memory_space<vmem>>) semaphore(%arg12 : memref<!tpu.dma_semaphore, #tpu.memory_space<semaphore_mem>>)
      } else {
      }
      %dma_wait3A_67 = arith.constant 1 : i32
      %dma_wait3A_68 = arith.constant 0 : i32
      %dma_wait3A_69 = tpu.memref_slice %arg7[%dma_wait3A_67, %dma_wait3A_68] : memref<40x128xi32, #tpu.memory_space<vmem>> -> memref<1x128xi32, #tpu.memory_space<vmem>>
      %dma_wait3A_70 = tpu.memref_squeeze %dma_wait3A_69 : memref<1x128xi32, #tpu.memory_space<vmem>> -> memref<128xi32, #tpu.memory_space<vmem>>
      %dma_wait3A_71 = arith.constant 0 : i32
      %dma_wait3A_72 = arith.constant 0 : i32
      %dma_wait3A_73 = tpu.memref_slice %arg2[%dma_wait3A_71, %dma_wait3A_72] : memref<10240x128xf32, #tpu.memory_space<hbm>> -> memref<10240x128xf32, #tpu.memory_space<hbm>>
      tpu.wait_indirect_dma semaphore(%arg13 : memref<!tpu.dma_semaphore, #tpu.memory_space<semaphore_mem>>) src(%dma_wait3A_73 : memref<10240x128xf32, #tpu.memory_space<hbm>>) dst(%arg10 : memref<128x128xf32, #tpu.memory_space<vmem>>)
      %add3A_74 = arith.constant 1 : i32
      %add3A_75 = arith.addi %mul3A_56, %add3A_74 : i32
      "tpu.region"() ({
        %run_scoped3A = tpu.sem_alloc : memref<!tpu.dma_semaphore, #tpu.memory_space<semaphore_mem>>
        %dma_start3A_83 = arith.constant 0 : i32
        %dma_start3A_84 = tpu.memref_slice %arg8[%add3A_75, %dma_start3A_83] : memref<40x128xi32, #tpu.memory_space<vmem>> -> memref<1x128xi32, #tpu.memory_space<vmem>>
        %dma_start3A_85 = tpu.memref_squeeze %dma_start3A_84 : memref<1x128xi32, #tpu.memory_space<vmem>> -> memref<128xi32, #tpu.memory_space<vmem>>
        %dma_start3A_86 = arith.constant 0 : i32
        %dma_start3A_87 = arith.constant 0 : i32
        %dma_start3A_88 = tpu.memref_slice %arg11[%dma_start3A_86, %dma_start3A_87] : memref<10240x128xf32, #tpu.memory_space<vmem_shared>> -> memref<10240x128xf32, #tpu.memory_space<vmem_shared>>
        tpu.enqueue_indirect_dma source(%arg10 : memref<128x128xf32, #tpu.memory_space<vmem>>) target(%dma_start3A_88 : memref<10240x128xf32, #tpu.memory_space<vmem_shared>>) offsets(%dma_start3A_85 : memref<128xi32, #tpu.memory_space<vmem>>) semaphore(%run_scoped3A : memref<!tpu.dma_semaphore, #tpu.memory_space<semaphore_mem>>) {add = true}
        %dma_wait3A_89 = arith.constant 0 : i32
        %dma_wait3A_90 = tpu.memref_slice %arg8[%add3A_75, %dma_wait3A_89] : memref<40x128xi32, #tpu.memory_space<vmem>> -> memref<1x128xi32, #tpu.memory_space<vmem>>
        %dma_wait3A_91 = tpu.memref_squeeze %dma_wait3A_90 : memref<1x128xi32, #tpu.memory_space<vmem>> -> memref<128xi32, #tpu.memory_space<vmem>>
        %dma_wait3A_92 = arith.constant 0 : i32
        %dma_wait3A_93 = arith.constant 0 : i32
        %dma_wait3A_94 = tpu.memref_slice %arg11[%dma_wait3A_92, %dma_wait3A_93] : memref<10240x128xf32, #tpu.memory_space<vmem_shared>> -> memref<10240x128xf32, #tpu.memory_space<vmem_shared>>
        tpu.wait_indirect_dma semaphore(%run_scoped3A : memref<!tpu.dma_semaphore, #tpu.memory_space<semaphore_mem>>) src(%arg10 : memref<128x128xf32, #tpu.memory_space<vmem>>) dst(%dma_wait3A_94 : memref<10240x128xf32, #tpu.memory_space<vmem_shared>>)
        tpu.yield
      }) : () -> ()
      %add3A_76 = arith.constant 1 : i32
      %add3A_77 = arith.addi %scan3A_54, %add3A_76 : i32
      %lt3A_78 = arith.constant 20 : i32
      %lt3A_79 = arith.cmpi slt, %add3A_77, %lt3A_78 : i32
      %convert_element_type3A_80 = arith.extui %lt3A_79 : i1 to i32
      %cond3A_81 = arith.constant 0 : i32
      %cond3A_82 = arith.cmpi ne, %convert_element_type3A_80, %cond3A_81 : i32
      scf.if %cond3A_82 {
        %add3A_83 = arith.constant 3 : i32
        %add3A_84 = arith.addi %mul3A_56, %add3A_83 : i32
        %dma_start3A_85 = arith.constant 0 : i32
        %dma_start3A_86 = tpu.memref_slice %arg7[%add3A_84, %dma_start3A_85] : memref<40x128xi32, #tpu.memory_space<vmem>> -> memref<1x128xi32, #tpu.memory_space<vmem>>
        %dma_start3A_87 = tpu.memref_squeeze %dma_start3A_86 : memref<1x128xi32, #tpu.memory_space<vmem>> -> memref<128xi32, #tpu.memory_space<vmem>>
        %dma_start3A_88 = arith.constant 0 : i32
        %dma_start3A_89 = arith.constant 0 : i32
        %dma_start3A_90 = tpu.memref_slice %arg2[%dma_start3A_88, %dma_start3A_89] : memref<10240x128xf32, #tpu.memory_space<hbm>> -> memref<10240x128xf32, #tpu.memory_space<hbm>>
        tpu.enqueue_indirect_dma source(%dma_start3A_90 : memref<10240x128xf32, #tpu.memory_space<hbm>>) target(%arg10 : memref<128x128xf32, #tpu.memory_space<vmem>>) offsets(%dma_start3A_87 : memref<128xi32, #tpu.memory_space<vmem>>) semaphore(%arg13 : memref<!tpu.dma_semaphore, #tpu.memory_space<semaphore_mem>>)
      } else {
      }
    }
    %scan3A_24 = arith.constant 20 : i32
    %mul3A_25 = arith.constant 80 : i32
    %mul3A_26 = arith.muli %mul3A_25, %add3A : i32
    %add3A_27 = arith.constant 40 : i32
    %add3A_28 = arith.addi %mul3A_26, %add3A_27 : i32
    "tpu.region"() ({
      %run_scoped3A = tpu.sem_alloc : memref<!tpu.dma_semaphore, #tpu.memory_space<semaphore_mem>>
      %dma_start3A_54 = arith.constant 0 : i32
      %dma_start3A_55 = tpu.memref_slice %arg3[%add3A_28, %dma_start3A_54] : memref<2560x128xi32, #tpu.memory_space<hbm>> -> memref<40x128xi32, #tpu.memory_space<hbm>>
      %dma_start3A_56 = arith.constant 0 : i32
      %dma_start3A_57 = tpu.memref_slice %arg3[%add3A_28, %dma_start3A_56] : memref<2560x128xi32, #tpu.memory_space<hbm>> -> memref<40x128xi32, #tpu.memory_space<hbm>>
      tpu.enqueue_dma source(%dma_start3A_57 : memref<40x128xi32, #tpu.memory_space<hbm>>) target(%arg7 : memref<40x128xi32, #tpu.memory_space<vmem>>) target_semaphore(%run_scoped3A : memref<!tpu.dma_semaphore, #tpu.memory_space<semaphore_mem>>)
      %dma_wait3A = arith.constant 0 : i32
      %dma_wait3A_58 = tpu.memref_slice %arg3[%add3A_28, %dma_wait3A] : memref<2560x128xi32, #tpu.memory_space<hbm>> -> memref<40x128xi32, #tpu.memory_space<hbm>>
      %dma_wait3A_59 = arith.constant 0 : i32
      %dma_wait3A_60 = tpu.memref_slice %arg3[%add3A_28, %dma_wait3A_59] : memref<2560x128xi32, #tpu.memory_space<hbm>> -> memref<40x128xi32, #tpu.memory_space<hbm>>
      tpu.wait_dma2 semaphore(%run_scoped3A : memref<!tpu.dma_semaphore, #tpu.memory_space<semaphore_mem>>) src(%dma_wait3A_60 : memref<40x128xi32, #tpu.memory_space<hbm>>) dst(%arg7 : memref<40x128xi32, #tpu.memory_space<vmem>>)
      tpu.yield
    }) : () -> ()
    "tpu.region"() ({
      %run_scoped3A = tpu.sem_alloc : memref<!tpu.dma_semaphore, #tpu.memory_space<semaphore_mem>>
      %dma_start3A_54 = arith.constant 0 : i32
      %dma_start3A_55 = tpu.memref_slice %arg4[%add3A_28, %dma_start3A_54] : memref<2560x128xi32, #tpu.memory_space<hbm>> -> memref<40x128xi32, #tpu.memory_space<hbm>>
      %dma_start3A_56 = arith.constant 0 : i32
      %dma_start3A_57 = tpu.memref_slice %arg4[%add3A_28, %dma_start3A_56] : memref<2560x128xi32, #tpu.memory_space<hbm>> -> memref<40x128xi32, #tpu.memory_space<hbm>>
      tpu.enqueue_dma source(%dma_start3A_57 : memref<40x128xi32, #tpu.memory_space<hbm>>) target(%arg8 : memref<40x128xi32, #tpu.memory_space<vmem>>) target_semaphore(%run_scoped3A : memref<!tpu.dma_semaphore, #tpu.memory_space<semaphore_mem>>)
      %dma_wait3A = arith.constant 0 : i32
      %dma_wait3A_58 = tpu.memref_slice %arg4[%add3A_28, %dma_wait3A] : memref<2560x128xi32, #tpu.memory_space<hbm>> -> memref<40x128xi32, #tpu.memory_space<hbm>>
      %dma_wait3A_59 = arith.constant 0 : i32
      %dma_wait3A_60 = tpu.memref_slice %arg4[%add3A_28, %dma_wait3A_59] : memref<2560x128xi32, #tpu.memory_space<hbm>> -> memref<40x128xi32, #tpu.memory_space<hbm>>
      tpu.wait_dma2 semaphore(%run_scoped3A : memref<!tpu.dma_semaphore, #tpu.memory_space<semaphore_mem>>) src(%dma_wait3A_60 : memref<40x128xi32, #tpu.memory_space<hbm>>) dst(%arg8 : memref<40x128xi32, #tpu.memory_space<vmem>>)
      tpu.yield
    }) : () -> ()
    %dma_start3A_29 = arith.constant 0 : i32
    %dma_start3A_30 = arith.constant 0 : i32
    %dma_start3A_31 = tpu.memref_slice %arg7[%dma_start3A_29, %dma_start3A_30] : memref<40x128xi32, #tpu.memory_space<vmem>> -> memref<1x128xi32, #tpu.memory_space<vmem>>
    %dma_start3A_32 = tpu.memref_squeeze %dma_start3A_31 : memref<1x128xi32, #tpu.memory_space<vmem>> -> memref<128xi32, #tpu.memory_space<vmem>>
    %dma_start3A_33 = arith.constant 0 : i32
    %dma_start3A_34 = arith.constant 0 : i32
    %dma_start3A_35 = tpu.memref_slice %arg2[%dma_start3A_33, %dma_start3A_34] : memref<10240x128xf32, #tpu.memory_space<hbm>> -> memref<10240x128xf32, #tpu.memory_space<hbm>>
    tpu.enqueue_indirect_dma source(%dma_start3A_35 : memref<10240x128xf32, #tpu.memory_space<hbm>>) target(%arg9 : memref<128x128xf32, #tpu.memory_space<vmem>>) offsets(%dma_start3A_32 : memref<128xi32, #tpu.memory_space<vmem>>) semaphore(%arg12 : memref<!tpu.dma_semaphore, #tpu.memory_space<semaphore_mem>>)
    %dma_start3A_36 = arith.constant 1 : i32
    %dma_start3A_37 = arith.constant 0 : i32
    %dma_start3A_38 = tpu.memref_slice %arg7[%dma_start3A_36, %dma_start3A_37] : memref<40x128xi32, #tpu.memory_space<vmem>> -> memref<1x128xi32, #tpu.memory_space<vmem>>
    %dma_start3A_39 = tpu.memref_squeeze %dma_start3A_38 : memref<1x128xi32, #tpu.memory_space<vmem>> -> memref<128xi32, #tpu.memory_space<vmem>>
    %dma_start3A_40 = arith.constant 0 : i32
    %dma_start3A_41 = arith.constant 0 : i32
    %dma_start3A_42 = tpu.memref_slice %arg2[%dma_start3A_40, %dma_start3A_41] : memref<10240x128xf32, #tpu.memory_space<hbm>> -> memref<10240x128xf32, #tpu.memory_space<hbm>>
    tpu.enqueue_indirect_dma source(%dma_start3A_42 : memref<10240x128xf32, #tpu.memory_space<hbm>>) target(%arg10 : memref<128x128xf32, #tpu.memory_space<vmem>>) offsets(%dma_start3A_39 : memref<128xi32, #tpu.memory_space<vmem>>) semaphore(%arg13 : memref<!tpu.dma_semaphore, #tpu.memory_space<semaphore_mem>>)
    %scan3A_43 = arith.constant 0 : i32
    %scan3A_44 = arith.constant 0 : i32
    %scan3A_45 = arith.constant 20 : i32
    %scan3A_46 = arith.addi %scan3A_44, %scan3A_45 : i32
    %scan3A_47 = arith.constant 1 : i32
    scf.for %scan3A_54 = %scan3A_44 to %scan3A_46 step %scan3A_47  : i32 {
      %mul3A_55 = arith.constant 2 : i32
      %mul3A_56 = arith.muli %mul3A_55, %scan3A_54 : i32
      %dma_wait3A = arith.constant 0 : i32
      %dma_wait3A_57 = arith.constant 0 : i32
      %dma_wait3A_58 = tpu.memref_slice %arg7[%dma_wait3A, %dma_wait3A_57] : memref<40x128xi32, #tpu.memory_space<vmem>> -> memref<1x128xi32, #tpu.memory_space<vmem>>
      %dma_wait3A_59 = tpu.memref_squeeze %dma_wait3A_58 : memref<1x128xi32, #tpu.memory_space<vmem>> -> memref<128xi32, #tpu.memory_space<vmem>>
      %dma_wait3A_60 = arith.constant 0 : i32
      %dma_wait3A_61 = arith.constant 0 : i32
      %dma_wait3A_62 = tpu.memref_slice %arg2[%dma_wait3A_60, %dma_wait3A_61] : memref<10240x128xf32, #tpu.memory_space<hbm>> -> memref<10240x128xf32, #tpu.memory_space<hbm>>
      tpu.wait_indirect_dma semaphore(%arg12 : memref<!tpu.dma_semaphore, #tpu.memory_space<semaphore_mem>>) src(%dma_wait3A_62 : memref<10240x128xf32, #tpu.memory_space<hbm>>) dst(%arg9 : memref<128x128xf32, #tpu.memory_space<vmem>>)
      "tpu.region"() ({
        %run_scoped3A = tpu.sem_alloc : memref<!tpu.dma_semaphore, #tpu.memory_space<semaphore_mem>>
        %dma_start3A_83 = arith.constant 0 : i32
        %dma_start3A_84 = tpu.memref_slice %arg8[%mul3A_56, %dma_start3A_83] : memref<40x128xi32, #tpu.memory_space<vmem>> -> memref<1x128xi32, #tpu.memory_space<vmem>>
        %dma_start3A_85 = tpu.memref_squeeze %dma_start3A_84 : memref<1x128xi32, #tpu.memory_space<vmem>> -> memref<128xi32, #tpu.memory_space<vmem>>
        %dma_start3A_86 = arith.constant 0 : i32
        %dma_start3A_87 = arith.constant 0 : i32
        %dma_start3A_88 = tpu.memref_slice %arg11[%dma_start3A_86, %dma_start3A_87] : memref<10240x128xf32, #tpu.memory_space<vmem_shared>> -> memref<10240x128xf32, #tpu.memory_space<vmem_shared>>
        tpu.enqueue_indirect_dma source(%arg9 : memref<128x128xf32, #tpu.memory_space<vmem>>) target(%dma_start3A_88 : memref<10240x128xf32, #tpu.memory_space<vmem_shared>>) offsets(%dma_start3A_85 : memref<128xi32, #tpu.memory_space<vmem>>) semaphore(%run_scoped3A : memref<!tpu.dma_semaphore, #tpu.memory_space<semaphore_mem>>) {add = true}
        %dma_wait3A_89 = arith.constant 0 : i32
        %dma_wait3A_90 = tpu.memref_slice %arg8[%mul3A_56, %dma_wait3A_89] : memref<40x128xi32, #tpu.memory_space<vmem>> -> memref<1x128xi32, #tpu.memory_space<vmem>>
        %dma_wait3A_91 = tpu.memref_squeeze %dma_wait3A_90 : memref<1x128xi32, #tpu.memory_space<vmem>> -> memref<128xi32, #tpu.memory_space<vmem>>
        %dma_wait3A_92 = arith.constant 0 : i32
        %dma_wait3A_93 = arith.constant 0 : i32
        %dma_wait3A_94 = tpu.memref_slice %arg11[%dma_wait3A_92, %dma_wait3A_93] : memref<10240x128xf32, #tpu.memory_space<vmem_shared>> -> memref<10240x128xf32, #tpu.memory_space<vmem_shared>>
        tpu.wait_indirect_dma semaphore(%run_scoped3A : memref<!tpu.dma_semaphore, #tpu.memory_space<semaphore_mem>>) src(%arg9 : memref<128x128xf32, #tpu.memory_space<vmem>>) dst(%dma_wait3A_94 : memref<10240x128xf32, #tpu.memory_space<vmem_shared>>)
        tpu.yield
      }) : () -> ()
      %add3A_63 = arith.constant 1 : i32
      %add3A_64 = arith.addi %scan3A_54, %add3A_63 : i32
      %lt3A = arith.constant 20 : i32
      %lt3A_65 = arith.cmpi slt, %add3A_64, %lt3A : i32
      %convert_element_type3A = arith.extui %lt3A_65 : i1 to i32
      %cond3A = arith.constant 0 : i32
      %cond3A_66 = arith.cmpi ne, %convert_element_type3A, %cond3A : i32
      scf.if %cond3A_66 {
        %add3A_83 = arith.constant 2 : i32
        %add3A_84 = arith.addi %mul3A_56, %add3A_83 : i32
        %dma_start3A_85 = arith.constant 0 : i32
        %dma_start3A_86 = tpu.memref_slice %arg7[%add3A_84, %dma_start3A_85] : memref<40x128xi32, #tpu.memory_space<vmem>> -> memref<1x128xi32, #tpu.memory_space<vmem>>
        %dma_start3A_87 = tpu.memref_squeeze %dma_start3A_86 : memref<1x128xi32, #tpu.memory_space<vmem>> -> memref<128xi32, #tpu.memory_space<vmem>>
        %dma_start3A_88 = arith.constant 0 : i32
        %dma_start3A_89 = arith.constant 0 : i32
        %dma_start3A_90 = tpu.memref_slice %arg2[%dma_start3A_88, %dma_start3A_89] : memref<10240x128xf32, #tpu.memory_space<hbm>> -> memref<10240x128xf32, #tpu.memory_space<hbm>>
        tpu.enqueue_indirect_dma source(%dma_start3A_90 : memref<10240x128xf32, #tpu.memory_space<hbm>>) target(%arg9 : memref<128x128xf32, #tpu.memory_space<vmem>>) offsets(%dma_start3A_87 : memref<128xi32, #tpu.memory_space<vmem>>) semaphore(%arg12 : memref<!tpu.dma_semaphore, #tpu.memory_space<semaphore_mem>>)
      } else {
      }
      %dma_wait3A_67 = arith.constant 1 : i32
      %dma_wait3A_68 = arith.constant 0 : i32
      %dma_wait3A_69 = tpu.memref_slice %arg7[%dma_wait3A_67, %dma_wait3A_68] : memref<40x128xi32, #tpu.memory_space<vmem>> -> memref<1x128xi32, #tpu.memory_space<vmem>>
      %dma_wait3A_70 = tpu.memref_squeeze %dma_wait3A_69 : memref<1x128xi32, #tpu.memory_space<vmem>> -> memref<128xi32, #tpu.memory_space<vmem>>
      %dma_wait3A_71 = arith.constant 0 : i32
      %dma_wait3A_72 = arith.constant 0 : i32
      %dma_wait3A_73 = tpu.memref_slice %arg2[%dma_wait3A_71, %dma_wait3A_72] : memref<10240x128xf32, #tpu.memory_space<hbm>> -> memref<10240x128xf32, #tpu.memory_space<hbm>>
      tpu.wait_indirect_dma semaphore(%arg13 : memref<!tpu.dma_semaphore, #tpu.memory_space<semaphore_mem>>) src(%dma_wait3A_73 : memref<10240x128xf32, #tpu.memory_space<hbm>>) dst(%arg10 : memref<128x128xf32, #tpu.memory_space<vmem>>)
      %add3A_74 = arith.constant 1 : i32
      %add3A_75 = arith.addi %mul3A_56, %add3A_74 : i32
      "tpu.region"() ({
        %run_scoped3A = tpu.sem_alloc : memref<!tpu.dma_semaphore, #tpu.memory_space<semaphore_mem>>
        %dma_start3A_83 = arith.constant 0 : i32
        %dma_start3A_84 = tpu.memref_slice %arg8[%add3A_75, %dma_start3A_83] : memref<40x128xi32, #tpu.memory_space<vmem>> -> memref<1x128xi32, #tpu.memory_space<vmem>>
        %dma_start3A_85 = tpu.memref_squeeze %dma_start3A_84 : memref<1x128xi32, #tpu.memory_space<vmem>> -> memref<128xi32, #tpu.memory_space<vmem>>
        %dma_start3A_86 = arith.constant 0 : i32
        %dma_start3A_87 = arith.constant 0 : i32
        %dma_start3A_88 = tpu.memref_slice %arg11[%dma_start3A_86, %dma_start3A_87] : memref<10240x128xf32, #tpu.memory_space<vmem_shared>> -> memref<10240x128xf32, #tpu.memory_space<vmem_shared>>
        tpu.enqueue_indirect_dma source(%arg10 : memref<128x128xf32, #tpu.memory_space<vmem>>) target(%dma_start3A_88 : memref<10240x128xf32, #tpu.memory_space<vmem_shared>>) offsets(%dma_start3A_85 : memref<128xi32, #tpu.memory_space<vmem>>) semaphore(%run_scoped3A : memref<!tpu.dma_semaphore, #tpu.memory_space<semaphore_mem>>) {add = true}
        %dma_wait3A_89 = arith.constant 0 : i32
        %dma_wait3A_90 = tpu.memref_slice %arg8[%add3A_75, %dma_wait3A_89] : memref<40x128xi32, #tpu.memory_space<vmem>> -> memref<1x128xi32, #tpu.memory_space<vmem>>
        %dma_wait3A_91 = tpu.memref_squeeze %dma_wait3A_90 : memref<1x128xi32, #tpu.memory_space<vmem>> -> memref<128xi32, #tpu.memory_space<vmem>>
        %dma_wait3A_92 = arith.constant 0 : i32
        %dma_wait3A_93 = arith.constant 0 : i32
        %dma_wait3A_94 = tpu.memref_slice %arg11[%dma_wait3A_92, %dma_wait3A_93] : memref<10240x128xf32, #tpu.memory_space<vmem_shared>> -> memref<10240x128xf32, #tpu.memory_space<vmem_shared>>
        tpu.wait_indirect_dma semaphore(%run_scoped3A : memref<!tpu.dma_semaphore, #tpu.memory_space<semaphore_mem>>) src(%arg10 : memref<128x128xf32, #tpu.memory_space<vmem>>) dst(%dma_wait3A_94 : memref<10240x128xf32, #tpu.memory_space<vmem_shared>>)
        tpu.yield
      }) : () -> ()
      %add3A_76 = arith.constant 1 : i32
      %add3A_77 = arith.addi %scan3A_54, %add3A_76 : i32
      %lt3A_78 = arith.constant 20 : i32
      %lt3A_79 = arith.cmpi slt, %add3A_77, %lt3A_78 : i32
      %convert_element_type3A_80 = arith.extui %lt3A_79 : i1 to i32
      %cond3A_81 = arith.constant 0 : i32
      %cond3A_82 = arith.cmpi ne, %convert_element_type3A_80, %cond3A_81 : i32
      scf.if %cond3A_82 {
        %add3A_83 = arith.constant 3 : i32
        %add3A_84 = arith.addi %mul3A_56, %add3A_83 : i32
        %dma_start3A_85 = arith.constant 0 : i32
        %dma_start3A_86 = tpu.memref_slice %arg7[%add3A_84, %dma_start3A_85] : memref<40x128xi32, #tpu.memory_space<vmem>> -> memref<1x128xi32, #tpu.memory_space<vmem>>
        %dma_start3A_87 = tpu.memref_squeeze %dma_start3A_86 : memref<1x128xi32, #tpu.memory_space<vmem>> -> memref<128xi32, #tpu.memory_space<vmem>>
        %dma_start3A_88 = arith.constant 0 : i32
        %dma_start3A_89 = arith.constant 0 : i32
        %dma_start3A_90 = tpu.memref_slice %arg2[%dma_start3A_88, %dma_start3A_89] : memref<10240x128xf32, #tpu.memory_space<hbm>> -> memref<10240x128xf32, #tpu.memory_space<hbm>>
        tpu.enqueue_indirect_dma source(%dma_start3A_90 : memref<10240x128xf32, #tpu.memory_space<hbm>>) target(%arg10 : memref<128x128xf32, #tpu.memory_space<vmem>>) offsets(%dma_start3A_87 : memref<128xi32, #tpu.memory_space<vmem>>) semaphore(%arg13 : memref<!tpu.dma_semaphore, #tpu.memory_space<semaphore_mem>>)
      } else {
      }
    }
    %scan3A_48 = arith.constant 20 : i32
    %barrier3A_49 = arith.constant 0 : index
    tpu.barrier barrier_id(%barrier3A_49)
    %mul3A_50 = arith.constant 640 : i32
    %mul3A_51 = arith.muli %mul3A_50, %arg1 : i32
    %mul3A_52 = arith.constant 640 : i32
    %mul3A_53 = arith.muli %mul3A_52, %arg1 : i32
    "tpu.region"() ({
      %run_scoped3A = tpu.sem_alloc : memref<!tpu.dma_semaphore, #tpu.memory_space<semaphore_mem>>
      %dma_start3A_54 = arith.constant 0 : i32
      %dma_start3A_55 = tpu.memref_slice %arg6[%arg0, %mul3A_53, %dma_start3A_54] : memref<2x10240x128xf32, #tpu.memory_space<hbm>> -> memref<1x640x128xf32, #tpu.memory_space<hbm>>
      %dma_start3A_56 = tpu.memref_squeeze %dma_start3A_55 : memref<1x640x128xf32, #tpu.memory_space<hbm>> -> memref<640x128xf32, #tpu.memory_space<hbm>>
      %dma_start3A_57 = arith.constant 0 : i32
      %dma_start3A_58 = tpu.memref_slice %arg11[%mul3A_51, %dma_start3A_57] : memref<10240x128xf32, #tpu.memory_space<vmem_shared>> -> memref<640x128xf32, #tpu.memory_space<vmem_shared>>
      tpu.enqueue_dma source(%dma_start3A_58 : memref<640x128xf32, #tpu.memory_space<vmem_shared>>) target(%dma_start3A_56 : memref<640x128xf32, #tpu.memory_space<hbm>>) target_semaphore(%run_scoped3A : memref<!tpu.dma_semaphore, #tpu.memory_space<semaphore_mem>>)
      %dma_wait3A = arith.constant 0 : i32
      %dma_wait3A_59 = tpu.memref_slice %arg6[%arg0, %mul3A_53, %dma_wait3A] : memref<2x10240x128xf32, #tpu.memory_space<hbm>> -> memref<1x640x128xf32, #tpu.memory_space<hbm>>
      %dma_wait3A_60 = tpu.memref_squeeze %dma_wait3A_59 : memref<1x640x128xf32, #tpu.memory_space<hbm>> -> memref<640x128xf32, #tpu.memory_space<hbm>>
      %dma_wait3A_61 = arith.constant 0 : i32
      %dma_wait3A_62 = tpu.memref_slice %arg11[%mul3A_51, %dma_wait3A_61] : memref<10240x128xf32, #tpu.memory_space<vmem_shared>> -> memref<640x128xf32, #tpu.memory_space<vmem_shared>>
      tpu.wait_dma2 semaphore(%run_scoped3A : memref<!tpu.dma_semaphore, #tpu.memory_space<semaphore_mem>>) src(%dma_wait3A_62 : memref<640x128xf32, #tpu.memory_space<vmem_shared>>) dst(%dma_wait3A_60 : memref<640x128xf32, #tpu.memory_space<hbm>>)
      tpu.yield
    }) : () -> ()
    return
  }
}

#map = affine_map<(d0, d1) -> (0, 0)>
#map1 = affine_map<(d0, d1) -> (0, 0, 0)>
module attributes {stable_mosaic.version = 14 : i64} {
  func.func @_sc_edge_agg(%arg0: i32, %arg1: i32, %arg2: memref<10240x128xf32, #tpu.memory_space<hbm>>, %arg3: memref<2560x128xi32, #tpu.memory_space<hbm>>, %arg4: memref<2560x128xi32, #tpu.memory_space<hbm>>, %arg5: memref<640x128xf32, #tpu.memory_space<hbm>>, %arg6: memref<2x10240x128xf32, #tpu.memory_space<hbm>>, %arg7: memref<40x128xi32, #tpu.memory_space<vmem>>, %arg8: memref<40x128xi32, #tpu.memory_space<vmem>>, %arg9: memref<128x128xf32, #tpu.memory_space<vmem>>, %arg10: memref<128x128xf32, #tpu.memory_space<vmem>>, %arg11: memref<10240x128xf32, #tpu.memory_space<vmem_shared>>, %arg12: memref<!tpu.dma_semaphore, #tpu.memory_space<semaphore_mem>>, %arg13: memref<!tpu.dma_semaphore, #tpu.memory_space<semaphore_mem>>) attributes {dimension_semantics = [#tpu.dimension_semantics<core_parallel>, #tpu.dimension_semantics<subcore_parallel>], iteration_bounds = array<i64: 2, 16>, scalar_prefetch = 0 : i64, scratch_operands = 7 : i64, tpu.core_type = #tpu.core_type<sc_vector_subcore>, window_params = [{transform_indices = #map}, {transform_indices = #map}, {transform_indices = #map}, {transform_indices = #map}, {transform_indices = #map1}]} {
    %mul3A = arith.constant 2 : i32
    %mul3A_0 = arith.muli %arg1, %mul3A : i32
    %add3A = arith.addi %mul3A_0, %arg0 : i32
    %mul3A_1 = arith.constant 640 : i32
    %mul3A_2 = arith.muli %mul3A_1, %arg1 : i32
    "tpu.region"() ({
      %run_scoped3A = tpu.sem_alloc : memref<!tpu.dma_semaphore, #tpu.memory_space<semaphore_mem>>
      %dma_start3A_54 = arith.constant 0 : i32
      %dma_start3A_55 = tpu.memref_slice %arg11[%mul3A_2, %dma_start3A_54] : memref<10240x128xf32, #tpu.memory_space<vmem_shared>> -> memref<640x128xf32, #tpu.memory_space<vmem_shared>>
      tpu.enqueue_dma source(%arg5 : memref<640x128xf32, #tpu.memory_space<hbm>>) target(%dma_start3A_55 : memref<640x128xf32, #tpu.memory_space<vmem_shared>>) target_semaphore(%run_scoped3A : memref<!tpu.dma_semaphore, #tpu.memory_space<semaphore_mem>>)
      %dma_wait3A = arith.constant 0 : i32
      %dma_wait3A_56 = tpu.memref_slice %arg11[%mul3A_2, %dma_wait3A] : memref<10240x128xf32, #tpu.memory_space<vmem_shared>> -> memref<640x128xf32, #tpu.memory_space<vmem_shared>>
      tpu.wait_dma2 semaphore(%run_scoped3A : memref<!tpu.dma_semaphore, #tpu.memory_space<semaphore_mem>>) src(%arg5 : memref<640x128xf32, #tpu.memory_space<hbm>>) dst(%dma_wait3A_56 : memref<640x128xf32, #tpu.memory_space<vmem_shared>>)
      tpu.yield
    }) : () -> ()
    %barrier3A = arith.constant 0 : index
    tpu.barrier barrier_id(%barrier3A)
    %mul3A_3 = arith.constant 80 : i32
    %mul3A_4 = arith.muli %mul3A_3, %add3A : i32
    %add3A_5 = arith.constant 0 : i32
    %add3A_6 = arith.addi %mul3A_4, %add3A_5 : i32
    "tpu.region"() ({
      %run_scoped3A = tpu.sem_alloc : memref<!tpu.dma_semaphore, #tpu.memory_space<semaphore_mem>>
      %dma_start3A_54 = arith.constant 0 : i32
      %dma_start3A_55 = tpu.memref_slice %arg3[%add3A_6, %dma_start3A_54] : memref<2560x128xi32, #tpu.memory_space<hbm>> -> memref<40x128xi32, #tpu.memory_space<hbm>>
      %dma_start3A_56 = arith.constant 0 : i32
      %dma_start3A_57 = tpu.memref_slice %arg3[%add3A_6, %dma_start3A_56] : memref<2560x128xi32, #tpu.memory_space<hbm>> -> memref<40x128xi32, #tpu.memory_space<hbm>>
      tpu.enqueue_dma source(%dma_start3A_57 : memref<40x128xi32, #tpu.memory_space<hbm>>) target(%arg7 : memref<40x128xi32, #tpu.memory_space<vmem>>) target_semaphore(%run_scoped3A : memref<!tpu.dma_semaphore, #tpu.memory_space<semaphore_mem>>)
      %dma_wait3A = arith.constant 0 : i32
      %dma_wait3A_58 = tpu.memref_slice %arg3[%add3A_6, %dma_wait3A] : memref<2560x128xi32, #tpu.memory_space<hbm>> -> memref<40x128xi32, #tpu.memory_space<hbm>>
      %dma_wait3A_59 = arith.constant 0 : i32
      %dma_wait3A_60 = tpu.memref_slice %arg3[%add3A_6, %dma_wait3A_59] : memref<2560x128xi32, #tpu.memory_space<hbm>> -> memref<40x128xi32, #tpu.memory_space<hbm>>
      tpu.wait_dma2 semaphore(%run_scoped3A : memref<!tpu.dma_semaphore, #tpu.memory_space<semaphore_mem>>) src(%dma_wait3A_60 : memref<40x128xi32, #tpu.memory_space<hbm>>) dst(%arg7 : memref<40x128xi32, #tpu.memory_space<vmem>>)
      tpu.yield
    }) : () -> ()
    "tpu.region"() ({
      %run_scoped3A = tpu.sem_alloc : memref<!tpu.dma_semaphore, #tpu.memory_space<semaphore_mem>>
      %dma_start3A_54 = arith.constant 0 : i32
      %dma_start3A_55 = tpu.memref_slice %arg4[%add3A_6, %dma_start3A_54] : memref<2560x128xi32, #tpu.memory_space<hbm>> -> memref<40x128xi32, #tpu.memory_space<hbm>>
      %dma_start3A_56 = arith.constant 0 : i32
      %dma_start3A_57 = tpu.memref_slice %arg4[%add3A_6, %dma_start3A_56] : memref<2560x128xi32, #tpu.memory_space<hbm>> -> memref<40x128xi32, #tpu.memory_space<hbm>>
      tpu.enqueue_dma source(%dma_start3A_57 : memref<40x128xi32, #tpu.memory_space<hbm>>) target(%arg8 : memref<40x128xi32, #tpu.memory_space<vmem>>) target_semaphore(%run_scoped3A : memref<!tpu.dma_semaphore, #tpu.memory_space<semaphore_mem>>)
      %dma_wait3A = arith.constant 0 : i32
      %dma_wait3A_58 = tpu.memref_slice %arg4[%add3A_6, %dma_wait3A] : memref<2560x128xi32, #tpu.memory_space<hbm>> -> memref<40x128xi32, #tpu.memory_space<hbm>>
      %dma_wait3A_59 = arith.constant 0 : i32
      %dma_wait3A_60 = tpu.memref_slice %arg4[%add3A_6, %dma_wait3A_59] : memref<2560x128xi32, #tpu.memory_space<hbm>> -> memref<40x128xi32, #tpu.memory_space<hbm>>
      tpu.wait_dma2 semaphore(%run_scoped3A : memref<!tpu.dma_semaphore, #tpu.memory_space<semaphore_mem>>) src(%dma_wait3A_60 : memref<40x128xi32, #tpu.memory_space<hbm>>) dst(%arg8 : memref<40x128xi32, #tpu.memory_space<vmem>>)
      tpu.yield
    }) : () -> ()
    %dma_start3A = arith.constant 0 : i32
    %dma_start3A_7 = arith.constant 0 : i32
    %dma_start3A_8 = tpu.memref_slice %arg7[%dma_start3A, %dma_start3A_7] : memref<40x128xi32, #tpu.memory_space<vmem>> -> memref<1x128xi32, #tpu.memory_space<vmem>>
    %dma_start3A_9 = tpu.memref_squeeze %dma_start3A_8 : memref<1x128xi32, #tpu.memory_space<vmem>> -> memref<128xi32, #tpu.memory_space<vmem>>
    %dma_start3A_10 = arith.constant 0 : i32
    %dma_start3A_11 = arith.constant 0 : i32
    %dma_start3A_12 = tpu.memref_slice %arg2[%dma_start3A_10, %dma_start3A_11] : memref<10240x128xf32, #tpu.memory_space<hbm>> -> memref<10240x128xf32, #tpu.memory_space<hbm>>
    tpu.enqueue_indirect_dma source(%dma_start3A_12 : memref<10240x128xf32, #tpu.memory_space<hbm>>) target(%arg9 : memref<128x128xf32, #tpu.memory_space<vmem>>) offsets(%dma_start3A_9 : memref<128xi32, #tpu.memory_space<vmem>>) semaphore(%arg12 : memref<!tpu.dma_semaphore, #tpu.memory_space<semaphore_mem>>)
    %dma_start3A_13 = arith.constant 1 : i32
    %dma_start3A_14 = arith.constant 0 : i32
    %dma_start3A_15 = tpu.memref_slice %arg7[%dma_start3A_13, %dma_start3A_14] : memref<40x128xi32, #tpu.memory_space<vmem>> -> memref<1x128xi32, #tpu.memory_space<vmem>>
    %dma_start3A_16 = tpu.memref_squeeze %dma_start3A_15 : memref<1x128xi32, #tpu.memory_space<vmem>> -> memref<128xi32, #tpu.memory_space<vmem>>
    %dma_start3A_17 = arith.constant 0 : i32
    %dma_start3A_18 = arith.constant 0 : i32
    %dma_start3A_19 = tpu.memref_slice %arg2[%dma_start3A_17, %dma_start3A_18] : memref<10240x128xf32, #tpu.memory_space<hbm>> -> memref<10240x128xf32, #tpu.memory_space<hbm>>
    tpu.enqueue_indirect_dma source(%dma_start3A_19 : memref<10240x128xf32, #tpu.memory_space<hbm>>) target(%arg10 : memref<128x128xf32, #tpu.memory_space<vmem>>) offsets(%dma_start3A_16 : memref<128xi32, #tpu.memory_space<vmem>>) semaphore(%arg13 : memref<!tpu.dma_semaphore, #tpu.memory_space<semaphore_mem>>)
    %scan3A = arith.constant 0 : i32
    %scan3A_20 = arith.constant 0 : i32
    %scan3A_21 = arith.constant 20 : i32
    %scan3A_22 = arith.addi %scan3A_20, %scan3A_21 : i32
    %scan3A_23 = arith.constant 1 : i32
    scf.for %scan3A_54 = %scan3A_20 to %scan3A_22 step %scan3A_23  : i32 {
      %mul3A_55 = arith.constant 2 : i32
      %mul3A_56 = arith.muli %mul3A_55, %scan3A_54 : i32
      %dma_wait3A = arith.constant 0 : i32
      %dma_wait3A_57 = arith.constant 0 : i32
      %dma_wait3A_58 = tpu.memref_slice %arg7[%dma_wait3A, %dma_wait3A_57] : memref<40x128xi32, #tpu.memory_space<vmem>> -> memref<1x128xi32, #tpu.memory_space<vmem>>
      %dma_wait3A_59 = tpu.memref_squeeze %dma_wait3A_58 : memref<1x128xi32, #tpu.memory_space<vmem>> -> memref<128xi32, #tpu.memory_space<vmem>>
      %dma_wait3A_60 = arith.constant 0 : i32
      %dma_wait3A_61 = arith.constant 0 : i32
      %dma_wait3A_62 = tpu.memref_slice %arg2[%dma_wait3A_60, %dma_wait3A_61] : memref<10240x128xf32, #tpu.memory_space<hbm>> -> memref<10240x128xf32, #tpu.memory_space<hbm>>
      tpu.wait_indirect_dma semaphore(%arg12 : memref<!tpu.dma_semaphore, #tpu.memory_space<semaphore_mem>>) src(%dma_wait3A_62 : memref<10240x128xf32, #tpu.memory_space<hbm>>) dst(%arg9 : memref<128x128xf32, #tpu.memory_space<vmem>>)
      "tpu.region"() ({
        %run_scoped3A = tpu.sem_alloc : memref<!tpu.dma_semaphore, #tpu.memory_space<semaphore_mem>>
        %dma_start3A_83 = arith.constant 0 : i32
        %dma_start3A_84 = tpu.memref_slice %arg8[%mul3A_56, %dma_start3A_83] : memref<40x128xi32, #tpu.memory_space<vmem>> -> memref<1x128xi32, #tpu.memory_space<vmem>>
        %dma_start3A_85 = tpu.memref_squeeze %dma_start3A_84 : memref<1x128xi32, #tpu.memory_space<vmem>> -> memref<128xi32, #tpu.memory_space<vmem>>
        %dma_start3A_86 = arith.constant 0 : i32
        %dma_start3A_87 = arith.constant 0 : i32
        %dma_start3A_88 = tpu.memref_slice %arg11[%dma_start3A_86, %dma_start3A_87] : memref<10240x128xf32, #tpu.memory_space<vmem_shared>> -> memref<10240x128xf32, #tpu.memory_space<vmem_shared>>
        tpu.enqueue_indirect_dma source(%arg9 : memref<128x128xf32, #tpu.memory_space<vmem>>) target(%dma_start3A_88 : memref<10240x128xf32, #tpu.memory_space<vmem_shared>>) offsets(%dma_start3A_85 : memref<128xi32, #tpu.memory_space<vmem>>) semaphore(%run_scoped3A : memref<!tpu.dma_semaphore, #tpu.memory_space<semaphore_mem>>) {add = true}
        %dma_wait3A_89 = arith.constant 0 : i32
        %dma_wait3A_90 = tpu.memref_slice %arg8[%mul3A_56, %dma_wait3A_89] : memref<40x128xi32, #tpu.memory_space<vmem>> -> memref<1x128xi32, #tpu.memory_space<vmem>>
        %dma_wait3A_91 = tpu.memref_squeeze %dma_wait3A_90 : memref<1x128xi32, #tpu.memory_space<vmem>> -> memref<128xi32, #tpu.memory_space<vmem>>
        %dma_wait3A_92 = arith.constant 0 : i32
        %dma_wait3A_93 = arith.constant 0 : i32
        %dma_wait3A_94 = tpu.memref_slice %arg11[%dma_wait3A_92, %dma_wait3A_93] : memref<10240x128xf32, #tpu.memory_space<vmem_shared>> -> memref<10240x128xf32, #tpu.memory_space<vmem_shared>>
        tpu.wait_indirect_dma semaphore(%run_scoped3A : memref<!tpu.dma_semaphore, #tpu.memory_space<semaphore_mem>>) src(%arg9 : memref<128x128xf32, #tpu.memory_space<vmem>>) dst(%dma_wait3A_94 : memref<10240x128xf32, #tpu.memory_space<vmem_shared>>)
        tpu.yield
      }) : () -> ()
      %add3A_63 = arith.constant 1 : i32
      %add3A_64 = arith.addi %scan3A_54, %add3A_63 : i32
      %lt3A = arith.constant 20 : i32
      %lt3A_65 = arith.cmpi slt, %add3A_64, %lt3A : i32
      %convert_element_type3A = arith.extui %lt3A_65 : i1 to i32
      %cond3A = arith.constant 0 : i32
      %cond3A_66 = arith.cmpi ne, %convert_element_type3A, %cond3A : i32
      scf.if %cond3A_66 {
        %add3A_83 = arith.constant 2 : i32
        %add3A_84 = arith.addi %mul3A_56, %add3A_83 : i32
        %dma_start3A_85 = arith.constant 0 : i32
        %dma_start3A_86 = tpu.memref_slice %arg7[%add3A_84, %dma_start3A_85] : memref<40x128xi32, #tpu.memory_space<vmem>> -> memref<1x128xi32, #tpu.memory_space<vmem>>
        %dma_start3A_87 = tpu.memref_squeeze %dma_start3A_86 : memref<1x128xi32, #tpu.memory_space<vmem>> -> memref<128xi32, #tpu.memory_space<vmem>>
        %dma_start3A_88 = arith.constant 0 : i32
        %dma_start3A_89 = arith.constant 0 : i32
        %dma_start3A_90 = tpu.memref_slice %arg2[%dma_start3A_88, %dma_start3A_89] : memref<10240x128xf32, #tpu.memory_space<hbm>> -> memref<10240x128xf32, #tpu.memory_space<hbm>>
        tpu.enqueue_indirect_dma source(%dma_start3A_90 : memref<10240x128xf32, #tpu.memory_space<hbm>>) target(%arg9 : memref<128x128xf32, #tpu.memory_space<vmem>>) offsets(%dma_start3A_87 : memref<128xi32, #tpu.memory_space<vmem>>) semaphore(%arg12 : memref<!tpu.dma_semaphore, #tpu.memory_space<semaphore_mem>>)
      } else {
      }
      %dma_wait3A_67 = arith.constant 1 : i32
      %dma_wait3A_68 = arith.constant 0 : i32
      %dma_wait3A_69 = tpu.memref_slice %arg7[%dma_wait3A_67, %dma_wait3A_68] : memref<40x128xi32, #tpu.memory_space<vmem>> -> memref<1x128xi32, #tpu.memory_space<vmem>>
      %dma_wait3A_70 = tpu.memref_squeeze %dma_wait3A_69 : memref<1x128xi32, #tpu.memory_space<vmem>> -> memref<128xi32, #tpu.memory_space<vmem>>
      %dma_wait3A_71 = arith.constant 0 : i32
      %dma_wait3A_72 = arith.constant 0 : i32
      %dma_wait3A_73 = tpu.memref_slice %arg2[%dma_wait3A_71, %dma_wait3A_72] : memref<10240x128xf32, #tpu.memory_space<hbm>> -> memref<10240x128xf32, #tpu.memory_space<hbm>>
      tpu.wait_indirect_dma semaphore(%arg13 : memref<!tpu.dma_semaphore, #tpu.memory_space<semaphore_mem>>) src(%dma_wait3A_73 : memref<10240x128xf32, #tpu.memory_space<hbm>>) dst(%arg10 : memref<128x128xf32, #tpu.memory_space<vmem>>)
      %add3A_74 = arith.constant 1 : i32
      %add3A_75 = arith.addi %mul3A_56, %add3A_74 : i32
      "tpu.region"() ({
        %run_scoped3A = tpu.sem_alloc : memref<!tpu.dma_semaphore, #tpu.memory_space<semaphore_mem>>
        %dma_start3A_83 = arith.constant 0 : i32
        %dma_start3A_84 = tpu.memref_slice %arg8[%add3A_75, %dma_start3A_83] : memref<40x128xi32, #tpu.memory_space<vmem>> -> memref<1x128xi32, #tpu.memory_space<vmem>>
        %dma_start3A_85 = tpu.memref_squeeze %dma_start3A_84 : memref<1x128xi32, #tpu.memory_space<vmem>> -> memref<128xi32, #tpu.memory_space<vmem>>
        %dma_start3A_86 = arith.constant 0 : i32
        %dma_start3A_87 = arith.constant 0 : i32
        %dma_start3A_88 = tpu.memref_slice %arg11[%dma_start3A_86, %dma_start3A_87] : memref<10240x128xf32, #tpu.memory_space<vmem_shared>> -> memref<10240x128xf32, #tpu.memory_space<vmem_shared>>
        tpu.enqueue_indirect_dma source(%arg10 : memref<128x128xf32, #tpu.memory_space<vmem>>) target(%dma_start3A_88 : memref<10240x128xf32, #tpu.memory_space<vmem_shared>>) offsets(%dma_start3A_85 : memref<128xi32, #tpu.memory_space<vmem>>) semaphore(%run_scoped3A : memref<!tpu.dma_semaphore, #tpu.memory_space<semaphore_mem>>) {add = true}
        %dma_wait3A_89 = arith.constant 0 : i32
        %dma_wait3A_90 = tpu.memref_slice %arg8[%add3A_75, %dma_wait3A_89] : memref<40x128xi32, #tpu.memory_space<vmem>> -> memref<1x128xi32, #tpu.memory_space<vmem>>
        %dma_wait3A_91 = tpu.memref_squeeze %dma_wait3A_90 : memref<1x128xi32, #tpu.memory_space<vmem>> -> memref<128xi32, #tpu.memory_space<vmem>>
        %dma_wait3A_92 = arith.constant 0 : i32
        %dma_wait3A_93 = arith.constant 0 : i32
        %dma_wait3A_94 = tpu.memref_slice %arg11[%dma_wait3A_92, %dma_wait3A_93] : memref<10240x128xf32, #tpu.memory_space<vmem_shared>> -> memref<10240x128xf32, #tpu.memory_space<vmem_shared>>
        tpu.wait_indirect_dma semaphore(%run_scoped3A : memref<!tpu.dma_semaphore, #tpu.memory_space<semaphore_mem>>) src(%arg10 : memref<128x128xf32, #tpu.memory_space<vmem>>) dst(%dma_wait3A_94 : memref<10240x128xf32, #tpu.memory_space<vmem_shared>>)
        tpu.yield
      }) : () -> ()
      %add3A_76 = arith.constant 1 : i32
      %add3A_77 = arith.addi %scan3A_54, %add3A_76 : i32
      %lt3A_78 = arith.constant 20 : i32
      %lt3A_79 = arith.cmpi slt, %add3A_77, %lt3A_78 : i32
      %convert_element_type3A_80 = arith.extui %lt3A_79 : i1 to i32
      %cond3A_81 = arith.constant 0 : i32
      %cond3A_82 = arith.cmpi ne, %convert_element_type3A_80, %cond3A_81 : i32
      scf.if %cond3A_82 {
        %add3A_83 = arith.constant 3 : i32
        %add3A_84 = arith.addi %mul3A_56, %add3A_83 : i32
        %dma_start3A_85 = arith.constant 0 : i32
        %dma_start3A_86 = tpu.memref_slice %arg7[%add3A_84, %dma_start3A_85] : memref<40x128xi32, #tpu.memory_space<vmem>> -> memref<1x128xi32, #tpu.memory_space<vmem>>
        %dma_start3A_87 = tpu.memref_squeeze %dma_start3A_86 : memref<1x128xi32, #tpu.memory_space<vmem>> -> memref<128xi32, #tpu.memory_space<vmem>>
        %dma_start3A_88 = arith.constant 0 : i32
        %dma_start3A_89 = arith.constant 0 : i32
        %dma_start3A_90 = tpu.memref_slice %arg2[%dma_start3A_88, %dma_start3A_89] : memref<10240x128xf32, #tpu.memory_space<hbm>> -> memref<10240x128xf32, #tpu.memory_space<hbm>>
        tpu.enqueue_indirect_dma source(%dma_start3A_90 : memref<10240x128xf32, #tpu.memory_space<hbm>>) target(%arg10 : memref<128x128xf32, #tpu.memory_space<vmem>>) offsets(%dma_start3A_87 : memref<128xi32, #tpu.memory_space<vmem>>) semaphore(%arg13 : memref<!tpu.dma_semaphore, #tpu.memory_space<semaphore_mem>>)
      } else {
      }
    }
    %scan3A_24 = arith.constant 20 : i32
    %mul3A_25 = arith.constant 80 : i32
    %mul3A_26 = arith.muli %mul3A_25, %add3A : i32
    %add3A_27 = arith.constant 40 : i32
    %add3A_28 = arith.addi %mul3A_26, %add3A_27 : i32
    "tpu.region"() ({
      %run_scoped3A = tpu.sem_alloc : memref<!tpu.dma_semaphore, #tpu.memory_space<semaphore_mem>>
      %dma_start3A_54 = arith.constant 0 : i32
      %dma_start3A_55 = tpu.memref_slice %arg3[%add3A_28, %dma_start3A_54] : memref<2560x128xi32, #tpu.memory_space<hbm>> -> memref<40x128xi32, #tpu.memory_space<hbm>>
      %dma_start3A_56 = arith.constant 0 : i32
      %dma_start3A_57 = tpu.memref_slice %arg3[%add3A_28, %dma_start3A_56] : memref<2560x128xi32, #tpu.memory_space<hbm>> -> memref<40x128xi32, #tpu.memory_space<hbm>>
      tpu.enqueue_dma source(%dma_start3A_57 : memref<40x128xi32, #tpu.memory_space<hbm>>) target(%arg7 : memref<40x128xi32, #tpu.memory_space<vmem>>) target_semaphore(%run_scoped3A : memref<!tpu.dma_semaphore, #tpu.memory_space<semaphore_mem>>)
      %dma_wait3A = arith.constant 0 : i32
      %dma_wait3A_58 = tpu.memref_slice %arg3[%add3A_28, %dma_wait3A] : memref<2560x128xi32, #tpu.memory_space<hbm>> -> memref<40x128xi32, #tpu.memory_space<hbm>>
      %dma_wait3A_59 = arith.constant 0 : i32
      %dma_wait3A_60 = tpu.memref_slice %arg3[%add3A_28, %dma_wait3A_59] : memref<2560x128xi32, #tpu.memory_space<hbm>> -> memref<40x128xi32, #tpu.memory_space<hbm>>
      tpu.wait_dma2 semaphore(%run_scoped3A : memref<!tpu.dma_semaphore, #tpu.memory_space<semaphore_mem>>) src(%dma_wait3A_60 : memref<40x128xi32, #tpu.memory_space<hbm>>) dst(%arg7 : memref<40x128xi32, #tpu.memory_space<vmem>>)
      tpu.yield
    }) : () -> ()
    "tpu.region"() ({
      %run_scoped3A = tpu.sem_alloc : memref<!tpu.dma_semaphore, #tpu.memory_space<semaphore_mem>>
      %dma_start3A_54 = arith.constant 0 : i32
      %dma_start3A_55 = tpu.memref_slice %arg4[%add3A_28, %dma_start3A_54] : memref<2560x128xi32, #tpu.memory_space<hbm>> -> memref<40x128xi32, #tpu.memory_space<hbm>>
      %dma_start3A_56 = arith.constant 0 : i32
      %dma_start3A_57 = tpu.memref_slice %arg4[%add3A_28, %dma_start3A_56] : memref<2560x128xi32, #tpu.memory_space<hbm>> -> memref<40x128xi32, #tpu.memory_space<hbm>>
      tpu.enqueue_dma source(%dma_start3A_57 : memref<40x128xi32, #tpu.memory_space<hbm>>) target(%arg8 : memref<40x128xi32, #tpu.memory_space<vmem>>) target_semaphore(%run_scoped3A : memref<!tpu.dma_semaphore, #tpu.memory_space<semaphore_mem>>)
      %dma_wait3A = arith.constant 0 : i32
      %dma_wait3A_58 = tpu.memref_slice %arg4[%add3A_28, %dma_wait3A] : memref<2560x128xi32, #tpu.memory_space<hbm>> -> memref<40x128xi32, #tpu.memory_space<hbm>>
      %dma_wait3A_59 = arith.constant 0 : i32
      %dma_wait3A_60 = tpu.memref_slice %arg4[%add3A_28, %dma_wait3A_59] : memref<2560x128xi32, #tpu.memory_space<hbm>> -> memref<40x128xi32, #tpu.memory_space<hbm>>
      tpu.wait_dma2 semaphore(%run_scoped3A : memref<!tpu.dma_semaphore, #tpu.memory_space<semaphore_mem>>) src(%dma_wait3A_60 : memref<40x128xi32, #tpu.memory_space<hbm>>) dst(%arg8 : memref<40x128xi32, #tpu.memory_space<vmem>>)
      tpu.yield
    }) : () -> ()
    %dma_start3A_29 = arith.constant 0 : i32
    %dma_start3A_30 = arith.constant 0 : i32
    %dma_start3A_31 = tpu.memref_slice %arg7[%dma_start3A_29, %dma_start3A_30] : memref<40x128xi32, #tpu.memory_space<vmem>> -> memref<1x128xi32, #tpu.memory_space<vmem>>
    %dma_start3A_32 = tpu.memref_squeeze %dma_start3A_31 : memref<1x128xi32, #tpu.memory_space<vmem>> -> memref<128xi32, #tpu.memory_space<vmem>>
    %dma_start3A_33 = arith.constant 0 : i32
    %dma_start3A_34 = arith.constant 0 : i32
    %dma_start3A_35 = tpu.memref_slice %arg2[%dma_start3A_33, %dma_start3A_34] : memref<10240x128xf32, #tpu.memory_space<hbm>> -> memref<10240x128xf32, #tpu.memory_space<hbm>>
    tpu.enqueue_indirect_dma source(%dma_start3A_35 : memref<10240x128xf32, #tpu.memory_space<hbm>>) target(%arg9 : memref<128x128xf32, #tpu.memory_space<vmem>>) offsets(%dma_start3A_32 : memref<128xi32, #tpu.memory_space<vmem>>) semaphore(%arg12 : memref<!tpu.dma_semaphore, #tpu.memory_space<semaphore_mem>>)
    %dma_start3A_36 = arith.constant 1 : i32
    %dma_start3A_37 = arith.constant 0 : i32
    %dma_start3A_38 = tpu.memref_slice %arg7[%dma_start3A_36, %dma_start3A_37] : memref<40x128xi32, #tpu.memory_space<vmem>> -> memref<1x128xi32, #tpu.memory_space<vmem>>
    %dma_start3A_39 = tpu.memref_squeeze %dma_start3A_38 : memref<1x128xi32, #tpu.memory_space<vmem>> -> memref<128xi32, #tpu.memory_space<vmem>>
    %dma_start3A_40 = arith.constant 0 : i32
    %dma_start3A_41 = arith.constant 0 : i32
    %dma_start3A_42 = tpu.memref_slice %arg2[%dma_start3A_40, %dma_start3A_41] : memref<10240x128xf32, #tpu.memory_space<hbm>> -> memref<10240x128xf32, #tpu.memory_space<hbm>>
    tpu.enqueue_indirect_dma source(%dma_start3A_42 : memref<10240x128xf32, #tpu.memory_space<hbm>>) target(%arg10 : memref<128x128xf32, #tpu.memory_space<vmem>>) offsets(%dma_start3A_39 : memref<128xi32, #tpu.memory_space<vmem>>) semaphore(%arg13 : memref<!tpu.dma_semaphore, #tpu.memory_space<semaphore_mem>>)
    %scan3A_43 = arith.constant 0 : i32
    %scan3A_44 = arith.constant 0 : i32
    %scan3A_45 = arith.constant 20 : i32
    %scan3A_46 = arith.addi %scan3A_44, %scan3A_45 : i32
    %scan3A_47 = arith.constant 1 : i32
    scf.for %scan3A_54 = %scan3A_44 to %scan3A_46 step %scan3A_47  : i32 {
      %mul3A_55 = arith.constant 2 : i32
      %mul3A_56 = arith.muli %mul3A_55, %scan3A_54 : i32
      %dma_wait3A = arith.constant 0 : i32
      %dma_wait3A_57 = arith.constant 0 : i32
      %dma_wait3A_58 = tpu.memref_slice %arg7[%dma_wait3A, %dma_wait3A_57] : memref<40x128xi32, #tpu.memory_space<vmem>> -> memref<1x128xi32, #tpu.memory_space<vmem>>
      %dma_wait3A_59 = tpu.memref_squeeze %dma_wait3A_58 : memref<1x128xi32, #tpu.memory_space<vmem>> -> memref<128xi32, #tpu.memory_space<vmem>>
      %dma_wait3A_60 = arith.constant 0 : i32
      %dma_wait3A_61 = arith.constant 0 : i32
      %dma_wait3A_62 = tpu.memref_slice %arg2[%dma_wait3A_60, %dma_wait3A_61] : memref<10240x128xf32, #tpu.memory_space<hbm>> -> memref<10240x128xf32, #tpu.memory_space<hbm>>
      tpu.wait_indirect_dma semaphore(%arg12 : memref<!tpu.dma_semaphore, #tpu.memory_space<semaphore_mem>>) src(%dma_wait3A_62 : memref<10240x128xf32, #tpu.memory_space<hbm>>) dst(%arg9 : memref<128x128xf32, #tpu.memory_space<vmem>>)
      "tpu.region"() ({
        %run_scoped3A = tpu.sem_alloc : memref<!tpu.dma_semaphore, #tpu.memory_space<semaphore_mem>>
        %dma_start3A_83 = arith.constant 0 : i32
        %dma_start3A_84 = tpu.memref_slice %arg8[%mul3A_56, %dma_start3A_83] : memref<40x128xi32, #tpu.memory_space<vmem>> -> memref<1x128xi32, #tpu.memory_space<vmem>>
        %dma_start3A_85 = tpu.memref_squeeze %dma_start3A_84 : memref<1x128xi32, #tpu.memory_space<vmem>> -> memref<128xi32, #tpu.memory_space<vmem>>
        %dma_start3A_86 = arith.constant 0 : i32
        %dma_start3A_87 = arith.constant 0 : i32
        %dma_start3A_88 = tpu.memref_slice %arg11[%dma_start3A_86, %dma_start3A_87] : memref<10240x128xf32, #tpu.memory_space<vmem_shared>> -> memref<10240x128xf32, #tpu.memory_space<vmem_shared>>
        tpu.enqueue_indirect_dma source(%arg9 : memref<128x128xf32, #tpu.memory_space<vmem>>) target(%dma_start3A_88 : memref<10240x128xf32, #tpu.memory_space<vmem_shared>>) offsets(%dma_start3A_85 : memref<128xi32, #tpu.memory_space<vmem>>) semaphore(%run_scoped3A : memref<!tpu.dma_semaphore, #tpu.memory_space<semaphore_mem>>) {add = true}
        %dma_wait3A_89 = arith.constant 0 : i32
        %dma_wait3A_90 = tpu.memref_slice %arg8[%mul3A_56, %dma_wait3A_89] : memref<40x128xi32, #tpu.memory_space<vmem>> -> memref<1x128xi32, #tpu.memory_space<vmem>>
        %dma_wait3A_91 = tpu.memref_squeeze %dma_wait3A_90 : memref<1x128xi32, #tpu.memory_space<vmem>> -> memref<128xi32, #tpu.memory_space<vmem>>
        %dma_wait3A_92 = arith.constant 0 : i32
        %dma_wait3A_93 = arith.constant 0 : i32
        %dma_wait3A_94 = tpu.memref_slice %arg11[%dma_wait3A_92, %dma_wait3A_93] : memref<10240x128xf32, #tpu.memory_space<vmem_shared>> -> memref<10240x128xf32, #tpu.memory_space<vmem_shared>>
        tpu.wait_indirect_dma semaphore(%run_scoped3A : memref<!tpu.dma_semaphore, #tpu.memory_space<semaphore_mem>>) src(%arg9 : memref<128x128xf32, #tpu.memory_space<vmem>>) dst(%dma_wait3A_94 : memref<10240x128xf32, #tpu.memory_space<vmem_shared>>)
        tpu.yield
      }) : () -> ()
      %add3A_63 = arith.constant 1 : i32
      %add3A_64 = arith.addi %scan3A_54, %add3A_63 : i32
      %lt3A = arith.constant 20 : i32
      %lt3A_65 = arith.cmpi slt, %add3A_64, %lt3A : i32
      %convert_element_type3A = arith.extui %lt3A_65 : i1 to i32
      %cond3A = arith.constant 0 : i32
      %cond3A_66 = arith.cmpi ne, %convert_element_type3A, %cond3A : i32
      scf.if %cond3A_66 {
        %add3A_83 = arith.constant 2 : i32
        %add3A_84 = arith.addi %mul3A_56, %add3A_83 : i32
        %dma_start3A_85 = arith.constant 0 : i32
        %dma_start3A_86 = tpu.memref_slice %arg7[%add3A_84, %dma_start3A_85] : memref<40x128xi32, #tpu.memory_space<vmem>> -> memref<1x128xi32, #tpu.memory_space<vmem>>
        %dma_start3A_87 = tpu.memref_squeeze %dma_start3A_86 : memref<1x128xi32, #tpu.memory_space<vmem>> -> memref<128xi32, #tpu.memory_space<vmem>>
        %dma_start3A_88 = arith.constant 0 : i32
        %dma_start3A_89 = arith.constant 0 : i32
        %dma_start3A_90 = tpu.memref_slice %arg2[%dma_start3A_88, %dma_start3A_89] : memref<10240x128xf32, #tpu.memory_space<hbm>> -> memref<10240x128xf32, #tpu.memory_space<hbm>>
        tpu.enqueue_indirect_dma source(%dma_start3A_90 : memref<10240x128xf32, #tpu.memory_space<hbm>>) target(%arg9 : memref<128x128xf32, #tpu.memory_space<vmem>>) offsets(%dma_start3A_87 : memref<128xi32, #tpu.memory_space<vmem>>) semaphore(%arg12 : memref<!tpu.dma_semaphore, #tpu.memory_space<semaphore_mem>>)
      } else {
      }
      %dma_wait3A_67 = arith.constant 1 : i32
      %dma_wait3A_68 = arith.constant 0 : i32
      %dma_wait3A_69 = tpu.memref_slice %arg7[%dma_wait3A_67, %dma_wait3A_68] : memref<40x128xi32, #tpu.memory_space<vmem>> -> memref<1x128xi32, #tpu.memory_space<vmem>>
      %dma_wait3A_70 = tpu.memref_squeeze %dma_wait3A_69 : memref<1x128xi32, #tpu.memory_space<vmem>> -> memref<128xi32, #tpu.memory_space<vmem>>
      %dma_wait3A_71 = arith.constant 0 : i32
      %dma_wait3A_72 = arith.constant 0 : i32
      %dma_wait3A_73 = tpu.memref_slice %arg2[%dma_wait3A_71, %dma_wait3A_72] : memref<10240x128xf32, #tpu.memory_space<hbm>> -> memref<10240x128xf32, #tpu.memory_space<hbm>>
      tpu.wait_indirect_dma semaphore(%arg13 : memref<!tpu.dma_semaphore, #tpu.memory_space<semaphore_mem>>) src(%dma_wait3A_73 : memref<10240x128xf32, #tpu.memory_space<hbm>>) dst(%arg10 : memref<128x128xf32, #tpu.memory_space<vmem>>)
      %add3A_74 = arith.constant 1 : i32
      %add3A_75 = arith.addi %mul3A_56, %add3A_74 : i32
      "tpu.region"() ({
        %run_scoped3A = tpu.sem_alloc : memref<!tpu.dma_semaphore, #tpu.memory_space<semaphore_mem>>
        %dma_start3A_83 = arith.constant 0 : i32
        %dma_start3A_84 = tpu.memref_slice %arg8[%add3A_75, %dma_start3A_83] : memref<40x128xi32, #tpu.memory_space<vmem>> -> memref<1x128xi32, #tpu.memory_space<vmem>>
        %dma_start3A_85 = tpu.memref_squeeze %dma_start3A_84 : memref<1x128xi32, #tpu.memory_space<vmem>> -> memref<128xi32, #tpu.memory_space<vmem>>
        %dma_start3A_86 = arith.constant 0 : i32
        %dma_start3A_87 = arith.constant 0 : i32
        %dma_start3A_88 = tpu.memref_slice %arg11[%dma_start3A_86, %dma_start3A_87] : memref<10240x128xf32, #tpu.memory_space<vmem_shared>> -> memref<10240x128xf32, #tpu.memory_space<vmem_shared>>
        tpu.enqueue_indirect_dma source(%arg10 : memref<128x128xf32, #tpu.memory_space<vmem>>) target(%dma_start3A_88 : memref<10240x128xf32, #tpu.memory_space<vmem_shared>>) offsets(%dma_start3A_85 : memref<128xi32, #tpu.memory_space<vmem>>) semaphore(%run_scoped3A : memref<!tpu.dma_semaphore, #tpu.memory_space<semaphore_mem>>) {add = true}
        %dma_wait3A_89 = arith.constant 0 : i32
        %dma_wait3A_90 = tpu.memref_slice %arg8[%add3A_75, %dma_wait3A_89] : memref<40x128xi32, #tpu.memory_space<vmem>> -> memref<1x128xi32, #tpu.memory_space<vmem>>
        %dma_wait3A_91 = tpu.memref_squeeze %dma_wait3A_90 : memref<1x128xi32, #tpu.memory_space<vmem>> -> memref<128xi32, #tpu.memory_space<vmem>>
        %dma_wait3A_92 = arith.constant 0 : i32
        %dma_wait3A_93 = arith.constant 0 : i32
        %dma_wait3A_94 = tpu.memref_slice %arg11[%dma_wait3A_92, %dma_wait3A_93] : memref<10240x128xf32, #tpu.memory_space<vmem_shared>> -> memref<10240x128xf32, #tpu.memory_space<vmem_shared>>
        tpu.wait_indirect_dma semaphore(%run_scoped3A : memref<!tpu.dma_semaphore, #tpu.memory_space<semaphore_mem>>) src(%arg10 : memref<128x128xf32, #tpu.memory_space<vmem>>) dst(%dma_wait3A_94 : memref<10240x128xf32, #tpu.memory_space<vmem_shared>>)
        tpu.yield
      }) : () -> ()
      %add3A_76 = arith.constant 1 : i32
      %add3A_77 = arith.addi %scan3A_54, %add3A_76 : i32
      %lt3A_78 = arith.constant 20 : i32
      %lt3A_79 = arith.cmpi slt, %add3A_77, %lt3A_78 : i32
      %convert_element_type3A_80 = arith.extui %lt3A_79 : i1 to i32
      %cond3A_81 = arith.constant 0 : i32
      %cond3A_82 = arith.cmpi ne, %convert_element_type3A_80, %cond3A_81 : i32
      scf.if %cond3A_82 {
        %add3A_83 = arith.constant 3 : i32
        %add3A_84 = arith.addi %mul3A_56, %add3A_83 : i32
        %dma_start3A_85 = arith.constant 0 : i32
        %dma_start3A_86 = tpu.memref_slice %arg7[%add3A_84, %dma_start3A_85] : memref<40x128xi32, #tpu.memory_space<vmem>> -> memref<1x128xi32, #tpu.memory_space<vmem>>
        %dma_start3A_87 = tpu.memref_squeeze %dma_start3A_86 : memref<1x128xi32, #tpu.memory_space<vmem>> -> memref<128xi32, #tpu.memory_space<vmem>>
        %dma_start3A_88 = arith.constant 0 : i32
        %dma_start3A_89 = arith.constant 0 : i32
        %dma_start3A_90 = tpu.memref_slice %arg2[%dma_start3A_88, %dma_start3A_89] : memref<10240x128xf32, #tpu.memory_space<hbm>> -> memref<10240x128xf32, #tpu.memory_space<hbm>>
        tpu.enqueue_indirect_dma source(%dma_start3A_90 : memref<10240x128xf32, #tpu.memory_space<hbm>>) target(%arg10 : memref<128x128xf32, #tpu.memory_space<vmem>>) offsets(%dma_start3A_87 : memref<128xi32, #tpu.memory_space<vmem>>) semaphore(%arg13 : memref<!tpu.dma_semaphore, #tpu.memory_space<semaphore_mem>>)
      } else {
      }
    }
    %scan3A_48 = arith.constant 20 : i32
    %barrier3A_49 = arith.constant 0 : index
    tpu.barrier barrier_id(%barrier3A_49)
    %mul3A_50 = arith.constant 640 : i32
    %mul3A_51 = arith.muli %mul3A_50, %arg1 : i32
    %mul3A_52 = arith.constant 640 : i32
    %mul3A_53 = arith.muli %mul3A_52, %arg1 : i32
    "tpu.region"() ({
      %run_scoped3A = tpu.sem_alloc : memref<!tpu.dma_semaphore, #tpu.memory_space<semaphore_mem>>
      %dma_start3A_54 = arith.constant 0 : i32
      %dma_start3A_55 = tpu.memref_slice %arg6[%arg0, %mul3A_53, %dma_start3A_54] : memref<2x10240x128xf32, #tpu.memory_space<hbm>> -> memref<1x640x128xf32, #tpu.memory_space<hbm>>
      %dma_start3A_56 = tpu.memref_squeeze %dma_start3A_55 : memref<1x640x128xf32, #tpu.memory_space<hbm>> -> memref<640x128xf32, #tpu.memory_space<hbm>>
      %dma_start3A_57 = arith.constant 0 : i32
      %dma_start3A_58 = tpu.memref_slice %arg11[%mul3A_51, %dma_start3A_57] : memref<10240x128xf32, #tpu.memory_space<vmem_shared>> -> memref<640x128xf32, #tpu.memory_space<vmem_shared>>
      tpu.enqueue_dma source(%dma_start3A_58 : memref<640x128xf32, #tpu.memory_space<vmem_shared>>) target(%dma_start3A_56 : memref<640x128xf32, #tpu.memory_space<hbm>>) target_semaphore(%run_scoped3A : memref<!tpu.dma_semaphore, #tpu.memory_space<semaphore_mem>>)
      %dma_wait3A = arith.constant 0 : i32
      %dma_wait3A_59 = tpu.memref_slice %arg6[%arg0, %mul3A_53, %dma_wait3A] : memref<2x10240x128xf32, #tpu.memory_space<hbm>> -> memref<1x640x128xf32, #tpu.memory_space<hbm>>
      %dma_wait3A_60 = tpu.memref_squeeze %dma_wait3A_59 : memref<1x640x128xf32, #tpu.memory_space<hbm>> -> memref<640x128xf32, #tpu.memory_space<hbm>>
      %dma_wait3A_61 = arith.constant 0 : i32
      %dma_wait3A_62 = tpu.memref_slice %arg11[%mul3A_51, %dma_wait3A_61] : memref<10240x128xf32, #tpu.memory_space<vmem_shared>> -> memref<640x128xf32, #tpu.memory_space<vmem_shared>>
      tpu.wait_dma2 semaphore(%run_scoped3A : memref<!tpu.dma_semaphore, #tpu.memory_space<semaphore_mem>>) src(%dma_wait3A_62 : memref<640x128xf32, #tpu.memory_space<vmem_shared>>) dst(%dma_wait3A_60 : memref<640x128xf32, #tpu.memory_space<hbm>>)
      tpu.yield
    }) : () -> ()
    return
  }
}

module attributes {stable_mosaic.version = 14 : i64} {
  func.func @body(%arg0: i32, %arg1: memref<2048x128xf32, #tpu.memory_space<vmem>>, %arg2: memref<128x128xf32, #tpu.memory_space<vmem>>, %arg3: memref<1x128xf32, #tpu.memory_space<vmem>>, %arg4: memref<128x128xf32, #tpu.memory_space<vmem>>, %arg5: memref<2048x128xf32, #tpu.memory_space<vmem>>, %arg6: memref<2048x128xf32, #tpu.memory_space<vmem>>) attributes {dimension_semantics = [#tpu.dimension_semantics<arbitrary>], iteration_bounds = array<i64: 5>, scalar_prefetch = 0 : i64, scratch_operands = 0 : i64, tpu.core_type = #tpu.core_type<tc>, window_params = [{transform_indices = @transform_0, window_bounds = array<i64: 2048, 128>}, {pipeline_mode = #tpu.pipeline_mode<synchronous>, transform_indices = @transform_1, window_bounds = array<i64: 128, 128>}, {pipeline_mode = #tpu.pipeline_mode<synchronous>, transform_indices = @transform_2, window_bounds = array<i64: 1, 128>}, {pipeline_mode = #tpu.pipeline_mode<synchronous>, transform_indices = @transform_3, window_bounds = array<i64: 128, 128>}, {transform_indices = @transform_4, window_bounds = array<i64: 2048, 128>}, {transform_indices = @transform_5, window_bounds = array<i64: 2048, 128>}]} {
    %get3A = arith.constant 0 : index
    %get3A_0 = arith.constant 0 : index
    %get3A_1 = vector.load %arg1[%get3A, %get3A_0] : memref<2048x128xf32, #tpu.memory_space<vmem>>, vector<2048x128xf32>
    %get3A_2 = arith.constant 0 : index
    %get3A_3 = arith.constant 0 : index
    %get3A_4 = vector.load %arg2[%get3A_2, %get3A_3] : memref<128x128xf32, #tpu.memory_space<vmem>>, vector<128x128xf32>
    %dot_general3A = arith.constant dense<0.000000e+00> : vector<2048x128xf32>
    %dot_general3A_5 = tpu.matmul %get3A_1, %get3A_4, %dot_general3A {dimension_numbers = #tpu.dot_dimension_numbers<[1], [0], [0], [1], [0, 0, 1, 1], [], []>, transpose_lhs_hint = false} : vector<2048x128xf32>, vector<128x128xf32>, vector<2048x128xf32> -> vector<2048x128xf32>
    %get3A_6 = arith.constant 0 : index
    %get3A_7 = arith.constant 0 : index
    %get3A_8 = vector.load %arg3[%get3A_6, %get3A_7] : memref<1x128xf32, #tpu.memory_space<vmem>>, vector<1x128xf32>
    %add3A = vector.broadcast %get3A_8 : vector<1x128xf32> to vector<2048x128xf32>
    %add3A_9 = arith.addf %dot_general3A_5, %add3A : vector<2048x128xf32>
    %swap3A = arith.constant 0 : index
    %swap3A_10 = arith.constant 0 : index
    %swap3A_11 = vector.load %arg5[%swap3A, %swap3A_10] : memref<2048x128xf32, #tpu.memory_space<vmem>>, vector<2048x128xf32>
    tpu.vector_store %arg5[%swap3A, %swap3A_10], %add3A_9 {strides = array<i32>} : memref<2048x128xf32, #tpu.memory_space<vmem>>, vector<2048x128xf32>,
    %get3A_12 = arith.constant 0 : index
    %get3A_13 = arith.constant 0 : index
    %get3A_14 = vector.load %arg4[%get3A_12, %get3A_13] : memref<128x128xf32, #tpu.memory_space<vmem>>, vector<128x128xf32>
    %dot_general3A_15 = arith.constant dense<0.000000e+00> : vector<2048x128xf32>
    %dot_general3A_16 = tpu.matmul %add3A_9, %get3A_14, %dot_general3A_15 {dimension_numbers = #tpu.dot_dimension_numbers<[1], [0], [0], [1], [0, 0, 1, 1], [], []>, transpose_lhs_hint = false} : vector<2048x128xf32>, vector<128x128xf32>, vector<2048x128xf32> -> vector<2048x128xf32>
    %swap3A_17 = arith.constant 0 : index
    %swap3A_18 = arith.constant 0 : index
    %swap3A_19 = vector.load %arg6[%swap3A_17, %swap3A_18] : memref<2048x128xf32, #tpu.memory_space<vmem>>, vector<2048x128xf32>
    tpu.vector_store %arg6[%swap3A_17, %swap3A_18], %dot_general3A_16 {strides = array<i32>} : memref<2048x128xf32, #tpu.memory_space<vmem>>, vector<2048x128xf32>,
    return
  }
  func.func @transform_0(%arg0: i32) -> (i32, i32) {
    %c0_i32 = arith.constant 0 : i32
    %c0_i32_0 = arith.constant 0 : i32
    return %arg0, %c0_i32 : i32, i32
  }
  func.func @transform_1(%arg0: i32) -> (i32, i32) {
    %c0_i32 = arith.constant 0 : i32
    %c0_i32_0 = arith.constant 0 : i32
    %c0_i32_1 = arith.constant 0 : i32
    return %c0_i32, %c0_i32_0 : i32, i32
  }
  func.func @transform_2(%arg0: i32) -> (i32, i32) {
    %c0_i32 = arith.constant 0 : i32
    %c0_i32_0 = arith.constant 0 : i32
    %c0_i32_1 = arith.constant 0 : i32
    return %c0_i32, %c0_i32_0 : i32, i32
  }
  func.func @transform_3(%arg0: i32) -> (i32, i32) {
    %c0_i32 = arith.constant 0 : i32
    %c0_i32_0 = arith.constant 0 : i32
    %c0_i32_1 = arith.constant 0 : i32
    return %c0_i32, %c0_i32_0 : i32, i32
  }
  func.func @transform_4(%arg0: i32) -> (i32, i32) {
    %c0_i32 = arith.constant 0 : i32
    %c0_i32_0 = arith.constant 0 : i32
    return %arg0, %c0_i32 : i32, i32
  }
  func.func @transform_5(%arg0: i32) -> (i32, i32) {
    %c0_i32 = arith.constant 0 : i32
    %c0_i32_0 = arith.constant 0 : i32
    return %arg0, %c0_i32 : i32, i32
  }
}

module attributes {stable_mosaic.version = 14 : i64} {
  func.func @body(%arg0: i32, %arg1: memref<2048x128xf32, #tpu.memory_space<vmem>>, %arg2: memref<2x2048x128xf32, #tpu.memory_space<vmem>>, %arg3: memref<2048x128xf32, #tpu.memory_space<vmem>>) attributes {dimension_semantics = [#tpu.dimension_semantics<arbitrary>], iteration_bounds = array<i64: 5>, scalar_prefetch = 0 : i64, scratch_operands = 0 : i64, tpu.core_type = #tpu.core_type<tc>, window_params = [{transform_indices = @transform_0, window_bounds = array<i64: 2048, 128>}, {transform_indices = @transform_1, window_bounds = array<i64: 2, 2048, 128>}, {transform_indices = @transform_2, window_bounds = array<i64: 2048, 128>}]} {
    %get3A = arith.constant 0 : index
    %get3A_0 = arith.constant 0 : index
    %get3A_1 = arith.constant 0 : index
    %get3A_2 = vector.load %arg2[%get3A, %get3A_0, %get3A_1] : memref<2x2048x128xf32, #tpu.memory_space<vmem>>, vector<2x2048x128xf32>
    %slice3A = vector.extract_strided_slice %get3A_2 {offsets = [0, 0, 0], sizes = [1, 2048, 1], strides = [1, 1, 1]} : vector<2x2048x128xf32> to vector<1x2048x1xf32>
    %squeeze3A = vector.shape_cast %slice3A : vector<1x2048x1xf32> to vector<2048x1xf32>
    %slice3A_3 = vector.extract_strided_slice %get3A_2 {offsets = [1, 0, 0], sizes = [1, 2048, 1], strides = [1, 1, 1]} : vector<2x2048x128xf32> to vector<1x2048x1xf32>
    %squeeze3A_4 = vector.shape_cast %slice3A_3 : vector<1x2048x1xf32> to vector<2048x1xf32>
    %add3A = arith.addf %squeeze3A, %squeeze3A_4 : vector<2048x1xf32>
    %add3A_5 = arith.constant 1.000000e+00 : f32
    %add3A_6 = vector.broadcast %add3A_5 : f32 to vector<2048x1xf32>
    %add3A_7 = arith.addf %add3A, %add3A_6 : vector<2048x1xf32>
    %rsqrt3A = math.rsqrt %add3A_7 : vector<2048x1xf32>
    %get3A_8 = arith.constant 0 : index
    %get3A_9 = arith.constant 0 : index
    %get3A_10 = vector.load %arg1[%get3A_8, %get3A_9] : memref<2048x128xf32, #tpu.memory_space<vmem>>, vector<2048x128xf32>
    %mul3A = vector.broadcast %rsqrt3A : vector<2048x1xf32> to vector<2048x128xf32>
    %mul3A_11 = arith.mulf %get3A_10, %mul3A : vector<2048x128xf32>
    %swap3A = arith.constant 0 : index
    %swap3A_12 = arith.constant 0 : index
    %swap3A_13 = vector.load %arg3[%swap3A, %swap3A_12] : memref<2048x128xf32, #tpu.memory_space<vmem>>, vector<2048x128xf32>
    tpu.vector_store %arg3[%swap3A, %swap3A_12], %mul3A_11 {strides = array<i32>} : memref<2048x128xf32, #tpu.memory_space<vmem>>, vector<2048x128xf32>,
    return
  }
  func.func @transform_0(%arg0: i32) -> (i32, i32) {
    %c0_i32 = arith.constant 0 : i32
    %c0_i32_0 = arith.constant 0 : i32
    return %arg0, %c0_i32 : i32, i32
  }
  func.func @transform_1(%arg0: i32) -> (i32, i32, i32) {
    %c0_i32 = arith.constant 0 : i32
    %c0_i32_0 = arith.constant 0 : i32
    %c0_i32_1 = arith.constant 0 : i32
    return %c0_i32, %arg0, %c0_i32_0 : i32, i32, i32
  }
  func.func @transform_2(%arg0: i32) -> (i32, i32) {
    %c0_i32 = arith.constant 0 : i32
    %c0_i32_0 = arith.constant 0 : i32
    return %arg0, %c0_i32 : i32, i32
  }
}

module attributes {stable_mosaic.version = 14 : i64} {
  func.func @body(%arg0: i32, %arg1: memref<2048x128xf32, #tpu.memory_space<vmem>>, %arg2: memref<2048x128xf32, #tpu.memory_space<vmem>>, %arg3: memref<2x2048x128xf32, #tpu.memory_space<vmem>>, %arg4: memref<2x2048x128xf32, #tpu.memory_space<vmem>>, %arg5: memref<128x128xf32, #tpu.memory_space<vmem>>, %arg6: memref<128x128xf32, #tpu.memory_space<vmem>>, %arg7: memref<1x128xf32, #tpu.memory_space<vmem>>, %arg8: memref<1x128xf32, #tpu.memory_space<vmem>>, %arg9: memref<128x128xf32, #tpu.memory_space<vmem>>, %arg10: memref<1x128xf32, #tpu.memory_space<vmem>>, %arg11: memref<128x128xf32, #tpu.memory_space<vmem>>, %arg12: memref<2048x128xf32, #tpu.memory_space<vmem>>, %arg13: memref<2048x128xf32, #tpu.memory_space<vmem>>, %arg14: memref<2048x128xf32, #tpu.memory_space<vmem>>) attributes {dimension_semantics = [#tpu.dimension_semantics<arbitrary>], iteration_bounds = array<i64: 5>, scalar_prefetch = 0 : i64, scratch_operands = 0 : i64, tpu.core_type = #tpu.core_type<tc>, window_params = [{transform_indices = @transform_0, window_bounds = array<i64: 2048, 128>}, {transform_indices = @transform_1, window_bounds = array<i64: 2048, 128>}, {transform_indices = @transform_2, window_bounds = array<i64: 2, 2048, 128>}, {transform_indices = @transform_3, window_bounds = array<i64: 2, 2048, 128>}, {pipeline_mode = #tpu.pipeline_mode<synchronous>, transform_indices = @transform_4, window_bounds = array<i64: 128, 128>}, {pipeline_mode = #tpu.pipeline_mode<synchronous>, transform_indices = @transform_5, window_bounds = array<i64: 128, 128>}, {pipeline_mode = #tpu.pipeline_mode<synchronous>, transform_indices = @transform_6, window_bounds = array<i64: 1, 128>}, {pipeline_mode = #tpu.pipeline_mode<synchronous>, transform_indices = @transform_7, window_bounds = array<i64: 1, 128>}, {pipeline_mode = #tpu.pipeline_mode<synchronous>, transform_indices = @transform_8, window_bounds = array<i64: 128, 128>}, {pipeline_mode = #tpu.pipeline_mode<synchronous>, transform_indices = @transform_9, window_bounds = array<i64: 1, 128>}, {pipeline_mode = #tpu.pipeline_mode<synchronous>, transform_indices = @transform_10, window_bounds = array<i64: 128, 128>}, {transform_indices = @transform_11, window_bounds = array<i64: 2048, 128>}, {transform_indices = @transform_12, window_bounds = array<i64: 2048, 128>}, {transform_indices = @transform_13, window_bounds = array<i64: 2048, 128>}]} {
    %get3A = arith.constant 0 : index
    %get3A_0 = arith.constant 0 : index
    %get3A_1 = arith.constant 0 : index
    %get3A_2 = vector.load %arg4[%get3A, %get3A_0, %get3A_1] : memref<2x2048x128xf32, #tpu.memory_space<vmem>>, vector<2x2048x128xf32>
    %slice3A = vector.extract_strided_slice %get3A_2 {offsets = [0, 0, 0], sizes = [1, 2048, 1], strides = [1, 1, 1]} : vector<2x2048x128xf32> to vector<1x2048x1xf32>
    %squeeze3A = vector.shape_cast %slice3A : vector<1x2048x1xf32> to vector<2048x1xf32>
    %slice3A_3 = vector.extract_strided_slice %get3A_2 {offsets = [1, 0, 0], sizes = [1, 2048, 1], strides = [1, 1, 1]} : vector<2x2048x128xf32> to vector<1x2048x1xf32>
    %squeeze3A_4 = vector.shape_cast %slice3A_3 : vector<1x2048x1xf32> to vector<2048x1xf32>
    %add3A = arith.addf %squeeze3A, %squeeze3A_4 : vector<2048x1xf32>
    %add3A_5 = arith.constant 1.000000e+00 : f32
    %add3A_6 = vector.broadcast %add3A_5 : f32 to vector<2048x1xf32>
    %add3A_7 = arith.addf %add3A, %add3A_6 : vector<2048x1xf32>
    %rsqrt3A = math.rsqrt %add3A_7 : vector<2048x1xf32>
    %get3A_8 = arith.constant 0 : index
    %get3A_9 = arith.constant 0 : index
    %get3A_10 = arith.constant 0 : index
    %get3A_11 = vector.load %arg3[%get3A_8, %get3A_9, %get3A_10] : memref<2x2048x128xf32, #tpu.memory_space<vmem>>, vector<2x2048x128xf32>
    %slice3A_12 = vector.extract_strided_slice %get3A_11 {offsets = [0, 0, 0], sizes = [1, 2048, 128], strides = [1, 1, 1]} : vector<2x2048x128xf32> to vector<1x2048x128xf32>
    %squeeze3A_13 = vector.shape_cast %slice3A_12 : vector<1x2048x128xf32> to vector<2048x128xf32>
    %slice3A_14 = vector.extract_strided_slice %get3A_11 {offsets = [1, 0, 0], sizes = [1, 2048, 128], strides = [1, 1, 1]} : vector<2x2048x128xf32> to vector<1x2048x128xf32>
    %squeeze3A_15 = vector.shape_cast %slice3A_14 : vector<1x2048x128xf32> to vector<2048x128xf32>
    %add3A_16 = arith.addf %squeeze3A_13, %squeeze3A_15 : vector<2048x128xf32>
    %get3A_17 = arith.constant 0 : index
    %get3A_18 = arith.constant 0 : index
    %get3A_19 = vector.load %arg2[%get3A_17, %get3A_18] : memref<2048x128xf32, #tpu.memory_space<vmem>>, vector<2048x128xf32>
    %add3A_20 = arith.addf %add3A_16, %get3A_19 : vector<2048x128xf32>
    %mul3A = vector.broadcast %rsqrt3A : vector<2048x1xf32> to vector<2048x128xf32>
    %mul3A_21 = arith.mulf %mul3A, %add3A_20 : vector<2048x128xf32>
    %get3A_22 = arith.constant 0 : index
    %get3A_23 = arith.constant 0 : index
    %get3A_24 = vector.load %arg8[%get3A_22, %get3A_23] : memref<1x128xf32, #tpu.memory_space<vmem>>, vector<1x128xf32>
    %add3A_25 = vector.broadcast %get3A_24 : vector<1x128xf32> to vector<2048x128xf32>
    %add3A_26 = arith.addf %mul3A_21, %add3A_25 : vector<2048x128xf32>
    %get3A_27 = arith.constant 0 : index
    %get3A_28 = arith.constant 0 : index
    %get3A_29 = vector.load %arg1[%get3A_27, %get3A_28] : memref<2048x128xf32, #tpu.memory_space<vmem>>, vector<2048x128xf32>
    %get3A_30 = arith.constant 0 : index
    %get3A_31 = arith.constant 0 : index
    %get3A_32 = vector.load %arg5[%get3A_30, %get3A_31] : memref<128x128xf32, #tpu.memory_space<vmem>>, vector<128x128xf32>
    %dot_general3A = arith.constant dense<0.000000e+00> : vector<2048x128xf32>
    %dot_general3A_33 = tpu.matmul %get3A_29, %get3A_32, %dot_general3A {dimension_numbers = #tpu.dot_dimension_numbers<[1], [0], [0], [1], [0, 0, 1, 1], [], []>, transpose_lhs_hint = false} : vector<2048x128xf32>, vector<128x128xf32>, vector<2048x128xf32> -> vector<2048x128xf32>
    %get3A_34 = arith.constant 0 : index
    %get3A_35 = arith.constant 0 : index
    %get3A_36 = vector.load %arg6[%get3A_34, %get3A_35] : memref<128x128xf32, #tpu.memory_space<vmem>>, vector<128x128xf32>
    %dot_general3A_37 = arith.constant dense<0.000000e+00> : vector<2048x128xf32>
    %dot_general3A_38 = tpu.matmul %add3A_26, %get3A_36, %dot_general3A_37 {dimension_numbers = #tpu.dot_dimension_numbers<[1], [0], [0], [1], [0, 0, 1, 1], [], []>, transpose_lhs_hint = false} : vector<2048x128xf32>, vector<128x128xf32>, vector<2048x128xf32> -> vector<2048x128xf32>
    %add3A_39 = arith.addf %dot_general3A_33, %dot_general3A_38 : vector<2048x128xf32>
    %get3A_40 = arith.constant 0 : index
    %get3A_41 = arith.constant 0 : index
    %get3A_42 = vector.load %arg7[%get3A_40, %get3A_41] : memref<1x128xf32, #tpu.memory_space<vmem>>, vector<1x128xf32>
    %add3A_43 = vector.broadcast %get3A_42 : vector<1x128xf32> to vector<2048x128xf32>
    %add3A_44 = arith.addf %add3A_39, %add3A_43 : vector<2048x128xf32>
    %tanh3A = math.tanh %add3A_44 : vector<2048x128xf32>
    %get3A_45 = arith.constant 0 : index
    %get3A_46 = arith.constant 0 : index
    %get3A_47 = vector.load %arg9[%get3A_45, %get3A_46] : memref<128x128xf32, #tpu.memory_space<vmem>>, vector<128x128xf32>
    %dot_general3A_48 = arith.constant dense<0.000000e+00> : vector<2048x128xf32>
    %dot_general3A_49 = tpu.matmul %tanh3A, %get3A_47, %dot_general3A_48 {dimension_numbers = #tpu.dot_dimension_numbers<[1], [0], [0], [1], [0, 0, 1, 1], [], []>, transpose_lhs_hint = false} : vector<2048x128xf32>, vector<128x128xf32>, vector<2048x128xf32> -> vector<2048x128xf32>
    %get3A_50 = arith.constant 0 : index
    %get3A_51 = arith.constant 0 : index
    %get3A_52 = vector.load %arg10[%get3A_50, %get3A_51] : memref<1x128xf32, #tpu.memory_space<vmem>>, vector<1x128xf32>
    %add3A_53 = vector.broadcast %get3A_52 : vector<1x128xf32> to vector<2048x128xf32>
    %add3A_54 = arith.addf %dot_general3A_49, %add3A_53 : vector<2048x128xf32>
    %get3A_55 = arith.constant 0 : index
    %get3A_56 = arith.constant 0 : index
    %get3A_57 = vector.load %arg11[%get3A_55, %get3A_56] : memref<128x128xf32, #tpu.memory_space<vmem>>, vector<128x128xf32>
    %dot_general3A_58 = arith.constant dense<0.000000e+00> : vector<2048x128xf32>
    %dot_general3A_59 = tpu.matmul %add3A_54, %get3A_57, %dot_general3A_58 {dimension_numbers = #tpu.dot_dimension_numbers<[1], [0], [0], [1], [0, 0, 1, 1], [], []>, transpose_lhs_hint = false} : vector<2048x128xf32>, vector<128x128xf32>, vector<2048x128xf32> -> vector<2048x128xf32>
    %swap3A = arith.constant 0 : index
    %swap3A_60 = arith.constant 0 : index
    %swap3A_61 = vector.load %arg12[%swap3A, %swap3A_60] : memref<2048x128xf32, #tpu.memory_space<vmem>>, vector<2048x128xf32>
    tpu.vector_store %arg12[%swap3A, %swap3A_60], %tanh3A {strides = array<i32>} : memref<2048x128xf32, #tpu.memory_space<vmem>>, vector<2048x128xf32>,
    %swap3A_62 = arith.constant 0 : index
    %swap3A_63 = arith.constant 0 : index
    %swap3A_64 = vector.load %arg13[%swap3A_62, %swap3A_63] : memref<2048x128xf32, #tpu.memory_space<vmem>>, vector<2048x128xf32>
    tpu.vector_store %arg13[%swap3A_62, %swap3A_63], %add3A_54 {strides = array<i32>} : memref<2048x128xf32, #tpu.memory_space<vmem>>, vector<2048x128xf32>,
    %mul3A_65 = vector.broadcast %rsqrt3A : vector<2048x1xf32> to vector<2048x128xf32>
    %mul3A_66 = arith.mulf %dot_general3A_59, %mul3A_65 : vector<2048x128xf32>
    %swap3A_67 = arith.constant 0 : index
    %swap3A_68 = arith.constant 0 : index
    %swap3A_69 = vector.load %arg14[%swap3A_67, %swap3A_68] : memref<2048x128xf32, #tpu.memory_space<vmem>>, vector<2048x128xf32>
    tpu.vector_store %arg14[%swap3A_67, %swap3A_68], %mul3A_66 {strides = array<i32>} : memref<2048x128xf32, #tpu.memory_space<vmem>>, vector<2048x128xf32>,
    return
  }
  func.func @transform_0(%arg0: i32) -> (i32, i32) {
    %c0_i32 = arith.constant 0 : i32
    %c0_i32_0 = arith.constant 0 : i32
    return %arg0, %c0_i32 : i32, i32
  }
  func.func @transform_1(%arg0: i32) -> (i32, i32) {
    %c0_i32 = arith.constant 0 : i32
    %c0_i32_0 = arith.constant 0 : i32
    return %arg0, %c0_i32 : i32, i32
  }
  func.func @transform_2(%arg0: i32) -> (i32, i32, i32) {
    %c0_i32 = arith.constant 0 : i32
    %c0_i32_0 = arith.constant 0 : i32
    %c0_i32_1 = arith.constant 0 : i32
    return %c0_i32, %arg0, %c0_i32_0 : i32, i32, i32
  }
  func.func @transform_3(%arg0: i32) -> (i32, i32, i32) {
    %c0_i32 = arith.constant 0 : i32
    %c0_i32_0 = arith.constant 0 : i32
    %c0_i32_1 = arith.constant 0 : i32
    return %c0_i32, %arg0, %c0_i32_0 : i32, i32, i32
  }
  func.func @transform_4(%arg0: i32) -> (i32, i32) {
    %c0_i32 = arith.constant 0 : i32
    %c0_i32_0 = arith.constant 0 : i32
    %c0_i32_1 = arith.constant 0 : i32
    return %c0_i32, %c0_i32_0 : i32, i32
  }
  func.func @transform_5(%arg0: i32) -> (i32, i32) {
    %c0_i32 = arith.constant 0 : i32
    %c0_i32_0 = arith.constant 0 : i32
    %c0_i32_1 = arith.constant 0 : i32
    return %c0_i32, %c0_i32_0 : i32, i32
  }
  func.func @transform_6(%arg0: i32) -> (i32, i32) {
    %c0_i32 = arith.constant 0 : i32
    %c0_i32_0 = arith.constant 0 : i32
    %c0_i32_1 = arith.constant 0 : i32
    return %c0_i32, %c0_i32_0 : i32, i32
  }
  func.func @transform_7(%arg0: i32) -> (i32, i32) {
    %c0_i32 = arith.constant 0 : i32
    %c0_i32_0 = arith.constant 0 : i32
    %c0_i32_1 = arith.constant 0 : i32
    return %c0_i32, %c0_i32_0 : i32, i32
  }
  func.func @transform_8(%arg0: i32) -> (i32, i32) {
    %c0_i32 = arith.constant 0 : i32
    %c0_i32_0 = arith.constant 0 : i32
    %c0_i32_1 = arith.constant 0 : i32
    return %c0_i32, %c0_i32_0 : i32, i32
  }
  func.func @transform_9(%arg0: i32) -> (i32, i32) {
    %c0_i32 = arith.constant 0 : i32
    %c0_i32_0 = arith.constant 0 : i32
    %c0_i32_1 = arith.constant 0 : i32
    return %c0_i32, %c0_i32_0 : i32, i32
  }
  func.func @transform_10(%arg0: i32) -> (i32, i32) {
    %c0_i32 = arith.constant 0 : i32
    %c0_i32_0 = arith.constant 0 : i32
    %c0_i32_1 = arith.constant 0 : i32
    return %c0_i32, %c0_i32_0 : i32, i32
  }
  func.func @transform_11(%arg0: i32) -> (i32, i32) {
    %c0_i32 = arith.constant 0 : i32
    %c0_i32_0 = arith.constant 0 : i32
    return %arg0, %c0_i32 : i32, i32
  }
  func.func @transform_12(%arg0: i32) -> (i32, i32) {
    %c0_i32 = arith.constant 0 : i32
    %c0_i32_0 = arith.constant 0 : i32
    return %arg0, %c0_i32 : i32, i32
  }
  func.func @transform_13(%arg0: i32) -> (i32, i32) {
    %c0_i32 = arith.constant 0 : i32
    %c0_i32_0 = arith.constant 0 : i32
    return %arg0, %c0_i32 : i32, i32
  }
}

module attributes {stable_mosaic.version = 14 : i64} {
  func.func @body(%arg0: i32, %arg1: memref<2048x128xf32, #tpu.memory_space<vmem>>, %arg2: memref<2048x128xf32, #tpu.memory_space<vmem>>, %arg3: memref<2x2048x128xf32, #tpu.memory_space<vmem>>, %arg4: memref<2x2048x128xf32, #tpu.memory_space<vmem>>, %arg5: memref<128x128xf32, #tpu.memory_space<vmem>>, %arg6: memref<128x128xf32, #tpu.memory_space<vmem>>, %arg7: memref<1x128xf32, #tpu.memory_space<vmem>>, %arg8: memref<1x128xf32, #tpu.memory_space<vmem>>, %arg9: memref<2048x128xf32, #tpu.memory_space<vmem>>, %arg10: memref<2048x128xf32, #tpu.memory_space<vmem>>, %arg11: memref<256x3xf32, #tpu.memory_space<vmem>>, %arg12: memref<1x3xf32, #tpu.memory_space<vmem>>, %arg13: memref<6x2048x128xf32, #tpu.memory_space<vmem>>) attributes {dimension_semantics = [#tpu.dimension_semantics<arbitrary>], iteration_bounds = array<i64: 5>, scalar_prefetch = 0 : i64, scratch_operands = 0 : i64, tpu.core_type = #tpu.core_type<tc>, window_params = [{transform_indices = @transform_0, window_bounds = array<i64: 2048, 128>}, {transform_indices = @transform_1, window_bounds = array<i64: 2048, 128>}, {transform_indices = @transform_2, window_bounds = array<i64: 2, 2048, 128>}, {transform_indices = @transform_3, window_bounds = array<i64: 2, 2048, 128>}, {pipeline_mode = #tpu.pipeline_mode<synchronous>, transform_indices = @transform_4, window_bounds = array<i64: 128, 128>}, {pipeline_mode = #tpu.pipeline_mode<synchronous>, transform_indices = @transform_5, window_bounds = array<i64: 128, 128>}, {pipeline_mode = #tpu.pipeline_mode<synchronous>, transform_indices = @transform_6, window_bounds = array<i64: 1, 128>}, {pipeline_mode = #tpu.pipeline_mode<synchronous>, transform_indices = @transform_7, window_bounds = array<i64: 1, 128>}, {transform_indices = @transform_8, window_bounds = array<i64: 2048, 128>}, {transform_indices = @transform_9, window_bounds = array<i64: 2048, 128>}, {pipeline_mode = #tpu.pipeline_mode<synchronous>, transform_indices = @transform_10, window_bounds = array<i64: 256, 3>}, {pipeline_mode = #tpu.pipeline_mode<synchronous>, transform_indices = @transform_11, window_bounds = array<i64: 1, 3>}, {transform_indices = @transform_12, window_bounds = array<i64: 6, 2048, 128>}]} {
    %get3A = arith.constant 0 : index
    %get3A_0 = arith.constant 0 : index
    %get3A_1 = arith.constant 0 : index
    %get3A_2 = vector.load %arg4[%get3A, %get3A_0, %get3A_1] : memref<2x2048x128xf32, #tpu.memory_space<vmem>>, vector<2x2048x128xf32>
    %slice3A = vector.extract_strided_slice %get3A_2 {offsets = [0, 0, 0], sizes = [1, 2048, 1], strides = [1, 1, 1]} : vector<2x2048x128xf32> to vector<1x2048x1xf32>
    %squeeze3A = vector.shape_cast %slice3A : vector<1x2048x1xf32> to vector<2048x1xf32>
    %slice3A_3 = vector.extract_strided_slice %get3A_2 {offsets = [1, 0, 0], sizes = [1, 2048, 1], strides = [1, 1, 1]} : vector<2x2048x128xf32> to vector<1x2048x1xf32>
    %squeeze3A_4 = vector.shape_cast %slice3A_3 : vector<1x2048x1xf32> to vector<2048x1xf32>
    %add3A = arith.addf %squeeze3A, %squeeze3A_4 : vector<2048x1xf32>
    %add3A_5 = arith.constant 1.000000e+00 : f32
    %add3A_6 = vector.broadcast %add3A_5 : f32 to vector<2048x1xf32>
    %add3A_7 = arith.addf %add3A, %add3A_6 : vector<2048x1xf32>
    %rsqrt3A = math.rsqrt %add3A_7 : vector<2048x1xf32>
    %get3A_8 = arith.constant 0 : index
    %get3A_9 = arith.constant 0 : index
    %get3A_10 = arith.constant 0 : index
    %get3A_11 = vector.load %arg3[%get3A_8, %get3A_9, %get3A_10] : memref<2x2048x128xf32, #tpu.memory_space<vmem>>, vector<2x2048x128xf32>
    %slice3A_12 = vector.extract_strided_slice %get3A_11 {offsets = [0, 0, 0], sizes = [1, 2048, 128], strides = [1, 1, 1]} : vector<2x2048x128xf32> to vector<1x2048x128xf32>
    %squeeze3A_13 = vector.shape_cast %slice3A_12 : vector<1x2048x128xf32> to vector<2048x128xf32>
    %slice3A_14 = vector.extract_strided_slice %get3A_11 {offsets = [1, 0, 0], sizes = [1, 2048, 128], strides = [1, 1, 1]} : vector<2x2048x128xf32> to vector<1x2048x128xf32>
    %squeeze3A_15 = vector.shape_cast %slice3A_14 : vector<1x2048x128xf32> to vector<2048x128xf32>
    %add3A_16 = arith.addf %squeeze3A_13, %squeeze3A_15 : vector<2048x128xf32>
    %get3A_17 = arith.constant 0 : index
    %get3A_18 = arith.constant 0 : index
    %get3A_19 = vector.load %arg2[%get3A_17, %get3A_18] : memref<2048x128xf32, #tpu.memory_space<vmem>>, vector<2048x128xf32>
    %add3A_20 = arith.addf %add3A_16, %get3A_19 : vector<2048x128xf32>
    %mul3A = vector.broadcast %rsqrt3A : vector<2048x1xf32> to vector<2048x128xf32>
    %mul3A_21 = arith.mulf %mul3A, %add3A_20 : vector<2048x128xf32>
    %get3A_22 = arith.constant 0 : index
    %get3A_23 = arith.constant 0 : index
    %get3A_24 = vector.load %arg8[%get3A_22, %get3A_23] : memref<1x128xf32, #tpu.memory_space<vmem>>, vector<1x128xf32>
    %add3A_25 = vector.broadcast %get3A_24 : vector<1x128xf32> to vector<2048x128xf32>
    %add3A_26 = arith.addf %mul3A_21, %add3A_25 : vector<2048x128xf32>
    %get3A_27 = arith.constant 0 : index
    %get3A_28 = arith.constant 0 : index
    %get3A_29 = vector.load %arg1[%get3A_27, %get3A_28] : memref<2048x128xf32, #tpu.memory_space<vmem>>, vector<2048x128xf32>
    %get3A_30 = arith.constant 0 : index
    %get3A_31 = arith.constant 0 : index
    %get3A_32 = vector.load %arg5[%get3A_30, %get3A_31] : memref<128x128xf32, #tpu.memory_space<vmem>>, vector<128x128xf32>
    %dot_general3A = arith.constant dense<0.000000e+00> : vector<2048x128xf32>
    %dot_general3A_33 = tpu.matmul %get3A_29, %get3A_32, %dot_general3A {dimension_numbers = #tpu.dot_dimension_numbers<[1], [0], [0], [1], [0, 0, 1, 1], [], []>, transpose_lhs_hint = false} : vector<2048x128xf32>, vector<128x128xf32>, vector<2048x128xf32> -> vector<2048x128xf32>
    %get3A_34 = arith.constant 0 : index
    %get3A_35 = arith.constant 0 : index
    %get3A_36 = vector.load %arg6[%get3A_34, %get3A_35] : memref<128x128xf32, #tpu.memory_space<vmem>>, vector<128x128xf32>
    %dot_general3A_37 = arith.constant dense<0.000000e+00> : vector<2048x128xf32>
    %dot_general3A_38 = tpu.matmul %add3A_26, %get3A_36, %dot_general3A_37 {dimension_numbers = #tpu.dot_dimension_numbers<[1], [0], [0], [1], [0, 0, 1, 1], [], []>, transpose_lhs_hint = false} : vector<2048x128xf32>, vector<128x128xf32>, vector<2048x128xf32> -> vector<2048x128xf32>
    %add3A_39 = arith.addf %dot_general3A_33, %dot_general3A_38 : vector<2048x128xf32>
    %get3A_40 = arith.constant 0 : index
    %get3A_41 = arith.constant 0 : index
    %get3A_42 = vector.load %arg7[%get3A_40, %get3A_41] : memref<1x128xf32, #tpu.memory_space<vmem>>, vector<1x128xf32>
    %add3A_43 = vector.broadcast %get3A_42 : vector<1x128xf32> to vector<2048x128xf32>
    %add3A_44 = arith.addf %add3A_39, %add3A_43 : vector<2048x128xf32>
    %tanh3A = math.tanh %add3A_44 : vector<2048x128xf32>
    %get3A_45 = arith.constant 0 : index
    %get3A_46 = arith.constant 0 : index
    %get3A_47 = vector.load %arg10[%get3A_45, %get3A_46] : memref<2048x128xf32, #tpu.memory_space<vmem>>, vector<2048x128xf32>
    %concatenate3A = tpu.concatenate %get3A_47, %tanh3A in 1 : vector<2048x128xf32>, vector<2048x128xf32> -> vector<2048x256xf32>
    %get3A_48 = arith.constant 0 : index
    %get3A_49 = arith.constant 0 : index
    %get3A_50 = vector.load %arg11[%get3A_48, %get3A_49] : memref<256x3xf32, #tpu.memory_space<vmem>>, vector<256x3xf32>
    %dot_general3A_51 = arith.constant dense<0.000000e+00> : vector<2048x3xf32>
    %dot_general3A_52 = tpu.matmul %concatenate3A, %get3A_50, %dot_general3A_51 {dimension_numbers = #tpu.dot_dimension_numbers<[1], [0], [0], [1], [0, 0, 1, 1], [], []>, transpose_lhs_hint = false} : vector<2048x256xf32>, vector<256x3xf32>, vector<2048x3xf32> -> vector<2048x3xf32>
    %get3A_53 = arith.constant 0 : index
    %get3A_54 = arith.constant 0 : index
    %get3A_55 = vector.load %arg12[%get3A_53, %get3A_54] : memref<1x3xf32, #tpu.memory_space<vmem>>, vector<1x3xf32>
    %add3A_56 = vector.broadcast %get3A_55 : vector<1x3xf32> to vector<2048x3xf32>
    %add3A_57 = arith.addf %dot_general3A_52, %add3A_56 : vector<2048x3xf32>
    %tanh3A_58 = math.tanh %add3A_57 : vector<2048x3xf32>
    %exp3A = math.exp %tanh3A_58 : vector<2048x3xf32>
    %get3A_59 = arith.constant 0 : index
    %get3A_60 = arith.constant 0 : index
    %get3A_61 = vector.load %arg9[%get3A_59, %get3A_60] : memref<2048x128xf32, #tpu.memory_space<vmem>>, vector<2048x128xf32>
    %slice3A_62 = vector.extract_strided_slice %get3A_61 {offsets = [0, 2], sizes = [2048, 3], strides = [1, 1]} : vector<2048x128xf32> to vector<2048x3xf32>
    %eq3A = arith.constant 1.000000e+00 : f32
    %eq3A_63 = vector.broadcast %eq3A : f32 to vector<2048x3xf32>
    %eq3A_64 = arith.cmpf oeq, %slice3A_62, %eq3A_63 : vector<2048x3xf32>
    %convert_element_type3A = arith.extui %eq3A_64 : vector<2048x3xi1> to vector<2048x3xi32>
    %convert_element_type3A_65 = arith.sitofp %convert_element_type3A : vector<2048x3xi32> to vector<2048x3xf32>
    %mul3A_66 = arith.mulf %exp3A, %convert_element_type3A_65 : vector<2048x3xf32>
    %mul3A_67 = arith.constant 2048 : i32
    %mul3A_68 = arith.muli %arg0, %mul3A_67 : i32
    %iota3A = tpu.iota {dimensions = array<i32: 0>} : vector<2048x1xi32>
    %add3A_69 = vector.broadcast %mul3A_68 : i32 to vector<2048x1xi32>
    %add3A_70 = arith.addi %add3A_69, %iota3A : vector<2048x1xi32>
    %lt3A = arith.constant 10000 : i32
    %lt3A_71 = vector.broadcast %lt3A : i32 to vector<2048x1xi32>
    %lt3A_72 = arith.cmpi slt, %add3A_70, %lt3A_71 : vector<2048x1xi32>
    %slice3A_73 = vector.extract_strided_slice %mul3A_66 {offsets = [0, 0], sizes = [2048, 1], strides = [1, 1]} : vector<2048x3xf32> to vector<2048x1xf32>
    %mul3A_74 = vector.broadcast %slice3A_73 : vector<2048x1xf32> to vector<2048x128xf32>
    %mul3A_75 = arith.mulf %get3A_47, %mul3A_74 : vector<2048x128xf32>
    %jit3A = arith.constant 0.000000e+00 : f32
    %broadcast_in_dim3A = vector.shape_cast %lt3A_72 : vector<2048x1xi1> to vector<2048x1xi1>
    %broadcast_in_dim3A_76 = vector.broadcast %broadcast_in_dim3A : vector<2048x1xi1> to vector<2048x128xi1>
    %broadcast_in_dim3A_77 = vector.broadcast %jit3A : f32 to vector<2048x128xf32>
    %select_n3A = arith.select %broadcast_in_dim3A_76, %mul3A_75, %broadcast_in_dim3A_77 : vector<2048x128xi1>, vector<2048x128xf32>
    %swap3A = arith.constant 0 : index
    %swap3A_78 = arith.constant 0 : index
    %swap3A_79 = arith.constant 0 : index
    %swap3A_80 = vector.load %arg13[%swap3A, %swap3A_78, %swap3A_79] : memref<6x2048x128xf32, #tpu.memory_space<vmem>>, vector<1x2048x128xf32>
    %swap3A_81 = vector.shape_cast %swap3A_80 : vector<1x2048x128xf32> to vector<2048x128xf32>
    %swap3A_82 = vector.shape_cast %select_n3A : vector<2048x128xf32> to vector<1x2048x128xf32>
    tpu.vector_store %arg13[%swap3A, %swap3A_78, %swap3A_79], %swap3A_82 {strides = array<i32>} : memref<6x2048x128xf32, #tpu.memory_space<vmem>>, vector<1x2048x128xf32>,
    %slice3A_83 = vector.extract_strided_slice %mul3A_66 {offsets = [0, 0], sizes = [2048, 1], strides = [1, 1]} : vector<2048x3xf32> to vector<2048x1xf32>
    %mul3A_84 = vector.broadcast %slice3A_83 : vector<2048x1xf32> to vector<2048x128xf32>
    %mul3A_85 = arith.mulf %tanh3A, %mul3A_84 : vector<2048x128xf32>
    %jit3A_86 = arith.constant 0.000000e+00 : f32
    %broadcast_in_dim3A_87 = vector.shape_cast %lt3A_72 : vector<2048x1xi1> to vector<2048x1xi1>
    %broadcast_in_dim3A_88 = vector.broadcast %broadcast_in_dim3A_87 : vector<2048x1xi1> to vector<2048x128xi1>
    %broadcast_in_dim3A_89 = vector.broadcast %jit3A_86 : f32 to vector<2048x128xf32>
    %select_n3A_90 = arith.select %broadcast_in_dim3A_88, %mul3A_85, %broadcast_in_dim3A_89 : vector<2048x128xi1>, vector<2048x128xf32>
    %swap3A_91 = arith.constant 1 : index
    %swap3A_92 = arith.constant 0 : index
    %swap3A_93 = arith.constant 0 : index
    %swap3A_94 = vector.load %arg13[%swap3A_91, %swap3A_92, %swap3A_93] : memref<6x2048x128xf32, #tpu.memory_space<vmem>>, vector<1x2048x128xf32>
    %swap3A_95 = vector.shape_cast %swap3A_94 : vector<1x2048x128xf32> to vector<2048x128xf32>
    %swap3A_96 = vector.shape_cast %select_n3A_90 : vector<2048x128xf32> to vector<1x2048x128xf32>
    tpu.vector_store %arg13[%swap3A_91, %swap3A_92, %swap3A_93], %swap3A_96 {strides = array<i32>} : memref<6x2048x128xf32, #tpu.memory_space<vmem>>, vector<1x2048x128xf32>,
    %slice3A_97 = vector.extract_strided_slice %mul3A_66 {offsets = [0, 1], sizes = [2048, 1], strides = [1, 1]} : vector<2048x3xf32> to vector<2048x1xf32>
    %mul3A_98 = vector.broadcast %slice3A_97 : vector<2048x1xf32> to vector<2048x128xf32>
    %mul3A_99 = arith.mulf %get3A_47, %mul3A_98 : vector<2048x128xf32>
    %jit3A_100 = arith.constant 0.000000e+00 : f32
    %broadcast_in_dim3A_101 = vector.shape_cast %lt3A_72 : vector<2048x1xi1> to vector<2048x1xi1>
    %broadcast_in_dim3A_102 = vector.broadcast %broadcast_in_dim3A_101 : vector<2048x1xi1> to vector<2048x128xi1>
    %broadcast_in_dim3A_103 = vector.broadcast %jit3A_100 : f32 to vector<2048x128xf32>
    %select_n3A_104 = arith.select %broadcast_in_dim3A_102, %mul3A_99, %broadcast_in_dim3A_103 : vector<2048x128xi1>, vector<2048x128xf32>
    %swap3A_105 = arith.constant 2 : index
    %swap3A_106 = arith.constant 0 : index
    %swap3A_107 = arith.constant 0 : index
    %swap3A_108 = vector.load %arg13[%swap3A_105, %swap3A_106, %swap3A_107] : memref<6x2048x128xf32, #tpu.memory_space<vmem>>, vector<1x2048x128xf32>
    %swap3A_109 = vector.shape_cast %swap3A_108 : vector<1x2048x128xf32> to vector<2048x128xf32>
    %swap3A_110 = vector.shape_cast %select_n3A_104 : vector<2048x128xf32> to vector<1x2048x128xf32>
    tpu.vector_store %arg13[%swap3A_105, %swap3A_106, %swap3A_107], %swap3A_110 {strides = array<i32>} : memref<6x2048x128xf32, #tpu.memory_space<vmem>>, vector<1x2048x128xf32>,
    %slice3A_111 = vector.extract_strided_slice %mul3A_66 {offsets = [0, 1], sizes = [2048, 1], strides = [1, 1]} : vector<2048x3xf32> to vector<2048x1xf32>
    %mul3A_112 = vector.broadcast %slice3A_111 : vector<2048x1xf32> to vector<2048x128xf32>
    %mul3A_113 = arith.mulf %tanh3A, %mul3A_112 : vector<2048x128xf32>
    %jit3A_114 = arith.constant 0.000000e+00 : f32
    %broadcast_in_dim3A_115 = vector.shape_cast %lt3A_72 : vector<2048x1xi1> to vector<2048x1xi1>
    %broadcast_in_dim3A_116 = vector.broadcast %broadcast_in_dim3A_115 : vector<2048x1xi1> to vector<2048x128xi1>
    %broadcast_in_dim3A_117 = vector.broadcast %jit3A_114 : f32 to vector<2048x128xf32>
    %select_n3A_118 = arith.select %broadcast_in_dim3A_116, %mul3A_113, %broadcast_in_dim3A_117 : vector<2048x128xi1>, vector<2048x128xf32>
    %swap3A_119 = arith.constant 3 : index
    %swap3A_120 = arith.constant 0 : index
    %swap3A_121 = arith.constant 0 : index
    %swap3A_122 = vector.load %arg13[%swap3A_119, %swap3A_120, %swap3A_121] : memref<6x2048x128xf32, #tpu.memory_space<vmem>>, vector<1x2048x128xf32>
    %swap3A_123 = vector.shape_cast %swap3A_122 : vector<1x2048x128xf32> to vector<2048x128xf32>
    %swap3A_124 = vector.shape_cast %select_n3A_118 : vector<2048x128xf32> to vector<1x2048x128xf32>
    tpu.vector_store %arg13[%swap3A_119, %swap3A_120, %swap3A_121], %swap3A_124 {strides = array<i32>} : memref<6x2048x128xf32, #tpu.memory_space<vmem>>, vector<1x2048x128xf32>,
    %slice3A_125 = vector.extract_strided_slice %mul3A_66 {offsets = [0, 2], sizes = [2048, 1], strides = [1, 1]} : vector<2048x3xf32> to vector<2048x1xf32>
    %mul3A_126 = vector.broadcast %slice3A_125 : vector<2048x1xf32> to vector<2048x128xf32>
    %mul3A_127 = arith.mulf %get3A_47, %mul3A_126 : vector<2048x128xf32>
    %jit3A_128 = arith.constant 0.000000e+00 : f32
    %broadcast_in_dim3A_129 = vector.shape_cast %lt3A_72 : vector<2048x1xi1> to vector<2048x1xi1>
    %broadcast_in_dim3A_130 = vector.broadcast %broadcast_in_dim3A_129 : vector<2048x1xi1> to vector<2048x128xi1>
    %broadcast_in_dim3A_131 = vector.broadcast %jit3A_128 : f32 to vector<2048x128xf32>
    %select_n3A_132 = arith.select %broadcast_in_dim3A_130, %mul3A_127, %broadcast_in_dim3A_131 : vector<2048x128xi1>, vector<2048x128xf32>
    %swap3A_133 = arith.constant 4 : index
    %swap3A_134 = arith.constant 0 : index
    %swap3A_135 = arith.constant 0 : index
    %swap3A_136 = vector.load %arg13[%swap3A_133, %swap3A_134, %swap3A_135] : memref<6x2048x128xf32, #tpu.memory_space<vmem>>, vector<1x2048x128xf32>
    %swap3A_137 = vector.shape_cast %swap3A_136 : vector<1x2048x128xf32> to vector<2048x128xf32>
    %swap3A_138 = vector.shape_cast %select_n3A_132 : vector<2048x128xf32> to vector<1x2048x128xf32>
    tpu.vector_store %arg13[%swap3A_133, %swap3A_134, %swap3A_135], %swap3A_138 {strides = array<i32>} : memref<6x2048x128xf32, #tpu.memory_space<vmem>>, vector<1x2048x128xf32>,
    %slice3A_139 = vector.extract_strided_slice %mul3A_66 {offsets = [0, 2], sizes = [2048, 1], strides = [1, 1]} : vector<2048x3xf32> to vector<2048x1xf32>
    %mul3A_140 = vector.broadcast %slice3A_139 : vector<2048x1xf32> to vector<2048x128xf32>
    %mul3A_141 = arith.mulf %tanh3A, %mul3A_140 : vector<2048x128xf32>
    %jit3A_142 = arith.constant 0.000000e+00 : f32
    %broadcast_in_dim3A_143 = vector.shape_cast %lt3A_72 : vector<2048x1xi1> to vector<2048x1xi1>
    %broadcast_in_dim3A_144 = vector.broadcast %broadcast_in_dim3A_143 : vector<2048x1xi1> to vector<2048x128xi1>
    %broadcast_in_dim3A_145 = vector.broadcast %jit3A_142 : f32 to vector<2048x128xf32>
    %select_n3A_146 = arith.select %broadcast_in_dim3A_144, %mul3A_141, %broadcast_in_dim3A_145 : vector<2048x128xi1>, vector<2048x128xf32>
    %swap3A_147 = arith.constant 5 : index
    %swap3A_148 = arith.constant 0 : index
    %swap3A_149 = arith.constant 0 : index
    %swap3A_150 = vector.load %arg13[%swap3A_147, %swap3A_148, %swap3A_149] : memref<6x2048x128xf32, #tpu.memory_space<vmem>>, vector<1x2048x128xf32>
    %swap3A_151 = vector.shape_cast %swap3A_150 : vector<1x2048x128xf32> to vector<2048x128xf32>
    %swap3A_152 = vector.shape_cast %select_n3A_146 : vector<2048x128xf32> to vector<1x2048x128xf32>
    tpu.vector_store %arg13[%swap3A_147, %swap3A_148, %swap3A_149], %swap3A_152 {strides = array<i32>} : memref<6x2048x128xf32, #tpu.memory_space<vmem>>, vector<1x2048x128xf32>,
    return
  }
  func.func @transform_0(%arg0: i32) -> (i32, i32) {
    %c0_i32 = arith.constant 0 : i32
    %c0_i32_0 = arith.constant 0 : i32
    return %arg0, %c0_i32 : i32, i32
  }
  func.func @transform_1(%arg0: i32) -> (i32, i32) {
    %c0_i32 = arith.constant 0 : i32
    %c0_i32_0 = arith.constant 0 : i32
    return %arg0, %c0_i32 : i32, i32
  }
  func.func @transform_2(%arg0: i32) -> (i32, i32, i32) {
    %c0_i32 = arith.constant 0 : i32
    %c0_i32_0 = arith.constant 0 : i32
    %c0_i32_1 = arith.constant 0 : i32
    return %c0_i32, %arg0, %c0_i32_0 : i32, i32, i32
  }
  func.func @transform_3(%arg0: i32) -> (i32, i32, i32) {
    %c0_i32 = arith.constant 0 : i32
    %c0_i32_0 = arith.constant 0 : i32
    %c0_i32_1 = arith.constant 0 : i32
    return %c0_i32, %arg0, %c0_i32_0 : i32, i32, i32
  }
  func.func @transform_4(%arg0: i32) -> (i32, i32) {
    %c0_i32 = arith.constant 0 : i32
    %c0_i32_0 = arith.constant 0 : i32
    %c0_i32_1 = arith.constant 0 : i32
    return %c0_i32, %c0_i32_0 : i32, i32
  }
  func.func @transform_5(%arg0: i32) -> (i32, i32) {
    %c0_i32 = arith.constant 0 : i32
    %c0_i32_0 = arith.constant 0 : i32
    %c0_i32_1 = arith.constant 0 : i32
    return %c0_i32, %c0_i32_0 : i32, i32
  }
  func.func @transform_6(%arg0: i32) -> (i32, i32) {
    %c0_i32 = arith.constant 0 : i32
    %c0_i32_0 = arith.constant 0 : i32
    %c0_i32_1 = arith.constant 0 : i32
    return %c0_i32, %c0_i32_0 : i32, i32
  }
  func.func @transform_7(%arg0: i32) -> (i32, i32) {
    %c0_i32 = arith.constant 0 : i32
    %c0_i32_0 = arith.constant 0 : i32
    %c0_i32_1 = arith.constant 0 : i32
    return %c0_i32, %c0_i32_0 : i32, i32
  }
  func.func @transform_8(%arg0: i32) -> (i32, i32) {
    %c0_i32 = arith.constant 0 : i32
    %c0_i32_0 = arith.constant 0 : i32
    return %arg0, %c0_i32 : i32, i32
  }
  func.func @transform_9(%arg0: i32) -> (i32, i32) {
    %c0_i32 = arith.constant 0 : i32
    %c0_i32_0 = arith.constant 0 : i32
    return %arg0, %c0_i32 : i32, i32
  }
  func.func @transform_10(%arg0: i32) -> (i32, i32) {
    %c0_i32 = arith.constant 0 : i32
    %c0_i32_0 = arith.constant 0 : i32
    %c0_i32_1 = arith.constant 0 : i32
    return %c0_i32, %c0_i32_0 : i32, i32
  }
  func.func @transform_11(%arg0: i32) -> (i32, i32) {
    %c0_i32 = arith.constant 0 : i32
    %c0_i32_0 = arith.constant 0 : i32
    %c0_i32_1 = arith.constant 0 : i32
    return %c0_i32, %c0_i32_0 : i32, i32
  }
  func.func @transform_12(%arg0: i32) -> (i32, i32, i32) {
    %c0_i32 = arith.constant 0 : i32
    %c0_i32_0 = arith.constant 0 : i32
    %c0_i32_1 = arith.constant 0 : i32
    return %c0_i32, %arg0, %c0_i32_0 : i32, i32, i32
  }
}

module attributes {stable_mosaic.version = 14 : i64} {
  func.func @body(%arg0: memref<2x3072x128xf32, #tpu.memory_space<vmem>>, %arg1: memref<768x32xf32, #tpu.memory_space<vmem>>, %arg2: memref<1x32xf32, #tpu.memory_space<vmem>>, %arg3: memref<32x32xf32, #tpu.memory_space<vmem>>, %arg4: memref<1x32xf32, #tpu.memory_space<vmem>>, %arg5: memref<32x16xf32, #tpu.memory_space<vmem>>, %arg6: memref<1x16xf32, #tpu.memory_space<vmem>>, %arg7: memref<16x4xf32, #tpu.memory_space<vmem>>, %arg8: memref<1x4xf32, #tpu.memory_space<vmem>>, %arg9: memref<512x4xf32, #tpu.memory_space<vmem>>) attributes {dimension_semantics = [], scalar_prefetch = 0 : i64, scratch_operands = 0 : i64, tpu.core_type = #tpu.core_type<tc>} {
    %get3A = arith.constant 0 : index
    %get3A_0 = arith.constant 0 : index
    %get3A_1 = arith.constant 0 : index
    %get3A_2 = vector.load %arg0[%get3A, %get3A_0, %get3A_1] : memref<2x3072x128xf32, #tpu.memory_space<vmem>>, vector<2x3072x128xf32>
    %slice3A = vector.extract_strided_slice %get3A_2 {offsets = [0, 0, 0], sizes = [1, 3072, 128], strides = [1, 1, 1]} : vector<2x3072x128xf32> to vector<1x3072x128xf32>
    %squeeze3A = vector.shape_cast %slice3A : vector<1x3072x128xf32> to vector<3072x128xf32>
    %slice3A_3 = vector.extract_strided_slice %get3A_2 {offsets = [1, 0, 0], sizes = [1, 3072, 128], strides = [1, 1, 1]} : vector<2x3072x128xf32> to vector<1x3072x128xf32>
    %squeeze3A_4 = vector.shape_cast %slice3A_3 : vector<1x3072x128xf32> to vector<3072x128xf32>
    %add3A = arith.addf %squeeze3A, %squeeze3A_4 : vector<3072x128xf32>
    %slice3A_5 = vector.extract_strided_slice %add3A {offsets = [0, 0], sizes = [512, 128], strides = [1, 1]} : vector<3072x128xf32> to vector<512x128xf32>
    %slice3A_6 = vector.extract_strided_slice %add3A {offsets = [512, 0], sizes = [512, 128], strides = [1, 1]} : vector<3072x128xf32> to vector<512x128xf32>
    %slice3A_7 = vector.extract_strided_slice %add3A {offsets = [1024, 0], sizes = [512, 128], strides = [1, 1]} : vector<3072x128xf32> to vector<512x128xf32>
    %slice3A_8 = vector.extract_strided_slice %add3A {offsets = [1536, 0], sizes = [512, 128], strides = [1, 1]} : vector<3072x128xf32> to vector<512x128xf32>
    %slice3A_9 = vector.extract_strided_slice %add3A {offsets = [2048, 0], sizes = [512, 128], strides = [1, 1]} : vector<3072x128xf32> to vector<512x128xf32>
    %slice3A_10 = vector.extract_strided_slice %add3A {offsets = [2560, 0], sizes = [512, 128], strides = [1, 1]} : vector<3072x128xf32> to vector<512x128xf32>
    %concatenate3A = tpu.concatenate %slice3A_5, %slice3A_6, %slice3A_7, %slice3A_8, %slice3A_9, %slice3A_10 in 1 : vector<512x128xf32>, vector<512x128xf32>, vector<512x128xf32>, vector<512x128xf32>, vector<512x128xf32>, vector<512x128xf32> -> vector<512x768xf32>
    %get3A_11 = arith.constant 0 : index
    %get3A_12 = arith.constant 0 : index
    %get3A_13 = vector.load %arg1[%get3A_11, %get3A_12] : memref<768x32xf32, #tpu.memory_space<vmem>>, vector<768x32xf32>
    %dot_general3A = arith.constant dense<0.000000e+00> : vector<512x32xf32>
    %dot_general3A_14 = tpu.matmul %concatenate3A, %get3A_13, %dot_general3A {dimension_numbers = #tpu.dot_dimension_numbers<[1], [0], [0], [1], [0, 0, 1, 1], [], []>, transpose_lhs_hint = false} : vector<512x768xf32>, vector<768x32xf32>, vector<512x32xf32> -> vector<512x32xf32>
    %get3A_15 = arith.constant 0 : index
    %get3A_16 = arith.constant 0 : index
    %get3A_17 = vector.load %arg2[%get3A_15, %get3A_16] : memref<1x32xf32, #tpu.memory_space<vmem>>, vector<1x32xf32>
    %add3A_18 = vector.broadcast %get3A_17 : vector<1x32xf32> to vector<512x32xf32>
    %add3A_19 = arith.addf %dot_general3A_14, %add3A_18 : vector<512x32xf32>
    %max3A = arith.constant 0.000000e+00 : f32
    %max3A_20 = vector.broadcast %max3A : f32 to vector<512x32xf32>
    %max3A_21 = arith.maximumf %add3A_19, %max3A_20 : vector<512x32xf32>
    %get3A_22 = arith.constant 0 : index
    %get3A_23 = arith.constant 0 : index
    %get3A_24 = vector.load %arg3[%get3A_22, %get3A_23] : memref<32x32xf32, #tpu.memory_space<vmem>>, vector<32x32xf32>
    %dot_general3A_25 = arith.constant dense<0.000000e+00> : vector<512x32xf32>
    %dot_general3A_26 = tpu.matmul %max3A_21, %get3A_24, %dot_general3A_25 {dimension_numbers = #tpu.dot_dimension_numbers<[1], [0], [0], [1], [0, 0, 1, 1], [], []>, transpose_lhs_hint = false} : vector<512x32xf32>, vector<32x32xf32>, vector<512x32xf32> -> vector<512x32xf32>
    %get3A_27 = arith.constant 0 : index
    %get3A_28 = arith.constant 0 : index
    %get3A_29 = vector.load %arg4[%get3A_27, %get3A_28] : memref<1x32xf32, #tpu.memory_space<vmem>>, vector<1x32xf32>
    %add3A_30 = vector.broadcast %get3A_29 : vector<1x32xf32> to vector<512x32xf32>
    %add3A_31 = arith.addf %dot_general3A_26, %add3A_30 : vector<512x32xf32>
    %max3A_32 = arith.constant 0.000000e+00 : f32
    %max3A_33 = vector.broadcast %max3A_32 : f32 to vector<512x32xf32>
    %max3A_34 = arith.maximumf %add3A_31, %max3A_33 : vector<512x32xf32>
    %get3A_35 = arith.constant 0 : index
    %get3A_36 = arith.constant 0 : index
    %get3A_37 = vector.load %arg5[%get3A_35, %get3A_36] : memref<32x16xf32, #tpu.memory_space<vmem>>, vector<32x16xf32>
    %dot_general3A_38 = arith.constant dense<0.000000e+00> : vector<512x16xf32>
    %dot_general3A_39 = tpu.matmul %max3A_34, %get3A_37, %dot_general3A_38 {dimension_numbers = #tpu.dot_dimension_numbers<[1], [0], [0], [1], [0, 0, 1, 1], [], []>, transpose_lhs_hint = false} : vector<512x32xf32>, vector<32x16xf32>, vector<512x16xf32> -> vector<512x16xf32>
    %get3A_40 = arith.constant 0 : index
    %get3A_41 = arith.constant 0 : index
    %get3A_42 = vector.load %arg6[%get3A_40, %get3A_41] : memref<1x16xf32, #tpu.memory_space<vmem>>, vector<1x16xf32>
    %add3A_43 = vector.broadcast %get3A_42 : vector<1x16xf32> to vector<512x16xf32>
    %add3A_44 = arith.addf %dot_general3A_39, %add3A_43 : vector<512x16xf32>
    %max3A_45 = arith.constant 0.000000e+00 : f32
    %max3A_46 = vector.broadcast %max3A_45 : f32 to vector<512x16xf32>
    %max3A_47 = arith.maximumf %add3A_44, %max3A_46 : vector<512x16xf32>
    %get3A_48 = arith.constant 0 : index
    %get3A_49 = arith.constant 0 : index
    %get3A_50 = vector.load %arg7[%get3A_48, %get3A_49] : memref<16x4xf32, #tpu.memory_space<vmem>>, vector<16x4xf32>
    %dot_general3A_51 = arith.constant dense<0.000000e+00> : vector<512x4xf32>
    %dot_general3A_52 = tpu.matmul %max3A_47, %get3A_50, %dot_general3A_51 {dimension_numbers = #tpu.dot_dimension_numbers<[1], [0], [0], [1], [0, 0, 1, 1], [], []>, transpose_lhs_hint = false} : vector<512x16xf32>, vector<16x4xf32>, vector<512x4xf32> -> vector<512x4xf32>
    %get3A_53 = arith.constant 0 : index
    %get3A_54 = arith.constant 0 : index
    %get3A_55 = vector.load %arg8[%get3A_53, %get3A_54] : memref<1x4xf32, #tpu.memory_space<vmem>>, vector<1x4xf32>
    %add3A_56 = vector.broadcast %get3A_55 : vector<1x4xf32> to vector<512x4xf32>
    %add3A_57 = arith.addf %dot_general3A_52, %add3A_56 : vector<512x4xf32>
    %swap3A = arith.constant 0 : index
    %swap3A_58 = arith.constant 0 : index
    %swap3A_59 = vector.load %arg9[%swap3A, %swap3A_58] : memref<512x4xf32, #tpu.memory_space<vmem>>, vector<512x4xf32>
    tpu.vector_store %arg9[%swap3A, %swap3A_58], %add3A_57 {strides = array<i32>} : memref<512x4xf32, #tpu.memory_space<vmem>>, vector<512x4xf32>,
    return
  }
}

</mosaic_0001>

<sc_bundles>
// kernel: kernel.11.cloned.1.call-start
scs
__scs_entry_jumppad:
0x0: {  	(pc) =	sbr.rel $0x88, $3  }
0x1: {  	(tag) =	ssettag $0x0;
	lr =	simm.s32 $0x1  }
0x2: {  	[smem:$0x3F84] =	sst lr;
	_ =	strace $0xD0000000  }
0x3: {  	_ = 	snop  }
0x4: {  	_ = 	snop  }
0x5: {  	_ = 	snop  }
0x6: {  	_ = 	snop  }
0x7: {  	_ = 	snop  }
__scs_overlays_trampoline_lowered:
0x8: {  	[smem:$0x3F93] =	sst s0  }
0x9: {  	[smem:$0x3F94] =	sst s1  }
0xa: {  	[smem:$0x3F95] =	sst s2  }
0xb: {  	[smem:$0x3F96] =	sst s3  }
0xc: {  	[smem:$0x3F97] =	sst s4  }
0xd: {  	[smem:$0x3F98] =	sst s5  }
0xe: {  	[smem:$0x3F99] =	sst s6  }
0xf: {  	[smem:$0x3F9A] =	sst s7  }
0x10: {  	[smem:$0x3F9B] =	sst s8  }
0x11: {  	[smem:$0x3F9C] =	sst s9;
	s0 =	simm.s32 @!p0 $0x0  }
0x12: {  	s1 =	sld [smem:$0x3F82];
	s0 =	simm.s32 @p0 $0x1  }
0x13: {  	[smem:$0x3F9D] =	sst s0;
	s0 =	simm.s32 @!p1 $0x0  }
0x14: {  	s2 =	sld [smem:$0x3F81];
	s0 =	simm.s32 @p1 $0x1  }
0x15: {  	[smem:$0x3F9E] =	sst s0;
	s0 =	simm.s32 @!p2 $0x0  }
0x16: {  	s3 =	sld [smem:$0x3FDB];
	s0 =	simm.s32 @p2 $0x1  }
0x17: {  	s4 =	simm.s32 $0x1BF5;
	[smem:$0x3FA0] =	sst s0  }
0x18: {  	s0 =	sld [smem:$0x3F83];
	_ =	swait.ge [sflag:s4], $0x0  }
0x19: {  	s7 =	sld [smem:$0x3F84]  }
0x1a: {  	s8 =	sadd.s32 $0xFFFFE003, lr  }
0x1b: {  	s9 =	sadd.s32 $0xFFFFFEF7, lr;
	s5 =	simm.s32 $0xFFFFFFFF;
	p2 =	slt.u32 s8, $0xFFFFF086  }
0x1c: {  	p1 =	slt.u32 s9, $0xF7A;
	s5 =	simm.s32 @!p2 $0x0  }
0x1d: {  	s5 =	simm.s32 @p1 $0x1;
	p0 =	seq.s32 s7, s2  }
0x1e: {  	s7 =	smul.u32 @!p0 $0xF7A, s2;
	p2 =	seq.s32 @!p0 s5, $0x0  }
0x1f: {  	s9 =	smul.u32 $0xF7A, s1;
	s8 =	simm.s32 @!p0 $0x1BF5;
	p2 =	por !p2, p0  }
0x20: {  	[sflag:s8] =	ssyncset.s32 @!p0 $0xFFFFF086;
	s6 =	sadd.s32 @!p0 s3, s7;
	s7 =	simm.s32 @!p0 $0x108  }
0x21: {  	s3 =	sadd.s32 s3, s9;
	s6 =	sadd.s32 @!p0 $0x88, s6;
	s7 =	simm.s32 @p2 $0x1082  }
0x22: {  	[simem:s7], [sflag:s8] =	dma.local @!p0 [hbm:s6], $0xF7A  }
0x23: {  	s9 =	sor.u32 $0xD0000000, s2;
	s6 =	simm.s32 $0x108;
	_ =	swait.ge @!p0 [sflag:s8], $0x0  }
0x24: {  	s3 =	sadd.s32 $0x88, s3;
	s6 =	simm.s32 @!p1 $0x1082;
	[sflag:s4] =	ssyncset.s32 $0xFFFFF086  }
0x25: {  	[simem:s6], [sflag:s4] =	dma.local [hbm:s3], $0xF7A  }
0x26: {  	[smem:$0x3F84] =	sst s1;
	(tag) =	ssettag s2;
	_ =	strace s9  }
0x27: {  	s1 =	sld [smem:$0x3F94]  }
0x28: {  	s2 =	sld [smem:$0x3F95]  }
0x29: {  	s4 =	sld [smem:$0x3F97]  }
0x2a: {  	p0 =	seq.s32 s5, $0x0;
	s5 =	sld [smem:$0x3F98]  }
0x2b: {  	s6 =	sld [smem:$0x3F99]  }
0x2c: {  	s7 =	sld [smem:$0x3F9A]  }
0x2d: {  	s3 =	simm.s32 $0x108;
	s8 =	sld [smem:$0x3F9B]  }
0x2e: {  	s3 =	simm.s32 @!p0 $0x1082;
	s9 =	sld [smem:$0x3F9C]  }
0x2f: {  	lr =	sadd.s32 s0, s3;
	s0 =	sld [smem:$0x3F93]  }
0x30: {  	s3 =	sld [smem:$0x3F96]  }
0x31: {  	[smem:$0x3F9F] =	sst s10  }
0x32: {  	s10 =	sld [smem:$0x3F9D];
	_ =	sdelay $0x3  }
0x33: {  	p0 =	seq.s32 s10, $0x1;
	s10 =	sld [smem:$0x3F9F];
	_ =	sdelay $0x3  }
0x34: {  	[smem:$0x3F9F] =	sst s10  }
0x35: {  	s10 =	sld [smem:$0x3F9E];
	_ =	sdelay $0x3  }
0x36: {  	p1 =	seq.s32 s10, $0x1;
	s10 =	sld [smem:$0x3F9F];
	_ =	sdelay $0x3  }
0x37: {  	[smem:$0x3F9F] =	sst s10  }
0x38: {  	s10 =	sld [smem:$0x3FA0]  }
0x39: {  	_ = 	snop;
	(pc) =	sbr.ind lr, $3  }
0x3a: {  	_ = 	snop  }
0x3b: {  	_ = 	snop  }
0x3c: {  	p2 =	seq.s32 s10, $0x1;
	s10 =	sld [smem:$0x3F9F]  }
0x3d: {  	_ =	shalt  }
0x3e: {  	_ =	shalt  }
0x3f: {  	_ =	shalt  }
0x40: {  	_ =	shalt  }
0x41: {  	_ =	shalt  }
0x42: {  	_ =	shalt  }
0x43: {  	_ =	shalt  }
0x44: {  	_ =	shalt  }
0x45: {  	_ =	shalt  }
0x46: {  	_ =	shalt  }
0x47: {  	_ =	shalt  }
0x48: {  	_ =	shalt  }
0x49: {  	_ =	shalt  }
0x4a: {  	_ =	shalt  }
0x4b: {  	_ =	shalt  }
0x4c: {  	_ =	shalt  }
0x4d: {  	_ =	shalt  }
0x4e: {  	_ =	shalt  }
0x4f: {  	_ =	shalt  }
0x50: {  	_ =	shalt  }
0x51: {  	_ =	shalt  }
0x52: {  	_ =	shalt  }
0x53: {  	_ =	shalt  }
0x54: {  	_ =	shalt  }
0x55: {  	_ =	shalt  }
0x56: {  	_ =	shalt  }
0x57: {  	_ =	shalt  }
0x58: {  	_ =	shalt  }
0x59: {  	_ =	shalt  }
0x5a: {  	_ =	shalt  }
0x5b: {  	_ =	shalt  }
0x5c: {  	_ =	shalt  }
0x5d: {  	_ =	shalt  }
0x5e: {  	_ =	shalt  }
0x5f: {  	_ =	shalt  }
0x60: {  	_ =	shalt  }
0x61: {  	_ =	shalt  }
0x62: {  	_ =	shalt  }
0x63: {  	_ =	shalt  }
0x64: {  	_ =	shalt  }
0x65: {  	_ =	shalt  }
0x66: {  	_ =	shalt  }
0x67: {  	_ =	shalt  }
0x68: {  	_ =	shalt  }
0x69: {  	_ =	shalt  }
0x6a: {  	_ =	shalt  }
0x6b: {  	_ =	shalt  }
0x6c: {  	_ =	shalt  }
0x6d: {  	_ =	shalt  }
0x6e: {  	_ =	shalt  }
0x6f: {  	_ =	shalt  }
0x70: {  	_ =	shalt  }
0x71: {  	_ =	shalt  }
0x72: {  	_ =	shalt  }
0x73: {  	_ =	shalt  }
0x74: {  	_ =	shalt  }
0x75: {  	_ =	shalt  }
0x76: {  	_ =	shalt  }
0x77: {  	_ =	shalt  }
0x78: {  	_ =	shalt  }
0x79: {  	_ =	shalt  }
0x7a: {  	_ =	shalt  }
0x7b: {  	_ =	shalt  }
0x7c: {  	_ =	shalt  }
0x7d: {  	_ =	shalt  }
0x7e: {  	_ =	shalt  }
0x7f: {  	_ =	shalt  }
0x80: {  	_ =	shalt  }
0x81: {  	_ =	shalt  }
0x82: {  	_ =	shalt  }
0x83: {  	_ =	shalt  }
0x84: {  	_ =	shalt  }
0x85: {  	_ =	shalt  }
0x86: {  	_ =	shalt  }
0x87: {  	_ =	shalt  }
.Lfunc_end0:
.L_simem_size_0:
called_computation_lowered:
.L_overlay_start_0:
0x88: {  	s2 =	sld [smem:$0x3FD9]  }
0x89: {  	s3 =	sld [smem:$0x3FFE];
	_ =	sdelay $0x1  }
0x8a: {  	s1 =	srdreg.scid  }
0x8b: {  	s0 =	sand.u32 $0x1, s1  }
0x8c: {  	s16 =	sshll.u32 s0, $0xA;
	s2 =	sadd.s32 s3, s2  }
0x8d: {  	s2 =	sadd.s32 s2, s16  }
0x8e: {  	[smem:$0x3FAB] =	sst s2  }
0x8f: {  	_ = 	snop  }
0x90: {  	(tm) =	ssettm $0x1  }
0x91: {  	s17 =	sld [smem:$0x3FFB];
	_ =	sdelay $0x3  }
0x92: {  	_ =	strace s17  }
0x93: {  	s2 =	sld [smem:$0x3FFC];
	_ =	sdelay $0x3  }
0x94: {  	_ =	strace s2  }
0x95: {  	s2 =	sld [smem:$0x3FFD];
	_ =	sdelay $0x3  }
0x96: {  	_ =	strace s2  }
0x97: {  	_ =	strace $0x8FFFFFFF  }
0x98: {  	s18 =	sld [smem:$0x3FDB];
	_ =	sdelay $0x1  }
0x99: {  	s19 =	simm.s32 $_scs_section_size  }
0x9a: {  	s4 =	simm.s32 $_size__tile_overlayer_lowered;
	s5 =	simm.s32 $_tile_overlayer_lowered  }
0x9b: {  	s22 =	simm.s32 $0x1BFF;
	s21 =	sshll.u32 s5, $0x1;
	s2 =	sadd.s32 s19, s18  }
0x9c: {  	s6 =	simm.s32 $0x0;
	s20 =	sshll.u32 s4, $0x1;
	s4 =	sadd.s32 s21, s2  }
0x9d: {  	[timem:s6], [sflag:s22] =	dma.local [hbm:s4], s20  }
0x9e: {  	_ =	swait.ge [sflag:s22], s20  }
0x9f: {  	s3 =	ssub.s32 $0x0, s20;
	[sflag:s22] =	ssyncset.done $0x0  }
0xa0: {  	[sflag:s22] =	ssyncadd.s32 s3;
	_ =	sdelay $0x1  }
0xa1: {  	s23 =	simm.s32 $0x1B8B  }
0xa2: {  	_ =	swait.ge [sflag:s23], $0x1  }
0xa3: {  	[sflag:s23] =	ssyncset.done $0x0  }
0xa4: {  	s25 =	simm.s32 $0x1B8E;
	s24 =	sld [smem:$0x3FFE];
	[sflag:s23] =	ssyncadd.s32 $0xFFFFFFFF  }
0xa5: {  	s26 =	simm.s32 $execute0_lowered;
	[smem:$0x3FD2] =	sst s25  }
0xa6: {  	s4 =	sshll.u32 s26, $0x1;
	_ =	strace $0x80000046;
	[dreg:$0x1] =	wrdreg $0xFFFFFFFF  }
0xa7: {  	s28 =	simm.s32 $_size_execute0_lowered;
	s2 =	sadd.s32 s2, s4;
	[dreg:$0x0] =	wrdreg $0x0  }
0xa8: {  	s4 =	sshll.u32 s28, $0x1;
	[dreg:$0x2] =	wrdreg s2  }
0xa9: {  	[dreg:$0x3] =	wrdreg s4  }
0xaa: {  	[dreg:$0x4] =	wrdreg $0xC0  }
0xab: {  	_ =	task [dreg:s6], $0x5FFFF  }
0xac: {  	[dreg:$0x1] =	wrdreg $0xFFFFFFFF  }
0xad: {  	[dreg:$0x0] =	wrdreg $0x60  }
0xae: {  	[dreg:$0x2] =	wrdreg s24  }
0xaf: {  	[dreg:$0x3] =	wrdreg $0x54000  }
0xb0: {  	[dreg:$0x4] =	wrdreg $0x9  }
0xb1: {  	_ =	task.clear_ibuf [dreg:s6], $0x5FFFF;
	_ =	strace $0x90000046  }
0xb2: {  	s29 =	simm.s32 $0x9;
	_ =	strace $0x80000048  }
0xb3: {  	_ =	swait.ge [sflag:s29], $0x1  }
0xb4: {  	[sflag:s29] =	ssyncadd.s32 $0xFFFFFFFF  }
0xb5: {  	_ =	strace $0x90000048  }
0xb6: {  	_ =	sfence  }
0xb7: {  	s30 =	sld [smem:$0x0];
	_ =	sdelay $0x2  }
0xb8: {  	s31 =	sshll.u32 s1, $0xD;
	s1 =	sshrl.u32 s1, $0x2  }
0xb9: {  	s3 =	sand.u32 $0x4000, s31;
	s1 =	sadd.s32 s1, s30  }
0xba: {  	s0 =	sor.u32 s3, s0;
	s1 =	sshll.u32 s1, $0x11  }
0xbb: {  	s0 =	sor.u32 s1, s0  }
0xbc: {  	s0 =	sadd.s32 $0x8F2B, s0  }
0xbd: {  	[sflag:s0] =	ssyncadd.remote.s32 $0x1  }
0xbe: {  	_ =	sfence.sel $0xFFFF  }
0xbf: {  	[dreg:$0x0] =	wrdreg $0xFFFFFFFF;
	(pc) =	sbr.abs _section_cstart, $3  }
0xc0: {  	[dreg:$0x1] =	wrdreg $0xFFFFFFFF  }
0xc1: {  	_ =	task.clear_ibuf [dreg:s6], $0x2FFFF;
	_ =	strace $0x9FFFFFFF  }
0xc2: {  	(tm) =	ssettm $0x7FFFFFFF  }
0xc3: {  	_ =	shalt  }
tec
execute0_lowered:
.L_overlay_start_1:
0x0: {  	(tag) =	ssettag $0x1  }
0x1: {  	s6 =	rddreg [dreg:$0x0]  }
0x2: {  	s1 =	rddreg [dreg:$0x1]  }
0x3: {  	s2 =	srdreg.scid;
	s0 =	rddreg [dreg:$0x2]  }
0x4: {  	s3 =	simm.s32 $0x0;
	s15 =	simm.s32 $0x0;
	s7 =	sand.u32 $0x1, s2  }
0x5: {  	s2 =	stileid.u32;
	[smem:$0x7FF] =	sst s3;
	s4 =	sadd.s32 $0x12A00, s6  }
0x6: {  	s10 =	sadd.s32 $0x6200, s6;
	s5 =	sadd.s32 $0x10200, s6;
	s8 =	smul.u32 $0x140000, s7  }
0x7: {  	s9 =	smul.u32 $0x14000, s2;
	_ =	strace $0x80000047;
	s24 =	sshll.u32 s2, $0x1  }
0x8: {  	s11 =	ssub.s32 $0x2, s7;
	s25 =	smul.u32 $0x50000, s2;
	s28 =	sshll.u32 s2, $0x6  }
0x9: {  	s7 =	sor.u32 s7, s24;
	s12 =	sshrl.u32 s11, $0x1;
	s8 =	sadd.s32 s9, s8  }
0xa: {  	s13 =	smul.u32 $0x2800, s7;
	s11 =	ssub.s32 s11, s12;
	s26 =	sshrl.u32 s25, $0x2  }
0xb: {  	s7 =	smul.u32 $0x500, s7;
	s12 =	simm.s32 $0x1;
	s8 =	sshrl.u32 s8, $0x3  }
0xc: {  	s30 =	sadd.s32 s26, s1;
	s14 =	sadd.s32 s8, s6;
	s29 =	sshrl.u32 s13, $0x3  }
0xd: {  	s6 =	sor.u32 $0x1C01, s28;
	s7 =	sadd.s32 s10, s7;
	s13 =	simm.s32 $0x1400  }
0xe: {  	s31 =	sadd.s32 s10, s29;
	s9 =	sadd.s32 $0x13200, s14;
	s10 =	smax.u32 s11, $0x1  }
0xf: {  	s11 =	sshrl.u32 s30, $0x3;
	s14 =	simm.s32 $0x80;
	s8 =	sadd.s32 $0x280, s31  }
.LBB2_1:
0x10: {  	[spmem:s11], [sflag:s6] =	dma.local [hbm:s5], $0x2800  }
0x11: {  	_ =	swait.ge [sflag:s12], $0x2800  }
0x12: {  	[sflag:s12] =	ssyncset.done $0x0  }
0x13: {  	[sflag:s12] =	ssyncadd.s32 $0xFFFFD800  }
0x14: {  	[tilespmem:s13], [sflag:$0x1] =	stream.linear.gather [hbm4b:s4+s3], $0x4000, $0x38;
	[tilespmem:$0x19400] =	vst v63  }
0x15: {  	_ =	swait.ge [sflag:s12], $0x4000  }
0x16: {  	[sflag:s12] =	ssyncset.done $0x0  }
0x17: {  	[sflag:s12] =	ssyncadd.s32 $0xFFFFC000  }
0x18: {  	[bflag:$0x0] =	sbarrier.arrive $0xFFFF  }
0x19: {  	[tilespmem:s3], [sflag:$0x1] =	stream.linear.gather [hbm4b:s7+s3], $0x1400, $0x38;
	[tilespmem:$0x19400] =	vst v63  }
0x1a: {  	_ =	swait.ge [sflag:s12], $0x1400  }
0x1b: {  	[sflag:s12] =	ssyncset.done $0x0  }
0x1c: {  	s16 =	simm.s32 $0x0;
	[sflag:s12] =	ssyncadd.s32 $0xFFFFEC00  }
0x1d: {  	[spmem:s1] =	stream.indirect.scatter.add.f32 [tilespmem:s13], [sflag:$0x1], $0x80, s16, s14, $0xb8;
	[tilespmem:$0x19400] =	vst v63  }
0x1e: {  	_ =	swait.ge [sflag:s12], $0x4000  }
0x1f: {  	s16 =	simm.s32 $0x200;
	[sflag:s12] =	ssyncset.done $0x0  }
.LBB2_2:
0x20: {  	s17 =	sshra.s32 s16, $0x2;
	[sflag:s12] =	ssyncadd.s32 $0xFFFFC000;
	p0 =	sne.s32 s16, $0x4E00  }
0x21: {  	[spmem:s1] =	stream.indirect.scatter.add.f32 [tilespmem:s13], [sflag:$0x1], $0x80, s17, s14, $0xb8;
	[tilespmem:$0x19400] =	vst v63  }
.Ltmp0:
0x22: {  	_ = 	snop;
	(pc) =	sbr.rel @p0 .LBB2_2-.Ltmp0, $4  }
0x23: {  	_ = 	snop  }
0x24: {  	s16 =	sadd.s32 $0x200, s16  }
0x25: {  	_ =	swait.ge [sflag:s12], $0x4000  }
0x26: {  	[sflag:s12] =	ssyncset.done $0x0  }
0x27: {  	[sflag:s12] =	ssyncadd.s32 $0xFFFFC000;
	s16 =	simm.s32 $0x0  }
0x28: {  	[tilespmem:s16], [sflag:$0x1] =	stream.linear.gather [hbm4b:s8+s16], $0x1400, $0x38;
	[tilespmem:$0x19400] =	vst v63  }
0x29: {  	_ =	swait.ge [sflag:s12], $0x1400  }
0x2a: {  	[sflag:s12] =	ssyncset.done $0x0  }
0x2b: {  	s31 =	simm.s32 $0x0;
	[sflag:s12] =	ssyncadd.s32 $0xFFFFEC00  }
0x2c: {  	[spmem:s1] =	stream.indirect.scatter.add.f32 [tilespmem:s13], [sflag:$0x1], $0x80, s31, s14, $0xb8;
	[tilespmem:$0x19400] =	vst v63  }
0x2d: {  	_ =	swait.ge [sflag:s12], $0x4000  }
0x2e: {  	s16 =	simm.s32 $0x200;
	[sflag:s12] =	ssyncset.done $0x0  }
.LBB2_4:
0x2f: {  	s17 =	sshra.s32 s16, $0x2;
	[sflag:s12] =	ssyncadd.s32 $0xFFFFC000;
	p0 =	sne.s32 s16, $0x4E00  }
0x30: {  	[spmem:s1] =	stream.indirect.scatter.add.f32 [tilespmem:s13], [sflag:$0x1], $0x80, s17, s14, $0xb8;
	[tilespmem:$0x19400] =	vst v63  }
.Ltmp1:
0x31: {  	_ = 	snop;
	(pc) =	sbr.rel @p0 .LBB2_4-.Ltmp1, $4  }
0x32: {  	_ = 	snop  }
0x33: {  	s16 =	sadd.s32 $0x200, s16  }
0x34: {  	_ =	swait.ge [sflag:s12], $0x4000  }
0x35: {  	[sflag:s12] =	ssyncset.done $0x0  }
0x36: {  	s15 =	sadd.s32 $0x1, s15  }
0x37: {  	[sflag:s12] =	ssyncadd.s32 $0xFFFFC000;
	p0 =	sne.s32 s15, s10  }
.Ltmp2:
0x38: {  	[bflag:$0x0] =	sbarrier.arrive $0xFFFF;
	(pc) =	sbr.rel @p0 .LBB2_1-.Ltmp2, $4  }
0x39: {  	[hbm:s9], [sflag:s6] =	dma.local [spmem:s11], $0x2800  }
0x3a: {  	_ =	swait.ge [sflag:s12], $0x2800  }
0x3b: {  	[sflag:s12] =	ssyncset.done $0x0  }
0x3c: {  	[sflag:s12] =	ssyncadd.s32 $0xFFFFD800  }
0x3d: {  	_ =	sfence.sel $0x180000  }
0x3e: {  	[bflag:$0x0] =	sbarrier.arrive $0xFFFF  }
0x3f: {  	p0 =	sne.s32 s2, $0x0;
	_ =	strace $0x90000047  }
0x40: {  	s0 =	sadd.s32 @!p0 $0x100000, s0;
	[bflag:$0x2] =	sbarrier.arrive $0xFFFF  }
0x41: {  	[sflag:s0] =	ssyncadd.tile.s32 @!p0 $0x1;
	_ =	shalt  }
.Lfunc_end2:
_tile_overlayer_lowered:
.L_overlay_start_2:
0x42: {  	(tag) =	ssettag $0x2  }
0x43: {  	s0 =	rddreg [dreg:$0x0];
	s2 =	stileid.u32  }
0x44: {  	s1 =	rddreg [dreg:$0x1];
	p0 =	sne.s32 s2, $0x0  }
0x45: {  	s3 =	rddreg [dreg:$0x2];
	[bflag:$0x3] =	sbarrier.arrive $0xFFFF;
	s2 =	simm.s32 @!p0 $0x1C01  }
0x46: {  	[timem:s3], [sflag:s2] =	dma.local @!p0 [hbm:s0], s1  }
0x47: {  	s0 =	simm.s32 @!p0 $0x1  }
0x48: {  	_ =	swait.ge @!p0 [sflag:s0], s1  }
0x49: {  	s1 =	ssub.s32 @!p0 $0x0, s1;
	[sflag:s0] =	ssyncset.done @!p0 $0x0  }
0x4a: {  	[sflag:s0] =	ssyncadd.s32 @!p0 s1  }
0x4b: {  	[bflag:$0x3] =	sbarrier.arrive $0xFFFF  }
0x4c: {  	_ =	shalt  }

// kernel: kernel.14.cloned.1.call-start
scs
__scs_entry_jumppad:
0x0: {  	(pc) =	sbr.rel $0x88, $3  }
0x1: {  	(tag) =	ssettag $0x0;
	lr =	simm.s32 $0x1  }
0x2: {  	[smem:$0x3F84] =	sst lr;
	_ =	strace $0xD0000000  }
0x3: {  	_ = 	snop  }
0x4: {  	_ = 	snop  }
0x5: {  	_ = 	snop  }
0x6: {  	_ = 	snop  }
0x7: {  	_ = 	snop  }
__scs_overlays_trampoline_lowered:
0x8: {  	[smem:$0x3F93] =	sst s0  }
0x9: {  	[smem:$0x3F94] =	sst s1  }
0xa: {  	[smem:$0x3F95] =	sst s2  }
0xb: {  	[smem:$0x3F96] =	sst s3  }
0xc: {  	[smem:$0x3F97] =	sst s4  }
0xd: {  	[smem:$0x3F98] =	sst s5  }
0xe: {  	[smem:$0x3F99] =	sst s6  }
0xf: {  	[smem:$0x3F9A] =	sst s7  }
0x10: {  	[smem:$0x3F9B] =	sst s8  }
0x11: {  	[smem:$0x3F9C] =	sst s9;
	s0 =	simm.s32 @!p0 $0x0  }
0x12: {  	s1 =	sld [smem:$0x3F82];
	s0 =	simm.s32 @p0 $0x1  }
0x13: {  	[smem:$0x3F9D] =	sst s0;
	s0 =	simm.s32 @!p1 $0x0  }
0x14: {  	s2 =	sld [smem:$0x3F81];
	s0 =	simm.s32 @p1 $0x1  }
0x15: {  	[smem:$0x3F9E] =	sst s0;
	s0 =	simm.s32 @!p2 $0x0  }
0x16: {  	s3 =	sld [smem:$0x3FDB];
	s0 =	simm.s32 @p2 $0x1  }
0x17: {  	s4 =	simm.s32 $0x1BF5;
	[smem:$0x3FA0] =	sst s0  }
0x18: {  	s0 =	sld [smem:$0x3F83];
	_ =	swait.ge [sflag:s4], $0x0  }
0x19: {  	s7 =	sld [smem:$0x3F84]  }
0x1a: {  	s8 =	sadd.s32 $0xFFFFE003, lr  }
0x1b: {  	s9 =	sadd.s32 $0xFFFFFEF7, lr;
	s5 =	simm.s32 $0xFFFFFFFF;
	p2 =	slt.u32 s8, $0xFFFFF086  }
0x1c: {  	p1 =	slt.u32 s9, $0xF7A;
	s5 =	simm.s32 @!p2 $0x0  }
0x1d: {  	s5 =	simm.s32 @p1 $0x1;
	p0 =	seq.s32 s7, s2  }
0x1e: {  	s7 =	smul.u32 @!p0 $0xF7A, s2;
	p2 =	seq.s32 @!p0 s5, $0x0  }
0x1f: {  	s9 =	smul.u32 $0xF7A, s1;
	s8 =	simm.s32 @!p0 $0x1BF5;
	p2 =	por !p2, p0  }
0x20: {  	[sflag:s8] =	ssyncset.s32 @!p0 $0xFFFFF086;
	s6 =	sadd.s32 @!p0 s3, s7;
	s7 =	simm.s32 @!p0 $0x108  }
0x21: {  	s3 =	sadd.s32 s3, s9;
	s6 =	sadd.s32 @!p0 $0x88, s6;
	s7 =	simm.s32 @p2 $0x1082  }
0x22: {  	[simem:s7], [sflag:s8] =	dma.local @!p0 [hbm:s6], $0xF7A  }
0x23: {  	s9 =	sor.u32 $0xD0000000, s2;
	s6 =	simm.s32 $0x108;
	_ =	swait.ge @!p0 [sflag:s8], $0x0  }
0x24: {  	s3 =	sadd.s32 $0x88, s3;
	s6 =	simm.s32 @!p1 $0x1082;
	[sflag:s4] =	ssyncset.s32 $0xFFFFF086  }
0x25: {  	[simem:s6], [sflag:s4] =	dma.local [hbm:s3], $0xF7A  }
0x26: {  	[smem:$0x3F84] =	sst s1;
	(tag) =	ssettag s2;
	_ =	strace s9  }
0x27: {  	s1 =	sld [smem:$0x3F94]  }
0x28: {  	s2 =	sld [smem:$0x3F95]  }
0x29: {  	s4 =	sld [smem:$0x3F97]  }
0x2a: {  	p0 =	seq.s32 s5, $0x0;
	s5 =	sld [smem:$0x3F98]  }
0x2b: {  	s6 =	sld [smem:$0x3F99]  }
0x2c: {  	s7 =	sld [smem:$0x3F9A]  }
0x2d: {  	s3 =	simm.s32 $0x108;
	s8 =	sld [smem:$0x3F9B]  }
0x2e: {  	s3 =	simm.s32 @!p0 $0x1082;
	s9 =	sld [smem:$0x3F9C]  }
0x2f: {  	lr =	sadd.s32 s0, s3;
	s0 =	sld [smem:$0x3F93]  }
0x30: {  	s3 =	sld [smem:$0x3F96]  }
0x31: {  	[smem:$0x3F9F] =	sst s10  }
0x32: {  	s10 =	sld [smem:$0x3F9D];
	_ =	sdelay $0x3  }
0x33: {  	p0 =	seq.s32 s10, $0x1;
	s10 =	sld [smem:$0x3F9F];
	_ =	sdelay $0x3  }
0x34: {  	[smem:$0x3F9F] =	sst s10  }
0x35: {  	s10 =	sld [smem:$0x3F9E];
	_ =	sdelay $0x3  }
0x36: {  	p1 =	seq.s32 s10, $0x1;
	s10 =	sld [smem:$0x3F9F];
	_ =	sdelay $0x3  }
0x37: {  	[smem:$0x3F9F] =	sst s10  }
0x38: {  	s10 =	sld [smem:$0x3FA0]  }
0x39: {  	_ = 	snop;
	(pc) =	sbr.ind lr, $3  }
0x3a: {  	_ = 	snop  }
0x3b: {  	_ = 	snop  }
0x3c: {  	p2 =	seq.s32 s10, $0x1;
	s10 =	sld [smem:$0x3F9F]  }
0x3d: {  	_ =	shalt  }
0x3e: {  	_ =	shalt  }
0x3f: {  	_ =	shalt  }
0x40: {  	_ =	shalt  }
0x41: {  	_ =	shalt  }
0x42: {  	_ =	shalt  }
0x43: {  	_ =	shalt  }
0x44: {  	_ =	shalt  }
0x45: {  	_ =	shalt  }
0x46: {  	_ =	shalt  }
0x47: {  	_ =	shalt  }
0x48: {  	_ =	shalt  }
0x49: {  	_ =	shalt  }
0x4a: {  	_ =	shalt  }
0x4b: {  	_ =	shalt  }
0x4c: {  	_ =	shalt  }
0x4d: {  	_ =	shalt  }
0x4e: {  	_ =	shalt  }
0x4f: {  	_ =	shalt  }
0x50: {  	_ =	shalt  }
0x51: {  	_ =	shalt  }
0x52: {  	_ =	shalt  }
0x53: {  	_ =	shalt  }
0x54: {  	_ =	shalt  }
0x55: {  	_ =	shalt  }
0x56: {  	_ =	shalt  }
0x57: {  	_ =	shalt  }
0x58: {  	_ =	shalt  }
0x59: {  	_ =	shalt  }
0x5a: {  	_ =	shalt  }
0x5b: {  	_ =	shalt  }
0x5c: {  	_ =	shalt  }
0x5d: {  	_ =	shalt  }
0x5e: {  	_ =	shalt  }
0x5f: {  	_ =	shalt  }
0x60: {  	_ =	shalt  }
0x61: {  	_ =	shalt  }
0x62: {  	_ =	shalt  }
0x63: {  	_ =	shalt  }
0x64: {  	_ =	shalt  }
0x65: {  	_ =	shalt  }
0x66: {  	_ =	shalt  }
0x67: {  	_ =	shalt  }
0x68: {  	_ =	shalt  }
0x69: {  	_ =	shalt  }
0x6a: {  	_ =	shalt  }
0x6b: {  	_ =	shalt  }
0x6c: {  	_ =	shalt  }
0x6d: {  	_ =	shalt  }
0x6e: {  	_ =	shalt  }
0x6f: {  	_ =	shalt  }
0x70: {  	_ =	shalt  }
0x71: {  	_ =	shalt  }
0x72: {  	_ =	shalt  }
0x73: {  	_ =	shalt  }
0x74: {  	_ =	shalt  }
0x75: {  	_ =	shalt  }
0x76: {  	_ =	shalt  }
0x77: {  	_ =	shalt  }
0x78: {  	_ =	shalt  }
0x79: {  	_ =	shalt  }
0x7a: {  	_ =	shalt  }
0x7b: {  	_ =	shalt  }
0x7c: {  	_ =	shalt  }
0x7d: {  	_ =	shalt  }
0x7e: {  	_ =	shalt  }
0x7f: {  	_ =	shalt  }
0x80: {  	_ =	shalt  }
0x81: {  	_ =	shalt  }
0x82: {  	_ =	shalt  }
0x83: {  	_ =	shalt  }
0x84: {  	_ =	shalt  }
0x85: {  	_ =	shalt  }
0x86: {  	_ =	shalt  }
0x87: {  	_ =	shalt  }
.Lfunc_end0:
.L_simem_size_0:
called_computation.1_lowered:
.L_overlay_start_0:
0x88: {  	s2 =	sld [smem:$0x3FD9]  }
0x89: {  	s3 =	sld [smem:$0x3FFE];
	_ =	sdelay $0x1  }
0x8a: {  	s1 =	srdreg.scid  }
0x8b: {  	s0 =	sand.u32 $0x1, s1  }
0x8c: {  	s16 =	sshll.u32 s0, $0xA;
	s2 =	sadd.s32 s3, s2  }
0x8d: {  	s2 =	sadd.s32 s2, s16  }
0x8e: {  	[smem:$0x3FAB] =	sst s2  }
0x8f: {  	_ = 	snop  }
0x90: {  	(tm) =	ssettm $0x1  }
0x91: {  	s17 =	sld [smem:$0x3FFB];
	_ =	sdelay $0x3  }
0x92: {  	_ =	strace s17  }
0x93: {  	s2 =	sld [smem:$0x3FFC];
	_ =	sdelay $0x3  }
0x94: {  	_ =	strace s2  }
0x95: {  	s2 =	sld [smem:$0x3FFD];
	_ =	sdelay $0x3  }
0x96: {  	_ =	strace s2  }
0x97: {  	_ =	strace $0x8FFFFFFF  }
0x98: {  	s18 =	sld [smem:$0x3FDB];
	_ =	sdelay $0x1  }
0x99: {  	s19 =	simm.s32 $_scs_section_size  }
0x9a: {  	s4 =	simm.s32 $_size__tile_overlayer_lowered;
	s5 =	simm.s32 $_tile_overlayer_lowered  }
0x9b: {  	s22 =	simm.s32 $0x1BFF;
	s21 =	sshll.u32 s5, $0x1;
	s2 =	sadd.s32 s19, s18  }
0x9c: {  	s6 =	simm.s32 $0x0;
	s20 =	sshll.u32 s4, $0x1;
	s4 =	sadd.s32 s21, s2  }
0x9d: {  	[timem:s6], [sflag:s22] =	dma.local [hbm:s4], s20  }
0x9e: {  	_ =	swait.ge [sflag:s22], s20  }
0x9f: {  	s3 =	ssub.s32 $0x0, s20;
	[sflag:s22] =	ssyncset.done $0x0  }
0xa0: {  	[sflag:s22] =	ssyncadd.s32 s3;
	_ =	sdelay $0x1  }
0xa1: {  	s23 =	simm.s32 $0x1B8B  }
0xa2: {  	_ =	swait.ge [sflag:s23], $0x1  }
0xa3: {  	[sflag:s23] =	ssyncset.done $0x0  }
0xa4: {  	s25 =	simm.s32 $0x1B8E;
	s24 =	sld [smem:$0x3FFE];
	[sflag:s23] =	ssyncadd.s32 $0xFFFFFFFF  }
0xa5: {  	s26 =	simm.s32 $execute0_lowered;
	[smem:$0x3FD2] =	sst s25  }
0xa6: {  	s4 =	sshll.u32 s26, $0x1;
	_ =	strace $0x80000049;
	[dreg:$0x1] =	wrdreg $0xFFFFFFFF  }
0xa7: {  	s28 =	simm.s32 $_size_execute0_lowered;
	s2 =	sadd.s32 s2, s4;
	[dreg:$0x0] =	wrdreg $0x0  }
0xa8: {  	s4 =	sshll.u32 s28, $0x1;
	[dreg:$0x2] =	wrdreg s2  }
0xa9: {  	[dreg:$0x3] =	wrdreg s4  }
0xaa: {  	[dreg:$0x4] =	wrdreg $0xC0  }
0xab: {  	_ =	task [dreg:s6], $0x5FFFF  }
0xac: {  	[dreg:$0x1] =	wrdreg $0xFFFFFFFF  }
0xad: {  	[dreg:$0x0] =	wrdreg $0x60  }
0xae: {  	[dreg:$0x2] =	wrdreg s24  }
0xaf: {  	[dreg:$0x3] =	wrdreg $0xA8000  }
0xb0: {  	[dreg:$0x4] =	wrdreg $0x9  }
0xb1: {  	_ =	task.clear_ibuf [dreg:s6], $0x5FFFF;
	_ =	strace $0x90000049  }
0xb2: {  	s29 =	simm.s32 $0x9;
	_ =	strace $0x8000004B  }
0xb3: {  	_ =	swait.ge [sflag:s29], $0x1  }
0xb4: {  	[sflag:s29] =	ssyncadd.s32 $0xFFFFFFFF  }
0xb5: {  	_ =	strace $0x9000004B  }
0xb6: {  	_ =	sfence  }
0xb7: {  	s30 =	sld [smem:$0x0];
	_ =	sdelay $0x2  }
0xb8: {  	s31 =	sshll.u32 s1, $0xD;
	s1 =	sshrl.u32 s1, $0x2  }
0xb9: {  	s3 =	sand.u32 $0x4000, s31;
	s1 =	sadd.s32 s1, s30  }
0xba: {  	s0 =	sor.u32 s3, s0;
	s1 =	sshll.u32 s1, $0x11  }
0xbb: {  	s0 =	sor.u32 s1, s0  }
0xbc: {  	s0 =	sadd.s32 $0x8F2B, s0  }
0xbd: {  	[sflag:s0] =	ssyncadd.remote.s32 $0x1  }
0xbe: {  	_ =	sfence.sel $0xFFFF  }
0xbf: {  	[dreg:$0x0] =	wrdreg $0xFFFFFFFF;
	(pc) =	sbr.abs _section_cstart, $3  }
0xc0: {  	[dreg:$0x1] =	wrdreg $0xFFFFFFFF  }
0xc1: {  	_ =	task.clear_ibuf [dreg:s6], $0x2FFFF;
	_ =	strace $0x9FFFFFFF  }
0xc2: {  	(tm) =	ssettm $0x7FFFFFFF  }
0xc3: {  	_ =	shalt  }
tec
execute0_lowered:
.L_overlay_start_1:
0x0: {  	(tag) =	ssettag $0x1  }
0x1: {  	s6 =	rddreg [dreg:$0x0]  }
0x2: {  	s1 =	rddreg [dreg:$0x1]  }
0x3: {  	s2 =	srdreg.scid;
	s0 =	rddreg [dreg:$0x2]  }
0x4: {  	s3 =	simm.s32 $0x0;
	s16 =	simm.s32 $0x80;
	s17 =	simm.s32 $0x2800  }
0x5: {  	s18 =	simm.s32 $0x6800;
	s19 =	simm.s32 $0x1;
	s20 =	simm.s32 $0x2  }
0x6: {  	s21 =	simm.s32 $0x2700;
	s22 =	simm.s32 $0x2780;
	s7 =	sand.u32 $0x1, s2  }
0x7: {  	s2 =	stileid.u32;
	[smem:$0x7FF] =	sst s3;
	s4 =	sadd.s32 $0x95200, s6  }
0x8: {  	s10 =	sadd.s32 $0x63200, s6;
	s11 =	sadd.s32 $0x6200, s6;
	s8 =	smul.u32 $0x140000, s7  }
0x9: {  	s5 =	sadd.s32 $0x10200, s6;
	s9 =	smul.u32 $0x14000, s2;
	_ =	strace $0x8000004A  }
0xa: {  	s23 =	ssub.s32 $0x2, s7;
	s12 =	sshll.u32 s2, $0x1;
	s24 =	smul.u32 $0x50000, s2  }
0xb: {  	s28 =	sshll.u32 s2, $0x6;
	s13 =	sshrl.u32 s23, $0x1;
	s7 =	sor.u32 s7, s12  }
0xc: {  	s8 =	sadd.s32 s9, s8;
	s13 =	ssub.s32 s23, s13;
	s25 =	smul.u32 $0x2800, s7  }
0xd: {  	s26 =	sshrl.u32 s24, $0x2;
	s29 =	smul.u32 $0x500, s7;
	s23 =	simm.s32 $0x0  }
0xe: {  	s8 =	sshrl.u32 s8, $0x3;
	s15 =	sadd.s32 s26, s1;
	s12 =	smax.u32 s13, $0x1  }
0xf: {  	s14 =	sadd.s32 s8, s6;
	s6 =	sor.u32 $0x1C03, s28;
	s30 =	sshrl.u32 s25, $0x3  }
0x10: {  	s7 =	sadd.s32 s10, s29;
	s8 =	sadd.s32 s11, s29;
	s31 =	sadd.s32 $0x280, s30  }
0x11: {  	s13 =	sshrl.u32 s15, $0x3;
	s15 =	simm.s32 $0x1400;
	s9 =	sadd.s32 s10, s31  }
0x12: {  	s10 =	sadd.s32 s11, s31;
	s11 =	sadd.s32 $0xBD200, s14;
	s14 =	simm.s32 $0x3  }
.LBB2_1:
0x13: {  	[spmem:s13], [sflag:s6] =	dma.local [hbm:s5], $0x2800  }
0x14: {  	_ =	swait.ge [sflag:s14], $0x2800  }
0x15: {  	[sflag:s14] =	ssyncset.done $0x0  }
0x16: {  	[sflag:s14] =	ssyncadd.s32 $0xFFFFD800  }
0x17: {  	[bflag:$0x0] =	sbarrier.arrive $0xFFFF  }
0x18: {  	[tilespmem:s3], [sflag:$0x3] =	stream.linear.gather [hbm4b:s7+s3], $0x1400, $0x38;
	[tilespmem:$0x1E800] =	vst v63  }
0x19: {  	_ =	swait.ge [sflag:s14], $0x1400  }
0x1a: {  	[sflag:s14] =	ssyncset.done $0x0  }
0x1b: {  	[sflag:s14] =	ssyncadd.s32 $0xFFFFEC00  }
0x1c: {  	[tilespmem:s15], [sflag:$0x3] =	stream.linear.gather [hbm4b:s8+s3], $0x1400, $0x38;
	[tilespmem:$0x1E800] =	vst v63  }
0x1d: {  	_ =	swait.ge [sflag:s14], $0x1400  }
0x1e: {  	[sflag:s14] =	ssyncset.done $0x0  }
0x1f: {  	[sflag:s14] =	ssyncadd.s32 $0xFFFFEC00  }
0x20: {  	[tilespmem:s17], [sflag:$0x1] =	stream.indirect.gather [hbm4b:s4+s16], $0x80, s3, s16, $0xb8;
	[tilespmem:$0x1E800] =	vst v63  }
0x21: {  	_ = 	snop  }
0x22: {  	[tilespmem:s18], [sflag:$0x2] =	stream.indirect.gather [hbm4b:s4+s16], $0x80, s16, s16, $0xb8;
	[tilespmem:$0x1E800] =	vst v63  }
0x23: {  	_ =	swait.ge [sflag:s19], $0x4000  }
0x24: {  	[sflag:s19] =	ssyncset.done $0x0  }
0x25: {  	s24 =	simm.s32 $0x1400;
	[sflag:s19] =	ssyncadd.s32 $0xFFFFC000  }
0x26: {  	[spmem:s1] =	stream.indirect.scatter.add.f32 [tilespmem:s17], [sflag:$0x3], $0x80, s24, s16, $0xb8;
	[tilespmem:$0x1E800] =	vst v63  }
0x27: {  	_ =	swait.ge [sflag:s14], $0x4000  }
0x28: {  	[sflag:s14] =	ssyncset.done $0x0  }
0x29: {  	s30 =	simm.s32 $0x100;
	[sflag:s14] =	ssyncadd.s32 $0xFFFFC000  }
0x2a: {  	[tilespmem:s17], [sflag:$0x1] =	stream.indirect.gather [hbm4b:s4+s16], $0x80, s30, s16, $0xb8;
	[tilespmem:$0x1E800] =	vst v63  }
0x2b: {  	_ =	swait.ge [sflag:s20], $0x4000  }
0x2c: {  	[sflag:s20] =	ssyncset.done $0x0  }
0x2d: {  	s31 =	simm.s32 $0x1480;
	[sflag:s20] =	ssyncadd.s32 $0xFFFFC000  }
0x2e: {  	[spmem:s1] =	stream.indirect.scatter.add.f32 [tilespmem:s18], [sflag:$0x3], $0x80, s31, s16, $0xb8;
	[tilespmem:$0x1E800] =	vst v63  }
0x2f: {  	_ =	swait.ge [sflag:s14], $0x4000  }
0x30: {  	[sflag:s14] =	ssyncset.done $0x0  }
0x31: {  	s25 =	simm.s32 $0x180;
	s24 =	simm.s32 $0x400;
	[sflag:s14] =	ssyncadd.s32 $0xFFFFC000  }
.LBB2_2:
0x32: {  	[tilespmem:s18], [sflag:$0x2] =	stream.indirect.gather [hbm4b:s4+s16], $0x80, s25, s16, $0xb8;
	[tilespmem:$0x1E800] =	vst v63  }
0x33: {  	s25 =	smov.u32 s24  }
0x34: {  	p0 =	sne.s32 s24, $0x4800;
	s24 =	sadd.s32 $0x400, s24;
	_ =	swait.ge [sflag:s19], $0x4000  }
0x35: {  	s25 =	sshra.s32 s25, $0x2;
	[sflag:s19] =	ssyncset.done $0x0  }
0x36: {  	s26 =	sadd.s32 $0x1400, s25;
	[sflag:s19] =	ssyncadd.s32 $0xFFFFC000  }
0x37: {  	[spmem:s1] =	stream.indirect.scatter.add.f32 [tilespmem:s17], [sflag:$0x3], $0x80, s26, s16, $0xb8;
	[tilespmem:$0x1E800] =	vst v63  }
0x38: {  	_ =	swait.ge [sflag:s14], $0x4000  }
0x39: {  	[sflag:s14] =	ssyncset.done $0x0  }
0x3a: {  	s26 =	sadd.s32 $0x100, s25;
	[sflag:s14] =	ssyncadd.s32 $0xFFFFC000  }
0x3b: {  	[tilespmem:s17], [sflag:$0x1] =	stream.indirect.gather [hbm4b:s4+s16], $0x80, s26, s16, $0xb8;
	[tilespmem:$0x1E800] =	vst v63  }
0x3c: {  	_ =	swait.ge [sflag:s20], $0x4000  }
0x3d: {  	[sflag:s20] =	ssyncset.done $0x0  }
.Ltmp0:
0x3e: {  	s26 =	sadd.s32 $0x1480, s25;
	[sflag:s20] =	ssyncadd.s32 $0xFFFFC000;
	(pc) =	sbr.rel @p0 .LBB2_2-.Ltmp0, $4  }
0x3f: {  	[spmem:s1] =	stream.indirect.scatter.add.f32 [tilespmem:s18], [sflag:$0x3], $0x80, s26, s16, $0xb8;
	[tilespmem:$0x1E800] =	vst v63  }
0x40: {  	_ =	swait.ge [sflag:s14], $0x4000  }
0x41: {  	[sflag:s14] =	ssyncset.done $0x0  }
0x42: {  	s25 =	sadd.s32 $0x180, s25;
	[sflag:s14] =	ssyncadd.s32 $0xFFFFC000  }
0x43: {  	[tilespmem:s18], [sflag:$0x2] =	stream.indirect.gather [hbm4b:s4+s16], $0x80, s25, s16, $0xb8;
	[tilespmem:$0x1E800] =	vst v63  }
0x44: {  	_ =	swait.ge [sflag:s19], $0x4000  }
0x45: {  	[sflag:s19] =	ssyncset.done $0x0  }
0x46: {  	[sflag:s19] =	ssyncadd.s32 $0xFFFFC000  }
0x47: {  	[spmem:s1] =	stream.indirect.scatter.add.f32 [tilespmem:s17], [sflag:$0x3], $0x80, s21, s16, $0xb8;
	[tilespmem:$0x1E800] =	vst v63  }
0x48: {  	_ =	swait.ge [sflag:s14], $0x4000  }
0x49: {  	[sflag:s14] =	ssyncset.done $0x0  }
0x4a: {  	[sflag:s14] =	ssyncadd.s32 $0xFFFFC000  }
0x4b: {  	_ =	swait.ge [sflag:s20], $0x4000  }
0x4c: {  	[sflag:s20] =	ssyncset.done $0x0  }
0x4d: {  	[sflag:s20] =	ssyncadd.s32 $0xFFFFC000  }
0x4e: {  	[spmem:s1] =	stream.indirect.scatter.add.f32 [tilespmem:s18], [sflag:$0x3], $0x80, s22, s16, $0xb8;
	[tilespmem:$0x1E800] =	vst v63  }
0x4f: {  	_ =	swait.ge [sflag:s14], $0x4000  }
0x50: {  	[sflag:s14] =	ssyncset.done $0x0  }
0x51: {  	s24 =	simm.s32 $0x0;
	[sflag:s14] =	ssyncadd.s32 $0xFFFFC000  }
0x52: {  	[tilespmem:s24], [sflag:$0x3] =	stream.linear.gather [hbm4b:s9+s24], $0x1400, $0x38;
	[tilespmem:$0x1E800] =	vst v63  }
0x53: {  	_ =	swait.ge [sflag:s14], $0x1400  }
0x54: {  	[sflag:s14] =	ssyncset.done $0x0  }
0x55: {  	[sflag:s14] =	ssyncadd.s32 $0xFFFFEC00  }
0x56: {  	[tilespmem:s15], [sflag:$0x3] =	stream.linear.gather [hbm4b:s10+s24], $0x1400, $0x38;
	[tilespmem:$0x1E800] =	vst v63  }
0x57: {  	_ =	swait.ge [sflag:s14], $0x1400  }
0x58: {  	[sflag:s14] =	ssyncset.done $0x0  }
0x59: {  	[sflag:s14] =	ssyncadd.s32 $0xFFFFEC00  }
0x5a: {  	[tilespmem:s17], [sflag:$0x1] =	stream.indirect.gather [hbm4b:s4+s16], $0x80, s24, s16, $0xb8;
	[tilespmem:$0x1E800] =	vst v63  }
0x5b: {  	_ = 	snop  }
0x5c: {  	[tilespmem:s18], [sflag:$0x2] =	stream.indirect.gather [hbm4b:s4+s16], $0x80, s16, s16, $0xb8;
	[tilespmem:$0x1E800] =	vst v63  }
0x5d: {  	_ =	swait.ge [sflag:s19], $0x4000  }
0x5e: {  	[sflag:s19] =	ssyncset.done $0x0  }
0x5f: {  	s29 =	simm.s32 $0x1400;
	[sflag:s19] =	ssyncadd.s32 $0xFFFFC000  }
0x60: {  	[spmem:s1] =	stream.indirect.scatter.add.f32 [tilespmem:s17], [sflag:$0x3], $0x80, s29, s16, $0xb8;
	[tilespmem:$0x1E800] =	vst v63  }
0x61: {  	_ =	swait.ge [sflag:s14], $0x4000  }
0x62: {  	[sflag:s14] =	ssyncset.done $0x0  }
0x63: {  	s30 =	simm.s32 $0x100;
	[sflag:s14] =	ssyncadd.s32 $0xFFFFC000  }
0x64: {  	[tilespmem:s17], [sflag:$0x1] =	stream.indirect.gather [hbm4b:s4+s16], $0x80, s30, s16, $0xb8;
	[tilespmem:$0x1E800] =	vst v63  }
0x65: {  	_ =	swait.ge [sflag:s20], $0x4000  }
0x66: {  	[sflag:s20] =	ssyncset.done $0x0  }
0x67: {  	s31 =	simm.s32 $0x1480;
	[sflag:s20] =	ssyncadd.s32 $0xFFFFC000  }
0x68: {  	[spmem:s1] =	stream.indirect.scatter.add.f32 [tilespmem:s18], [sflag:$0x3], $0x80, s31, s16, $0xb8;
	[tilespmem:$0x1E800] =	vst v63  }
0x69: {  	_ =	swait.ge [sflag:s14], $0x4000  }
0x6a: {  	[sflag:s14] =	ssyncset.done $0x0  }
0x6b: {  	s25 =	simm.s32 $0x180;
	s24 =	simm.s32 $0x400;
	[sflag:s14] =	ssyncadd.s32 $0xFFFFC000  }
.LBB2_4:
0x6c: {  	[tilespmem:s18], [sflag:$0x2] =	stream.indirect.gather [hbm4b:s4+s16], $0x80, s25, s16, $0xb8;
	[tilespmem:$0x1E800] =	vst v63  }
0x6d: {  	s25 =	smov.u32 s24  }
0x6e: {  	p0 =	sne.s32 s24, $0x4800;
	s24 =	sadd.s32 $0x400, s24;
	_ =	swait.ge [sflag:s19], $0x4000  }
0x6f: {  	s25 =	sshra.s32 s25, $0x2;
	[sflag:s19] =	ssyncset.done $0x0  }
0x70: {  	s26 =	sadd.s32 $0x1400, s25;
	[sflag:s19] =	ssyncadd.s32 $0xFFFFC000  }
0x71: {  	[spmem:s1] =	stream.indirect.scatter.add.f32 [tilespmem:s17], [sflag:$0x3], $0x80, s26, s16, $0xb8;
	[tilespmem:$0x1E800] =	vst v63  }
0x72: {  	_ =	swait.ge [sflag:s14], $0x4000  }
0x73: {  	[sflag:s14] =	ssyncset.done $0x0  }
0x74: {  	s26 =	sadd.s32 $0x100, s25;
	[sflag:s14] =	ssyncadd.s32 $0xFFFFC000  }
0x75: {  	[tilespmem:s17], [sflag:$0x1] =	stream.indirect.gather [hbm4b:s4+s16], $0x80, s26, s16, $0xb8;
	[tilespmem:$0x1E800] =	vst v63  }
0x76: {  	_ =	swait.ge [sflag:s20], $0x4000  }
0x77: {  	[sflag:s20] =	ssyncset.done $0x0  }
.Ltmp1:
0x78: {  	s26 =	sadd.s32 $0x1480, s25;
	[sflag:s20] =	ssyncadd.s32 $0xFFFFC000;
	(pc) =	sbr.rel @p0 .LBB2_4-.Ltmp1, $4  }
0x79: {  	[spmem:s1] =	stream.indirect.scatter.add.f32 [tilespmem:s18], [sflag:$0x3], $0x80, s26, s16, $0xb8;
	[tilespmem:$0x1E800] =	vst v63  }
0x7a: {  	_ =	swait.ge [sflag:s14], $0x4000  }
0x7b: {  	[sflag:s14] =	ssyncset.done $0x0  }
0x7c: {  	s25 =	sadd.s32 $0x180, s25;
	[sflag:s14] =	ssyncadd.s32 $0xFFFFC000  }
0x7d: {  	[tilespmem:s18], [sflag:$0x2] =	stream.indirect.gather [hbm4b:s4+s16], $0x80, s25, s16, $0xb8;
	[tilespmem:$0x1E800] =	vst v63  }
0x7e: {  	_ =	swait.ge [sflag:s19], $0x4000  }
0x7f: {  	[sflag:s19] =	ssyncset.done $0x0  }
0x80: {  	[sflag:s19] =	ssyncadd.s32 $0xFFFFC000  }
0x81: {  	[spmem:s1] =	stream.indirect.scatter.add.f32 [tilespmem:s17], [sflag:$0x3], $0x80, s21, s16, $0xb8;
	[tilespmem:$0x1E800] =	vst v63  }
0x82: {  	_ =	swait.ge [sflag:s14], $0x4000  }
0x83: {  	[sflag:s14] =	ssyncset.done $0x0  }
0x84: {  	[sflag:s14] =	ssyncadd.s32 $0xFFFFC000  }
0x85: {  	_ =	swait.ge [sflag:s20], $0x4000  }
0x86: {  	[sflag:s20] =	ssyncset.done $0x0  }
0x87: {  	[sflag:s20] =	ssyncadd.s32 $0xFFFFC000  }
0x88: {  	[spmem:s1] =	stream.indirect.scatter.add.f32 [tilespmem:s18], [sflag:$0x3], $0x80, s22, s16, $0xb8;
	[tilespmem:$0x1E800] =	vst v63  }
0x89: {  	_ =	swait.ge [sflag:s14], $0x4000  }
0x8a: {  	s23 =	sadd.s32 $0x1, s23;
	[sflag:s14] =	ssyncset.done $0x0  }
0x8b: {  	p0 =	sne.s32 s23, s12;
	[sflag:s14] =	ssyncadd.s32 $0xFFFFC000  }
.Ltmp2:
0x8c: {  	[bflag:$0x0] =	sbarrier.arrive $0xFFFF;
	(pc) =	sbr.rel @p0 .LBB2_1-.Ltmp2, $4  }
0x8d: {  	[hbm:s11], [sflag:s6] =	dma.local [spmem:s13], $0x2800  }
0x8e: {  	_ =	swait.ge [sflag:s14], $0x2800  }
0x8f: {  	[sflag:s14] =	ssyncset.done $0x0  }
0x90: {  	[sflag:s14] =	ssyncadd.s32 $0xFFFFD800  }
0x91: {  	_ =	sfence.sel $0x180000  }
0x92: {  	[bflag:$0x0] =	sbarrier.arrive $0xFFFF  }
0x93: {  	p0 =	sne.s32 s2, $0x0;
	_ =	strace $0x9000004A  }
0x94: {  	s0 =	sadd.s32 @!p0 $0x100000, s0;
	[bflag:$0x2] =	sbarrier.arrive $0xFFFF  }
0x95: {  	[sflag:s0] =	ssyncadd.tile.s32 @!p0 $0x1;
	_ =	shalt  }
.Lfunc_end2:
_tile_overlayer_lowered:
.L_overlay_start_2:
0x96: {  	(tag) =	ssettag $0x2  }
0x97: {  	s0 =	rddreg [dreg:$0x0];
	s2 =	stileid.u32  }
0x98: {  	s1 =	rddreg [dreg:$0x1];
	p0 =	sne.s32 s2, $0x0  }
0x99: {  	s3 =	rddreg [dreg:$0x2];
	[bflag:$0x3] =	sbarrier.arrive $0xFFFF;
	s2 =	simm.s32 @!p0 $0x1C03  }
0x9a: {  	[timem:s3], [sflag:s2] =	dma.local @!p0 [hbm:s0], s1  }
0x9b: {  	s0 =	simm.s32 @!p0 $0x3  }
0x9c: {  	_ =	swait.ge @!p0 [sflag:s0], s1  }
0x9d: {  	s1 =	ssub.s32 @!p0 $0x0, s1;
	[sflag:s0] =	ssyncset.done @!p0 $0x0  }
0x9e: {  	[sflag:s0] =	ssyncadd.s32 @!p0 s1  }
0x9f: {  	[bflag:$0x3] =	sbarrier.arrive $0xFFFF  }
0xa0: {  	_ =	shalt  }

// kernel: kernel.17.cloned.1.call-start
scs
__scs_entry_jumppad:
0x0: {  	(pc) =	sbr.rel $0x88, $3  }
0x1: {  	(tag) =	ssettag $0x0;
	lr =	simm.s32 $0x1  }
0x2: {  	[smem:$0x3F84] =	sst lr;
	_ =	strace $0xD0000000  }
0x3: {  	_ = 	snop  }
0x4: {  	_ = 	snop  }
0x5: {  	_ = 	snop  }
0x6: {  	_ = 	snop  }
0x7: {  	_ = 	snop  }
__scs_overlays_trampoline_lowered:
0x8: {  	[smem:$0x3F93] =	sst s0  }
0x9: {  	[smem:$0x3F94] =	sst s1  }
0xa: {  	[smem:$0x3F95] =	sst s2  }
0xb: {  	[smem:$0x3F96] =	sst s3  }
0xc: {  	[smem:$0x3F97] =	sst s4  }
0xd: {  	[smem:$0x3F98] =	sst s5  }
0xe: {  	[smem:$0x3F99] =	sst s6  }
0xf: {  	[smem:$0x3F9A] =	sst s7  }
0x10: {  	[smem:$0x3F9B] =	sst s8  }
0x11: {  	[smem:$0x3F9C] =	sst s9;
	s0 =	simm.s32 @!p0 $0x0  }
0x12: {  	s1 =	sld [smem:$0x3F82];
	s0 =	simm.s32 @p0 $0x1  }
0x13: {  	[smem:$0x3F9D] =	sst s0;
	s0 =	simm.s32 @!p1 $0x0  }
0x14: {  	s2 =	sld [smem:$0x3F81];
	s0 =	simm.s32 @p1 $0x1  }
0x15: {  	[smem:$0x3F9E] =	sst s0;
	s0 =	simm.s32 @!p2 $0x0  }
0x16: {  	s3 =	sld [smem:$0x3FDB];
	s0 =	simm.s32 @p2 $0x1  }
0x17: {  	s4 =	simm.s32 $0x1BF5;
	[smem:$0x3FA0] =	sst s0  }
0x18: {  	s0 =	sld [smem:$0x3F83];
	_ =	swait.ge [sflag:s4], $0x0  }
0x19: {  	s7 =	sld [smem:$0x3F84]  }
0x1a: {  	s8 =	sadd.s32 $0xFFFFE003, lr  }
0x1b: {  	s9 =	sadd.s32 $0xFFFFFEF7, lr;
	s5 =	simm.s32 $0xFFFFFFFF;
	p2 =	slt.u32 s8, $0xFFFFF086  }
0x1c: {  	p1 =	slt.u32 s9, $0xF7A;
	s5 =	simm.s32 @!p2 $0x0  }
0x1d: {  	s5 =	simm.s32 @p1 $0x1;
	p0 =	seq.s32 s7, s2  }
0x1e: {  	s7 =	smul.u32 @!p0 $0xF7A, s2;
	p2 =	seq.s32 @!p0 s5, $0x0  }
0x1f: {  	s9 =	smul.u32 $0xF7A, s1;
	s8 =	simm.s32 @!p0 $0x1BF5;
	p2 =	por !p2, p0  }
0x20: {  	[sflag:s8] =	ssyncset.s32 @!p0 $0xFFFFF086;
	s6 =	sadd.s32 @!p0 s3, s7;
	s7 =	simm.s32 @!p0 $0x108  }
0x21: {  	s3 =	sadd.s32 s3, s9;
	s6 =	sadd.s32 @!p0 $0x88, s6;
	s7 =	simm.s32 @p2 $0x1082  }
0x22: {  	[simem:s7], [sflag:s8] =	dma.local @!p0 [hbm:s6], $0xF7A  }
0x23: {  	s9 =	sor.u32 $0xD0000000, s2;
	s6 =	simm.s32 $0x108;
	_ =	swait.ge @!p0 [sflag:s8], $0x0  }
0x24: {  	s3 =	sadd.s32 $0x88, s3;
	s6 =	simm.s32 @!p1 $0x1082;
	[sflag:s4] =	ssyncset.s32 $0xFFFFF086  }
0x25: {  	[simem:s6], [sflag:s4] =	dma.local [hbm:s3], $0xF7A  }
0x26: {  	[smem:$0x3F84] =	sst s1;
	(tag) =	ssettag s2;
	_ =	strace s9  }
0x27: {  	s1 =	sld [smem:$0x3F94]  }
0x28: {  	s2 =	sld [smem:$0x3F95]  }
0x29: {  	s4 =	sld [smem:$0x3F97]  }
0x2a: {  	p0 =	seq.s32 s5, $0x0;
	s5 =	sld [smem:$0x3F98]  }
0x2b: {  	s6 =	sld [smem:$0x3F99]  }
0x2c: {  	s7 =	sld [smem:$0x3F9A]  }
0x2d: {  	s3 =	simm.s32 $0x108;
	s8 =	sld [smem:$0x3F9B]  }
0x2e: {  	s3 =	simm.s32 @!p0 $0x1082;
	s9 =	sld [smem:$0x3F9C]  }
0x2f: {  	lr =	sadd.s32 s0, s3;
	s0 =	sld [smem:$0x3F93]  }
0x30: {  	s3 =	sld [smem:$0x3F96]  }
0x31: {  	[smem:$0x3F9F] =	sst s10  }
0x32: {  	s10 =	sld [smem:$0x3F9D];
	_ =	sdelay $0x3  }
0x33: {  	p0 =	seq.s32 s10, $0x1;
	s10 =	sld [smem:$0x3F9F];
	_ =	sdelay $0x3  }
0x34: {  	[smem:$0x3F9F] =	sst s10  }
0x35: {  	s10 =	sld [smem:$0x3F9E];
	_ =	sdelay $0x3  }
0x36: {  	p1 =	seq.s32 s10, $0x1;
	s10 =	sld [smem:$0x3F9F];
	_ =	sdelay $0x3  }
0x37: {  	[smem:$0x3F9F] =	sst s10  }
0x38: {  	s10 =	sld [smem:$0x3FA0]  }
0x39: {  	_ = 	snop;
	(pc) =	sbr.ind lr, $3  }
0x3a: {  	_ = 	snop  }
0x3b: {  	_ = 	snop  }
0x3c: {  	p2 =	seq.s32 s10, $0x1;
	s10 =	sld [smem:$0x3F9F]  }
0x3d: {  	_ =	shalt  }
0x3e: {  	_ =	shalt  }
0x3f: {  	_ =	shalt  }
0x40: {  	_ =	shalt  }
0x41: {  	_ =	shalt  }
0x42: {  	_ =	shalt  }
0x43: {  	_ =	shalt  }
0x44: {  	_ =	shalt  }
0x45: {  	_ =	shalt  }
0x46: {  	_ =	shalt  }
0x47: {  	_ =	shalt  }
0x48: {  	_ =	shalt  }
0x49: {  	_ =	shalt  }
0x4a: {  	_ =	shalt  }
0x4b: {  	_ =	shalt  }
0x4c: {  	_ =	shalt  }
0x4d: {  	_ =	shalt  }
0x4e: {  	_ =	shalt  }
0x4f: {  	_ =	shalt  }
0x50: {  	_ =	shalt  }
0x51: {  	_ =	shalt  }
0x52: {  	_ =	shalt  }
0x53: {  	_ =	shalt  }
0x54: {  	_ =	shalt  }
0x55: {  	_ =	shalt  }
0x56: {  	_ =	shalt  }
0x57: {  	_ =	shalt  }
0x58: {  	_ =	shalt  }
0x59: {  	_ =	shalt  }
0x5a: {  	_ =	shalt  }
0x5b: {  	_ =	shalt  }
0x5c: {  	_ =	shalt  }
0x5d: {  	_ =	shalt  }
0x5e: {  	_ =	shalt  }
0x5f: {  	_ =	shalt  }
0x60: {  	_ =	shalt  }
0x61: {  	_ =	shalt  }
0x62: {  	_ =	shalt  }
0x63: {  	_ =	shalt  }
0x64: {  	_ =	shalt  }
0x65: {  	_ =	shalt  }
0x66: {  	_ =	shalt  }
0x67: {  	_ =	shalt  }
0x68: {  	_ =	shalt  }
0x69: {  	_ =	shalt  }
0x6a: {  	_ =	shalt  }
0x6b: {  	_ =	shalt  }
0x6c: {  	_ =	shalt  }
0x6d: {  	_ =	shalt  }
0x6e: {  	_ =	shalt  }
0x6f: {  	_ =	shalt  }
0x70: {  	_ =	shalt  }
0x71: {  	_ =	shalt  }
0x72: {  	_ =	shalt  }
0x73: {  	_ =	shalt  }
0x74: {  	_ =	shalt  }
0x75: {  	_ =	shalt  }
0x76: {  	_ =	shalt  }
0x77: {  	_ =	shalt  }
0x78: {  	_ =	shalt  }
0x79: {  	_ =	shalt  }
0x7a: {  	_ =	shalt  }
0x7b: {  	_ =	shalt  }
0x7c: {  	_ =	shalt  }
0x7d: {  	_ =	shalt  }
0x7e: {  	_ =	shalt  }
0x7f: {  	_ =	shalt  }
0x80: {  	_ =	shalt  }
0x81: {  	_ =	shalt  }
0x82: {  	_ =	shalt  }
0x83: {  	_ =	shalt  }
0x84: {  	_ =	shalt  }
0x85: {  	_ =	shalt  }
0x86: {  	_ =	shalt  }
0x87: {  	_ =	shalt  }
.Lfunc_end0:
.L_simem_size_0:
called_computation.2_lowered:
.L_overlay_start_0:
0x88: {  	s2 =	sld [smem:$0x3FD9]  }
0x89: {  	s3 =	sld [smem:$0x3FFE];
	_ =	sdelay $0x1  }
0x8a: {  	s1 =	srdreg.scid  }
0x8b: {  	s0 =	sand.u32 $0x1, s1  }
0x8c: {  	s16 =	sshll.u32 s0, $0xA;
	s2 =	sadd.s32 s3, s2  }
0x8d: {  	s2 =	sadd.s32 s2, s16  }
0x8e: {  	[smem:$0x3FAB] =	sst s2  }
0x8f: {  	_ = 	snop  }
0x90: {  	(tm) =	ssettm $0x1  }
0x91: {  	s17 =	sld [smem:$0x3FFB];
	_ =	sdelay $0x3  }
0x92: {  	_ =	strace s17  }
0x93: {  	s2 =	sld [smem:$0x3FFC];
	_ =	sdelay $0x3  }
0x94: {  	_ =	strace s2  }
0x95: {  	s2 =	sld [smem:$0x3FFD];
	_ =	sdelay $0x3  }
0x96: {  	_ =	strace s2  }
0x97: {  	_ =	strace $0x8FFFFFFF  }
0x98: {  	s18 =	sld [smem:$0x3FDB];
	_ =	sdelay $0x1  }
0x99: {  	s19 =	simm.s32 $_scs_section_size  }
0x9a: {  	s4 =	simm.s32 $_size__tile_overlayer_lowered;
	s5 =	simm.s32 $_tile_overlayer_lowered  }
0x9b: {  	s22 =	simm.s32 $0x1BFF;
	s21 =	sshll.u32 s5, $0x1;
	s2 =	sadd.s32 s19, s18  }
0x9c: {  	s6 =	simm.s32 $0x0;
	s20 =	sshll.u32 s4, $0x1;
	s4 =	sadd.s32 s21, s2  }
0x9d: {  	[timem:s6], [sflag:s22] =	dma.local [hbm:s4], s20  }
0x9e: {  	_ =	swait.ge [sflag:s22], s20  }
0x9f: {  	s3 =	ssub.s32 $0x0, s20;
	[sflag:s22] =	ssyncset.done $0x0  }
0xa0: {  	[sflag:s22] =	ssyncadd.s32 s3;
	_ =	sdelay $0x1  }
0xa1: {  	s23 =	simm.s32 $0x1B8B  }
0xa2: {  	_ =	swait.ge [sflag:s23], $0x1  }
0xa3: {  	[sflag:s23] =	ssyncset.done $0x0  }
0xa4: {  	s25 =	simm.s32 $0x1B8E;
	s24 =	sld [smem:$0x3FFE];
	[sflag:s23] =	ssyncadd.s32 $0xFFFFFFFF  }
0xa5: {  	s26 =	simm.s32 $execute0_lowered;
	[smem:$0x3FD2] =	sst s25  }
0xa6: {  	s4 =	sshll.u32 s26, $0x1;
	_ =	strace $0x8000004C;
	[dreg:$0x1] =	wrdreg $0xFFFFFFFF  }
0xa7: {  	s28 =	simm.s32 $_size_execute0_lowered;
	s2 =	sadd.s32 s2, s4;
	[dreg:$0x0] =	wrdreg $0x0  }
0xa8: {  	s4 =	sshll.u32 s28, $0x1;
	[dreg:$0x2] =	wrdreg s2  }
0xa9: {  	[dreg:$0x3] =	wrdreg s4  }
0xaa: {  	[dreg:$0x4] =	wrdreg $0xC0  }
0xab: {  	_ =	task [dreg:s6], $0x5FFFF  }
0xac: {  	[dreg:$0x1] =	wrdreg $0xFFFFFFFF  }
0xad: {  	[dreg:$0x0] =	wrdreg $0x60  }
0xae: {  	[dreg:$0x2] =	wrdreg s24  }
0xaf: {  	[dreg:$0x3] =	wrdreg $0xA8000  }
0xb0: {  	[dreg:$0x4] =	wrdreg $0x9  }
0xb1: {  	_ =	task.clear_ibuf [dreg:s6], $0x5FFFF;
	_ =	strace $0x9000004C  }
0xb2: {  	s29 =	simm.s32 $0x9;
	_ =	strace $0x8000004E  }
0xb3: {  	_ =	swait.ge [sflag:s29], $0x1  }
0xb4: {  	[sflag:s29] =	ssyncadd.s32 $0xFFFFFFFF  }
0xb5: {  	_ =	strace $0x9000004E  }
0xb6: {  	_ =	sfence  }
0xb7: {  	s30 =	sld [smem:$0x0];
	_ =	sdelay $0x2  }
0xb8: {  	s31 =	sshll.u32 s1, $0xD;
	s1 =	sshrl.u32 s1, $0x2  }
0xb9: {  	s3 =	sand.u32 $0x4000, s31;
	s1 =	sadd.s32 s1, s30  }
0xba: {  	s0 =	sor.u32 s3, s0;
	s1 =	sshll.u32 s1, $0x11  }
0xbb: {  	s0 =	sor.u32 s1, s0  }
0xbc: {  	s0 =	sadd.s32 $0x8F2B, s0  }
0xbd: {  	[sflag:s0] =	ssyncadd.remote.s32 $0x1  }
0xbe: {  	_ =	sfence.sel $0xFFFF  }
0xbf: {  	[dreg:$0x0] =	wrdreg $0xFFFFFFFF;
	(pc) =	sbr.abs _section_cstart, $3  }
0xc0: {  	[dreg:$0x1] =	wrdreg $0xFFFFFFFF  }
0xc1: {  	_ =	task.clear_ibuf [dreg:s6], $0x2FFFF;
	_ =	strace $0x9FFFFFFF  }
0xc2: {  	(tm) =	ssettm $0x7FFFFFFF  }
0xc3: {  	_ =	shalt  }
tec
execute0_lowered:
.L_overlay_start_1:
0x0: {  	(tag) =	ssettag $0x1  }
0x1: {  	s6 =	rddreg [dreg:$0x0]  }
0x2: {  	s1 =	rddreg [dreg:$0x1]  }
0x3: {  	s2 =	srdreg.scid;
	s0 =	rddreg [dreg:$0x2]  }
0x4: {  	s3 =	simm.s32 $0x0;
	s16 =	simm.s32 $0x80;
	s17 =	simm.s32 $0x2800  }
0x5: {  	s18 =	simm.s32 $0x6800;
	s19 =	simm.s32 $0x1;
	s20 =	simm.s32 $0x2  }
0x6: {  	s21 =	simm.s32 $0x2700;
	s22 =	simm.s32 $0x2780;
	s7 =	sand.u32 $0x1, s2  }
0x7: {  	s2 =	stileid.u32;
	[smem:$0x7FF] =	sst s3;
	s4 =	sadd.s32 $0x6D200, s6  }
0x8: {  	s10 =	sadd.s32 $0x63200, s6;
	s11 =	sadd.s32 $0x6200, s6;
	s8 =	smul.u32 $0x140000, s7  }
0x9: {  	s5 =	sadd.s32 $0x10200, s6;
	s9 =	smul.u32 $0x14000, s2;
	_ =	strace $0x8000004D  }
0xa: {  	s23 =	ssub.s32 $0x2, s7;
	s12 =	sshll.u32 s2, $0x1;
	s24 =	smul.u32 $0x50000, s2  }
0xb: {  	s28 =	sshll.u32 s2, $0x6;
	s13 =	sshrl.u32 s23, $0x1;
	s7 =	sor.u32 s7, s12  }
0xc: {  	s8 =	sadd.s32 s9, s8;
	s13 =	ssub.s32 s23, s13;
	s25 =	smul.u32 $0x2800, s7  }
0xd: {  	s26 =	sshrl.u32 s24, $0x2;
	s29 =	smul.u32 $0x500, s7;
	s23 =	simm.s32 $0x0  }
0xe: {  	s8 =	sshrl.u32 s8, $0x3;
	s15 =	sadd.s32 s26, s1;
	s12 =	smax.u32 s13, $0x1  }
0xf: {  	s14 =	sadd.s32 s8, s6;
	s6 =	sor.u32 $0x1C03, s28;
	s30 =	sshrl.u32 s25, $0x3  }
0x10: {  	s7 =	sadd.s32 s10, s29;
	s8 =	sadd.s32 s11, s29;
	s31 =	sadd.s32 $0x280, s30  }
0x11: {  	s13 =	sshrl.u32 s15, $0x3;
	s15 =	simm.s32 $0x1400;
	s9 =	sadd.s32 s10, s31  }
0x12: {  	s10 =	sadd.s32 s11, s31;
	s11 =	sadd.s32 $0x95200, s14;
	s14 =	simm.s32 $0x3  }
.LBB2_1:
0x13: {  	[spmem:s13], [sflag:s6] =	dma.local [hbm:s5], $0x2800  }
0x14: {  	_ =	swait.ge [sflag:s14], $0x2800  }
0x15: {  	[sflag:s14] =	ssyncset.done $0x0  }
0x16: {  	[sflag:s14] =	ssyncadd.s32 $0xFFFFD800  }
0x17: {  	[bflag:$0x0] =	sbarrier.arrive $0xFFFF  }
0x18: {  	[tilespmem:s3], [sflag:$0x3] =	stream.linear.gather [hbm4b:s7+s3], $0x1400, $0x38;
	[tilespmem:$0x1E800] =	vst v63  }
0x19: {  	_ =	swait.ge [sflag:s14], $0x1400  }
0x1a: {  	[sflag:s14] =	ssyncset.done $0x0  }
0x1b: {  	[sflag:s14] =	ssyncadd.s32 $0xFFFFEC00  }
0x1c: {  	[tilespmem:s15], [sflag:$0x3] =	stream.linear.gather [hbm4b:s8+s3], $0x1400, $0x38;
	[tilespmem:$0x1E800] =	vst v63  }
0x1d: {  	_ =	swait.ge [sflag:s14], $0x1400  }
0x1e: {  	[sflag:s14] =	ssyncset.done $0x0  }
0x1f: {  	[sflag:s14] =	ssyncadd.s32 $0xFFFFEC00  }
0x20: {  	[tilespmem:s17], [sflag:$0x1] =	stream.indirect.gather [hbm4b:s4+s16], $0x80, s3, s16, $0xb8;
	[tilespmem:$0x1E800] =	vst v63  }
0x21: {  	_ = 	snop  }
0x22: {  	[tilespmem:s18], [sflag:$0x2] =	stream.indirect.gather [hbm4b:s4+s16], $0x80, s16, s16, $0xb8;
	[tilespmem:$0x1E800] =	vst v63  }
0x23: {  	_ =	swait.ge [sflag:s19], $0x4000  }
0x24: {  	[sflag:s19] =	ssyncset.done $0x0  }
0x25: {  	s24 =	simm.s32 $0x1400;
	[sflag:s19] =	ssyncadd.s32 $0xFFFFC000  }
0x26: {  	[spmem:s1] =	stream.indirect.scatter.add.f32 [tilespmem:s17], [sflag:$0x3], $0x80, s24, s16, $0xb8;
	[tilespmem:$0x1E800] =	vst v63  }
0x27: {  	_ =	swait.ge [sflag:s14], $0x4000  }
0x28: {  	[sflag:s14] =	ssyncset.done $0x0  }
0x29: {  	s30 =	simm.s32 $0x100;
	[sflag:s14] =	ssyncadd.s32 $0xFFFFC000  }
0x2a: {  	[tilespmem:s17], [sflag:$0x1] =	stream.indirect.gather [hbm4b:s4+s16], $0x80, s30, s16, $0xb8;
	[tilespmem:$0x1E800] =	vst v63  }
0x2b: {  	_ =	swait.ge [sflag:s20], $0x4000  }
0x2c: {  	[sflag:s20] =	ssyncset.done $0x0  }
0x2d: {  	s31 =	simm.s32 $0x1480;
	[sflag:s20] =	ssyncadd.s32 $0xFFFFC000  }
0x2e: {  	[spmem:s1] =	stream.indirect.scatter.add.f32 [tilespmem:s18], [sflag:$0x3], $0x80, s31, s16, $0xb8;
	[tilespmem:$0x1E800] =	vst v63  }
0x2f: {  	_ =	swait.ge [sflag:s14], $0x4000  }
0x30: {  	[sflag:s14] =	ssyncset.done $0x0  }
0x31: {  	s25 =	simm.s32 $0x180;
	s24 =	simm.s32 $0x400;
	[sflag:s14] =	ssyncadd.s32 $0xFFFFC000  }
.LBB2_2:
0x32: {  	[tilespmem:s18], [sflag:$0x2] =	stream.indirect.gather [hbm4b:s4+s16], $0x80, s25, s16, $0xb8;
	[tilespmem:$0x1E800] =	vst v63  }
0x33: {  	s25 =	smov.u32 s24  }
0x34: {  	p0 =	sne.s32 s24, $0x4800;
	s24 =	sadd.s32 $0x400, s24;
	_ =	swait.ge [sflag:s19], $0x4000  }
0x35: {  	s25 =	sshra.s32 s25, $0x2;
	[sflag:s19] =	ssyncset.done $0x0  }
0x36: {  	s26 =	sadd.s32 $0x1400, s25;
	[sflag:s19] =	ssyncadd.s32 $0xFFFFC000  }
0x37: {  	[spmem:s1] =	stream.indirect.scatter.add.f32 [tilespmem:s17], [sflag:$0x3], $0x80, s26, s16, $0xb8;
	[tilespmem:$0x1E800] =	vst v63  }
0x38: {  	_ =	swait.ge [sflag:s14], $0x4000  }
0x39: {  	[sflag:s14] =	ssyncset.done $0x0  }
0x3a: {  	s26 =	sadd.s32 $0x100, s25;
	[sflag:s14] =	ssyncadd.s32 $0xFFFFC000  }
0x3b: {  	[tilespmem:s17], [sflag:$0x1] =	stream.indirect.gather [hbm4b:s4+s16], $0x80, s26, s16, $0xb8;
	[tilespmem:$0x1E800] =	vst v63  }
0x3c: {  	_ =	swait.ge [sflag:s20], $0x4000  }
0x3d: {  	[sflag:s20] =	ssyncset.done $0x0  }
.Ltmp0:
0x3e: {  	s26 =	sadd.s32 $0x1480, s25;
	[sflag:s20] =	ssyncadd.s32 $0xFFFFC000;
	(pc) =	sbr.rel @p0 .LBB2_2-.Ltmp0, $4  }
0x3f: {  	[spmem:s1] =	stream.indirect.scatter.add.f32 [tilespmem:s18], [sflag:$0x3], $0x80, s26, s16, $0xb8;
	[tilespmem:$0x1E800] =	vst v63  }
0x40: {  	_ =	swait.ge [sflag:s14], $0x4000  }
0x41: {  	[sflag:s14] =	ssyncset.done $0x0  }
0x42: {  	s25 =	sadd.s32 $0x180, s25;
	[sflag:s14] =	ssyncadd.s32 $0xFFFFC000  }
0x43: {  	[tilespmem:s18], [sflag:$0x2] =	stream.indirect.gather [hbm4b:s4+s16], $0x80, s25, s16, $0xb8;
	[tilespmem:$0x1E800] =	vst v63  }
0x44: {  	_ =	swait.ge [sflag:s19], $0x4000  }
0x45: {  	[sflag:s19] =	ssyncset.done $0x0  }
0x46: {  	[sflag:s19] =	ssyncadd.s32 $0xFFFFC000  }
0x47: {  	[spmem:s1] =	stream.indirect.scatter.add.f32 [tilespmem:s17], [sflag:$0x3], $0x80, s21, s16, $0xb8;
	[tilespmem:$0x1E800] =	vst v63  }
0x48: {  	_ =	swait.ge [sflag:s14], $0x4000  }
0x49: {  	[sflag:s14] =	ssyncset.done $0x0  }
0x4a: {  	[sflag:s14] =	ssyncadd.s32 $0xFFFFC000  }
0x4b: {  	_ =	swait.ge [sflag:s20], $0x4000  }
0x4c: {  	[sflag:s20] =	ssyncset.done $0x0  }
0x4d: {  	[sflag:s20] =	ssyncadd.s32 $0xFFFFC000  }
0x4e: {  	[spmem:s1] =	stream.indirect.scatter.add.f32 [tilespmem:s18], [sflag:$0x3], $0x80, s22, s16, $0xb8;
	[tilespmem:$0x1E800] =	vst v63  }
0x4f: {  	_ =	swait.ge [sflag:s14], $0x4000  }
0x50: {  	[sflag:s14] =	ssyncset.done $0x0  }
0x51: {  	s24 =	simm.s32 $0x0;
	[sflag:s14] =	ssyncadd.s32 $0xFFFFC000  }
0x52: {  	[tilespmem:s24], [sflag:$0x3] =	stream.linear.gather [hbm4b:s9+s24], $0x1400, $0x38;
	[tilespmem:$0x1E800] =	vst v63  }
0x53: {  	_ =	swait.ge [sflag:s14], $0x1400  }
0x54: {  	[sflag:s14] =	ssyncset.done $0x0  }
0x55: {  	[sflag:s14] =	ssyncadd.s32 $0xFFFFEC00  }
0x56: {  	[tilespmem:s15], [sflag:$0x3] =	stream.linear.gather [hbm4b:s10+s24], $0x1400, $0x38;
	[tilespmem:$0x1E800] =	vst v63  }
0x57: {  	_ =	swait.ge [sflag:s14], $0x1400  }
0x58: {  	[sflag:s14] =	ssyncset.done $0x0  }
0x59: {  	[sflag:s14] =	ssyncadd.s32 $0xFFFFEC00  }
0x5a: {  	[tilespmem:s17], [sflag:$0x1] =	stream.indirect.gather [hbm4b:s4+s16], $0x80, s24, s16, $0xb8;
	[tilespmem:$0x1E800] =	vst v63  }
0x5b: {  	_ = 	snop  }
0x5c: {  	[tilespmem:s18], [sflag:$0x2] =	stream.indirect.gather [hbm4b:s4+s16], $0x80, s16, s16, $0xb8;
	[tilespmem:$0x1E800] =	vst v63  }
0x5d: {  	_ =	swait.ge [sflag:s19], $0x4000  }
0x5e: {  	[sflag:s19] =	ssyncset.done $0x0  }
0x5f: {  	s29 =	simm.s32 $0x1400;
	[sflag:s19] =	ssyncadd.s32 $0xFFFFC000  }
0x60: {  	[spmem:s1] =	stream.indirect.scatter.add.f32 [tilespmem:s17], [sflag:$0x3], $0x80, s29, s16, $0xb8;
	[tilespmem:$0x1E800] =	vst v63  }
0x61: {  	_ =	swait.ge [sflag:s14], $0x4000  }
0x62: {  	[sflag:s14] =	ssyncset.done $0x0  }
0x63: {  	s30 =	simm.s32 $0x100;
	[sflag:s14] =	ssyncadd.s32 $0xFFFFC000  }
0x64: {  	[tilespmem:s17], [sflag:$0x1] =	stream.indirect.gather [hbm4b:s4+s16], $0x80, s30, s16, $0xb8;
	[tilespmem:$0x1E800] =	vst v63  }
0x65: {  	_ =	swait.ge [sflag:s20], $0x4000  }
0x66: {  	[sflag:s20] =	ssyncset.done $0x0  }
0x67: {  	s31 =	simm.s32 $0x1480;
	[sflag:s20] =	ssyncadd.s32 $0xFFFFC000  }
0x68: {  	[spmem:s1] =	stream.indirect.scatter.add.f32 [tilespmem:s18], [sflag:$0x3], $0x80, s31, s16, $0xb8;
	[tilespmem:$0x1E800] =	vst v63  }
0x69: {  	_ =	swait.ge [sflag:s14], $0x4000  }
0x6a: {  	[sflag:s14] =	ssyncset.done $0x0  }
0x6b: {  	s25 =	simm.s32 $0x180;
	s24 =	simm.s32 $0x400;
	[sflag:s14] =	ssyncadd.s32 $0xFFFFC000  }
.LBB2_4:
0x6c: {  	[tilespmem:s18], [sflag:$0x2] =	stream.indirect.gather [hbm4b:s4+s16], $0x80, s25, s16, $0xb8;
	[tilespmem:$0x1E800] =	vst v63  }
0x6d: {  	s25 =	smov.u32 s24  }
0x6e: {  	p0 =	sne.s32 s24, $0x4800;
	s24 =	sadd.s32 $0x400, s24;
	_ =	swait.ge [sflag:s19], $0x4000  }
0x6f: {  	s25 =	sshra.s32 s25, $0x2;
	[sflag:s19] =	ssyncset.done $0x0  }
0x70: {  	s26 =	sadd.s32 $0x1400, s25;
	[sflag:s19] =	ssyncadd.s32 $0xFFFFC000  }
0x71: {  	[spmem:s1] =	stream.indirect.scatter.add.f32 [tilespmem:s17], [sflag:$0x3], $0x80, s26, s16, $0xb8;
	[tilespmem:$0x1E800] =	vst v63  }
0x72: {  	_ =	swait.ge [sflag:s14], $0x4000  }
0x73: {  	[sflag:s14] =	ssyncset.done $0x0  }
0x74: {  	s26 =	sadd.s32 $0x100, s25;
	[sflag:s14] =	ssyncadd.s32 $0xFFFFC000  }
0x75: {  	[tilespmem:s17], [sflag:$0x1] =	stream.indirect.gather [hbm4b:s4+s16], $0x80, s26, s16, $0xb8;
	[tilespmem:$0x1E800] =	vst v63  }
0x76: {  	_ =	swait.ge [sflag:s20], $0x4000  }
0x77: {  	[sflag:s20] =	ssyncset.done $0x0  }
.Ltmp1:
0x78: {  	s26 =	sadd.s32 $0x1480, s25;
	[sflag:s20] =	ssyncadd.s32 $0xFFFFC000;
	(pc) =	sbr.rel @p0 .LBB2_4-.Ltmp1, $4  }
0x79: {  	[spmem:s1] =	stream.indirect.scatter.add.f32 [tilespmem:s18], [sflag:$0x3], $0x80, s26, s16, $0xb8;
	[tilespmem:$0x1E800] =	vst v63  }
0x7a: {  	_ =	swait.ge [sflag:s14], $0x4000  }
0x7b: {  	[sflag:s14] =	ssyncset.done $0x0  }
0x7c: {  	s25 =	sadd.s32 $0x180, s25;
	[sflag:s14] =	ssyncadd.s32 $0xFFFFC000  }
0x7d: {  	[tilespmem:s18], [sflag:$0x2] =	stream.indirect.gather [hbm4b:s4+s16], $0x80, s25, s16, $0xb8;
	[tilespmem:$0x1E800] =	vst v63  }
0x7e: {  	_ =	swait.ge [sflag:s19], $0x4000  }
0x7f: {  	[sflag:s19] =	ssyncset.done $0x0  }
0x80: {  	[sflag:s19] =	ssyncadd.s32 $0xFFFFC000  }
0x81: {  	[spmem:s1] =	stream.indirect.scatter.add.f32 [tilespmem:s17], [sflag:$0x3], $0x80, s21, s16, $0xb8;
	[tilespmem:$0x1E800] =	vst v63  }
0x82: {  	_ =	swait.ge [sflag:s14], $0x4000  }
0x83: {  	[sflag:s14] =	ssyncset.done $0x0  }
0x84: {  	[sflag:s14] =	ssyncadd.s32 $0xFFFFC000  }
0x85: {  	_ =	swait.ge [sflag:s20], $0x4000  }
0x86: {  	[sflag:s20] =	ssyncset.done $0x0  }
0x87: {  	[sflag:s20] =	ssyncadd.s32 $0xFFFFC000  }
0x88: {  	[spmem:s1] =	stream.indirect.scatter.add.f32 [tilespmem:s18], [sflag:$0x3], $0x80, s22, s16, $0xb8;
	[tilespmem:$0x1E800] =	vst v63  }
0x89: {  	_ =	swait.ge [sflag:s14], $0x4000  }
0x8a: {  	s23 =	sadd.s32 $0x1, s23;
	[sflag:s14] =	ssyncset.done $0x0  }
0x8b: {  	p0 =	sne.s32 s23, s12;
	[sflag:s14] =	ssyncadd.s32 $0xFFFFC000  }
.Ltmp2:
0x8c: {  	[bflag:$0x0] =	sbarrier.arrive $0xFFFF;
	(pc) =	sbr.rel @p0 .LBB2_1-.Ltmp2, $4  }
0x8d: {  	[hbm:s11], [sflag:s6] =	dma.local [spmem:s13], $0x2800  }
0x8e: {  	_ =	swait.ge [sflag:s14], $0x2800  }
0x8f: {  	[sflag:s14] =	ssyncset.done $0x0  }
0x90: {  	[sflag:s14] =	ssyncadd.s32 $0xFFFFD800  }
0x91: {  	_ =	sfence.sel $0x180000  }
0x92: {  	[bflag:$0x0] =	sbarrier.arrive $0xFFFF  }
0x93: {  	p0 =	sne.s32 s2, $0x0;
	_ =	strace $0x9000004D  }
0x94: {  	s0 =	sadd.s32 @!p0 $0x100000, s0;
	[bflag:$0x2] =	sbarrier.arrive $0xFFFF  }
0x95: {  	[sflag:s0] =	ssyncadd.tile.s32 @!p0 $0x1;
	_ =	shalt  }
.Lfunc_end2:
_tile_overlayer_lowered:
.L_overlay_start_2:
0x96: {  	(tag) =	ssettag $0x2  }
0x97: {  	s0 =	rddreg [dreg:$0x0];
	s2 =	stileid.u32  }
0x98: {  	s1 =	rddreg [dreg:$0x1];
	p0 =	sne.s32 s2, $0x0  }
0x99: {  	s3 =	rddreg [dreg:$0x2];
	[bflag:$0x3] =	sbarrier.arrive $0xFFFF;
	s2 =	simm.s32 @!p0 $0x1C03  }
0x9a: {  	[timem:s3], [sflag:s2] =	dma.local @!p0 [hbm:s0], s1  }
0x9b: {  	s0 =	simm.s32 @!p0 $0x3  }
0x9c: {  	_ =	swait.ge @!p0 [sflag:s0], s1  }
0x9d: {  	s1 =	ssub.s32 @!p0 $0x0, s1;
	[sflag:s0] =	ssyncset.done @!p0 $0x0  }
0x9e: {  	[sflag:s0] =	ssyncadd.s32 @!p0 s1  }
0x9f: {  	[bflag:$0x3] =	sbarrier.arrive $0xFFFF  }
0xa0: {  	_ =	shalt  }

// kernel: kernel.20.cloned.1.call-start
scs
__scs_entry_jumppad:
0x0: {  	(pc) =	sbr.rel $0x88, $3  }
0x1: {  	(tag) =	ssettag $0x0;
	lr =	simm.s32 $0x1  }
0x2: {  	[smem:$0x3F84] =	sst lr;
	_ =	strace $0xD0000000  }
0x3: {  	_ = 	snop  }
0x4: {  	_ = 	snop  }
0x5: {  	_ = 	snop  }
0x6: {  	_ = 	snop  }
0x7: {  	_ = 	snop  }
__scs_overlays_trampoline_lowered:
0x8: {  	[smem:$0x3F93] =	sst s0  }
0x9: {  	[smem:$0x3F94] =	sst s1  }
0xa: {  	[smem:$0x3F95] =	sst s2  }
0xb: {  	[smem:$0x3F96] =	sst s3  }
0xc: {  	[smem:$0x3F97] =	sst s4  }
0xd: {  	[smem:$0x3F98] =	sst s5  }
0xe: {  	[smem:$0x3F99] =	sst s6  }
0xf: {  	[smem:$0x3F9A] =	sst s7  }
0x10: {  	[smem:$0x3F9B] =	sst s8  }
0x11: {  	[smem:$0x3F9C] =	sst s9;
	s0 =	simm.s32 @!p0 $0x0  }
0x12: {  	s1 =	sld [smem:$0x3F82];
	s0 =	simm.s32 @p0 $0x1  }
0x13: {  	[smem:$0x3F9D] =	sst s0;
	s0 =	simm.s32 @!p1 $0x0  }
0x14: {  	s2 =	sld [smem:$0x3F81];
	s0 =	simm.s32 @p1 $0x1  }
0x15: {  	[smem:$0x3F9E] =	sst s0;
	s0 =	simm.s32 @!p2 $0x0  }
0x16: {  	s3 =	sld [smem:$0x3FDB];
	s0 =	simm.s32 @p2 $0x1  }
0x17: {  	s4 =	simm.s32 $0x1BF5;
	[smem:$0x3FA0] =	sst s0  }
0x18: {  	s0 =	sld [smem:$0x3F83];
	_ =	swait.ge [sflag:s4], $0x0  }
0x19: {  	s7 =	sld [smem:$0x3F84]  }
0x1a: {  	s8 =	sadd.s32 $0xFFFFE003, lr  }
0x1b: {  	s9 =	sadd.s32 $0xFFFFFEF7, lr;
	s5 =	simm.s32 $0xFFFFFFFF;
	p2 =	slt.u32 s8, $0xFFFFF086  }
0x1c: {  	p1 =	slt.u32 s9, $0xF7A;
	s5 =	simm.s32 @!p2 $0x0  }
0x1d: {  	s5 =	simm.s32 @p1 $0x1;
	p0 =	seq.s32 s7, s2  }
0x1e: {  	s7 =	smul.u32 @!p0 $0xF7A, s2;
	p2 =	seq.s32 @!p0 s5, $0x0  }
0x1f: {  	s9 =	smul.u32 $0xF7A, s1;
	s8 =	simm.s32 @!p0 $0x1BF5;
	p2 =	por !p2, p0  }
0x20: {  	[sflag:s8] =	ssyncset.s32 @!p0 $0xFFFFF086;
	s6 =	sadd.s32 @!p0 s3, s7;
	s7 =	simm.s32 @!p0 $0x108  }
0x21: {  	s3 =	sadd.s32 s3, s9;
	s6 =	sadd.s32 @!p0 $0x88, s6;
	s7 =	simm.s32 @p2 $0x1082  }
0x22: {  	[simem:s7], [sflag:s8] =	dma.local @!p0 [hbm:s6], $0xF7A  }
0x23: {  	s9 =	sor.u32 $0xD0000000, s2;
	s6 =	simm.s32 $0x108;
	_ =	swait.ge @!p0 [sflag:s8], $0x0  }
0x24: {  	s3 =	sadd.s32 $0x88, s3;
	s6 =	simm.s32 @!p1 $0x1082;
	[sflag:s4] =	ssyncset.s32 $0xFFFFF086  }
0x25: {  	[simem:s6], [sflag:s4] =	dma.local [hbm:s3], $0xF7A  }
0x26: {  	[smem:$0x3F84] =	sst s1;
	(tag) =	ssettag s2;
	_ =	strace s9  }
0x27: {  	s1 =	sld [smem:$0x3F94]  }
0x28: {  	s2 =	sld [smem:$0x3F95]  }
0x29: {  	s4 =	sld [smem:$0x3F97]  }
0x2a: {  	p0 =	seq.s32 s5, $0x0;
	s5 =	sld [smem:$0x3F98]  }
0x2b: {  	s6 =	sld [smem:$0x3F99]  }
0x2c: {  	s7 =	sld [smem:$0x3F9A]  }
0x2d: {  	s3 =	simm.s32 $0x108;
	s8 =	sld [smem:$0x3F9B]  }
0x2e: {  	s3 =	simm.s32 @!p0 $0x1082;
	s9 =	sld [smem:$0x3F9C]  }
0x2f: {  	lr =	sadd.s32 s0, s3;
	s0 =	sld [smem:$0x3F93]  }
0x30: {  	s3 =	sld [smem:$0x3F96]  }
0x31: {  	[smem:$0x3F9F] =	sst s10  }
0x32: {  	s10 =	sld [smem:$0x3F9D];
	_ =	sdelay $0x3  }
0x33: {  	p0 =	seq.s32 s10, $0x1;
	s10 =	sld [smem:$0x3F9F];
	_ =	sdelay $0x3  }
0x34: {  	[smem:$0x3F9F] =	sst s10  }
0x35: {  	s10 =	sld [smem:$0x3F9E];
	_ =	sdelay $0x3  }
0x36: {  	p1 =	seq.s32 s10, $0x1;
	s10 =	sld [smem:$0x3F9F];
	_ =	sdelay $0x3  }
0x37: {  	[smem:$0x3F9F] =	sst s10  }
0x38: {  	s10 =	sld [smem:$0x3FA0]  }
0x39: {  	_ = 	snop;
	(pc) =	sbr.ind lr, $3  }
0x3a: {  	_ = 	snop  }
0x3b: {  	_ = 	snop  }
0x3c: {  	p2 =	seq.s32 s10, $0x1;
	s10 =	sld [smem:$0x3F9F]  }
0x3d: {  	_ =	shalt  }
0x3e: {  	_ =	shalt  }
0x3f: {  	_ =	shalt  }
0x40: {  	_ =	shalt  }
0x41: {  	_ =	shalt  }
0x42: {  	_ =	shalt  }
0x43: {  	_ =	shalt  }
0x44: {  	_ =	shalt  }
0x45: {  	_ =	shalt  }
0x46: {  	_ =	shalt  }
0x47: {  	_ =	shalt  }
0x48: {  	_ =	shalt  }
0x49: {  	_ =	shalt  }
0x4a: {  	_ =	shalt  }
0x4b: {  	_ =	shalt  }
0x4c: {  	_ =	shalt  }
0x4d: {  	_ =	shalt  }
0x4e: {  	_ =	shalt  }
0x4f: {  	_ =	shalt  }
0x50: {  	_ =	shalt  }
0x51: {  	_ =	shalt  }
0x52: {  	_ =	shalt  }
0x53: {  	_ =	shalt  }
0x54: {  	_ =	shalt  }
0x55: {  	_ =	shalt  }
0x56: {  	_ =	shalt  }
0x57: {  	_ =	shalt  }
0x58: {  	_ =	shalt  }
0x59: {  	_ =	shalt  }
0x5a: {  	_ =	shalt  }
0x5b: {  	_ =	shalt  }
0x5c: {  	_ =	shalt  }
0x5d: {  	_ =	shalt  }
0x5e: {  	_ =	shalt  }
0x5f: {  	_ =	shalt  }
0x60: {  	_ =	shalt  }
0x61: {  	_ =	shalt  }
0x62: {  	_ =	shalt  }
0x63: {  	_ =	shalt  }
0x64: {  	_ =	shalt  }
0x65: {  	_ =	shalt  }
0x66: {  	_ =	shalt  }
0x67: {  	_ =	shalt  }
0x68: {  	_ =	shalt  }
0x69: {  	_ =	shalt  }
0x6a: {  	_ =	shalt  }
0x6b: {  	_ =	shalt  }
0x6c: {  	_ =	shalt  }
0x6d: {  	_ =	shalt  }
0x6e: {  	_ =	shalt  }
0x6f: {  	_ =	shalt  }
0x70: {  	_ =	shalt  }
0x71: {  	_ =	shalt  }
0x72: {  	_ =	shalt  }
0x73: {  	_ =	shalt  }
0x74: {  	_ =	shalt  }
0x75: {  	_ =	shalt  }
0x76: {  	_ =	shalt  }
0x77: {  	_ =	shalt  }
0x78: {  	_ =	shalt  }
0x79: {  	_ =	shalt  }
0x7a: {  	_ =	shalt  }
0x7b: {  	_ =	shalt  }
0x7c: {  	_ =	shalt  }
0x7d: {  	_ =	shalt  }
0x7e: {  	_ =	shalt  }
0x7f: {  	_ =	shalt  }
0x80: {  	_ =	shalt  }
0x81: {  	_ =	shalt  }
0x82: {  	_ =	shalt  }
0x83: {  	_ =	shalt  }
0x84: {  	_ =	shalt  }
0x85: {  	_ =	shalt  }
0x86: {  	_ =	shalt  }
0x87: {  	_ =	shalt  }
.Lfunc_end0:
.L_simem_size_0:
called_computation.3_lowered:
.L_overlay_start_0:
0x88: {  	s2 =	sld [smem:$0x3FD9]  }
0x89: {  	s3 =	sld [smem:$0x3FFE];
	_ =	sdelay $0x1  }
0x8a: {  	s1 =	srdreg.scid  }
0x8b: {  	s0 =	sand.u32 $0x1, s1  }
0x8c: {  	s16 =	sshll.u32 s0, $0xA;
	s2 =	sadd.s32 s3, s2  }
0x8d: {  	s2 =	sadd.s32 s2, s16  }
0x8e: {  	[smem:$0x3FAB] =	sst s2  }
0x8f: {  	_ = 	snop  }
0x90: {  	(tm) =	ssettm $0x1  }
0x91: {  	s17 =	sld [smem:$0x3FFB];
	_ =	sdelay $0x3  }
0x92: {  	_ =	strace s17  }
0x93: {  	s2 =	sld [smem:$0x3FFC];
	_ =	sdelay $0x3  }
0x94: {  	_ =	strace s2  }
0x95: {  	s2 =	sld [smem:$0x3FFD];
	_ =	sdelay $0x3  }
0x96: {  	_ =	strace s2  }
0x97: {  	_ =	strace $0x8FFFFFFF  }
0x98: {  	s18 =	sld [smem:$0x3FDB];
	_ =	sdelay $0x1  }
0x99: {  	s19 =	simm.s32 $_scs_section_size  }
0x9a: {  	s4 =	simm.s32 $_size__tile_overlayer_lowered;
	s5 =	simm.s32 $_tile_overlayer_lowered  }
0x9b: {  	s22 =	simm.s32 $0x1BFF;
	s21 =	sshll.u32 s5, $0x1;
	s2 =	sadd.s32 s19, s18  }
0x9c: {  	s6 =	simm.s32 $0x0;
	s20 =	sshll.u32 s4, $0x1;
	s4 =	sadd.s32 s21, s2  }
0x9d: {  	[timem:s6], [sflag:s22] =	dma.local [hbm:s4], s20  }
0x9e: {  	_ =	swait.ge [sflag:s22], s20  }
0x9f: {  	s3 =	ssub.s32 $0x0, s20;
	[sflag:s22] =	ssyncset.done $0x0  }
0xa0: {  	[sflag:s22] =	ssyncadd.s32 s3;
	_ =	sdelay $0x1  }
0xa1: {  	s23 =	simm.s32 $0x1B8B  }
0xa2: {  	_ =	swait.ge [sflag:s23], $0x1  }
0xa3: {  	[sflag:s23] =	ssyncset.done $0x0  }
0xa4: {  	s25 =	simm.s32 $0x1B8E;
	s24 =	sld [smem:$0x3FFE];
	[sflag:s23] =	ssyncadd.s32 $0xFFFFFFFF  }
0xa5: {  	s26 =	simm.s32 $execute0_lowered;
	[smem:$0x3FD2] =	sst s25  }
0xa6: {  	s4 =	sshll.u32 s26, $0x1;
	_ =	strace $0x8000004F;
	[dreg:$0x1] =	wrdreg $0xFFFFFFFF  }
0xa7: {  	s28 =	simm.s32 $_size_execute0_lowered;
	s2 =	sadd.s32 s2, s4;
	[dreg:$0x0] =	wrdreg $0x0  }
0xa8: {  	s4 =	sshll.u32 s28, $0x1;
	[dreg:$0x2] =	wrdreg s2  }
0xa9: {  	[dreg:$0x3] =	wrdreg s4  }
0xaa: {  	[dreg:$0x4] =	wrdreg $0xC0  }
0xab: {  	_ =	task [dreg:s6], $0x5FFFF  }
0xac: {  	[dreg:$0x1] =	wrdreg $0xFFFFFFFF  }
0xad: {  	[dreg:$0x0] =	wrdreg $0x60  }
0xae: {  	[dreg:$0x2] =	wrdreg s24  }
0xaf: {  	[dreg:$0x3] =	wrdreg $0x41000  }
0xb0: {  	[dreg:$0x4] =	wrdreg $0x9  }
0xb1: {  	_ =	task.clear_ibuf [dreg:s6], $0x5FFFF;
	_ =	strace $0x9000004F  }
0xb2: {  	s29 =	simm.s32 $0x9;
	_ =	strace $0x80000051  }
0xb3: {  	_ =	swait.ge [sflag:s29], $0x1  }
0xb4: {  	[sflag:s29] =	ssyncadd.s32 $0xFFFFFFFF  }
0xb5: {  	_ =	strace $0x90000051  }
0xb6: {  	_ =	sfence  }
0xb7: {  	s30 =	sld [smem:$0x0];
	_ =	sdelay $0x2  }
0xb8: {  	s31 =	sshll.u32 s1, $0xD;
	s1 =	sshrl.u32 s1, $0x2  }
0xb9: {  	s3 =	sand.u32 $0x4000, s31;
	s1 =	sadd.s32 s1, s30  }
0xba: {  	s0 =	sor.u32 s3, s0;
	s1 =	sshll.u32 s1, $0x11  }
0xbb: {  	s0 =	sor.u32 s1, s0  }
0xbc: {  	s0 =	sadd.s32 $0x8F2B, s0  }
0xbd: {  	[sflag:s0] =	ssyncadd.remote.s32 $0x1  }
0xbe: {  	_ =	sfence.sel $0xFFFF  }
0xbf: {  	[dreg:$0x0] =	wrdreg $0xFFFFFFFF;
	(pc) =	sbr.abs _section_cstart, $3  }
0xc0: {  	[dreg:$0x1] =	wrdreg $0xFFFFFFFF  }
0xc1: {  	_ =	task.clear_ibuf [dreg:s6], $0x2FFFF;
	_ =	strace $0x9FFFFFFF  }
0xc2: {  	(tm) =	ssettm $0x7FFFFFFF  }
0xc3: {  	_ =	shalt  }
tec
execute0_lowered:
.L_overlay_start_1:
0x0: {  	(tag) =	ssettag $0x1  }
0x1: {  	s8 =	rddreg [dreg:$0x0]  }
0x2: {  	s1 =	rddreg [dreg:$0x1];
	s2 =	simm.s32 $0x0;
	s3 =	srdreg.scid  }
0x3: {  	s17 =	simm.s32 $0x100;
	s18 =	simm.s32 $0x80;
	s19 =	simm.s32 $0x2100  }
0x4: {  	s20 =	simm.s32 $0x1;
	s21 =	simm.s32 $0x3;
	s22 =	simm.s32 $0x40  }
0x5: {  	s23 =	simm.s32 $0x2;
	[smem:$0x7FF] =	sst s2;
	s9 =	sand.u32 $0x1, s3  }
0x6: {  	s24 =	simm.s32 $0x4;
	s3 =	stileid.u32;
	s7 =	smul.u32 $0x60000, s9  }
0x7: {  	s4 =	sadd.s32 $0xE7A00, s8;
	s5 =	sadd.s32 $0xE5200, s8;
	s10 =	smul.u32 $0x6000, s3  }
0x8: {  	_ =	strace $0x80000050;
	s6 =	sshll.u32 s3, $0x1;
	s12 =	smul.u32 $0x18000, s3  }
0x9: {  	s30 =	sshll.u32 s3, $0x6;
	s11 =	sor.u32 s9, s6;
	s6 =	sadd.s32 $0x6200, s8  }
0xa: {  	s9 =	ssub.s32 $0x2, s9;
	s10 =	sadd.s32 s10, s7;
	s7 =	smul.u32 $0x140, s11  }
0xb: {  	s13 =	smul.u32 $0xA00, s11;
	s25 =	sshrl.u32 s9, $0x1;
	s26 =	sshrl.u32 s12, $0x2  }
0xc: {  	s11 =	smul.u32 $0xA000, s11;
	s10 =	sshrl.u32 s10, $0x3;
	s15 =	ssub.s32 s9, s25  }
0xd: {  	s16 =	sadd.s32 s26, s1;
	s25 =	simm.s32 $0x0;
	s14 =	sadd.s32 s10, s8  }
.Ltmp0:
0xe: {  	s28 =	sand.u32 $0x40, s7;
	s13 =	sand.u32 $0x1FC00, s13;
	(pc) =	sbr.rel .LBB2_1-.Ltmp0, $4  }
0xf: {  	s11 =	sshrl.u32 s11, $0x3;
	s8 =	sor.u32 $0x1C05, s30;
	s29 =	sor.u32 s28, s13  }
0x10: {  	s10 =	sadd.s32 s4, s11;
	s13 =	sadd.s32 $0x6E00, s14;
	s31 =	sshrl.u32 s29, $0x3  }
0x11: {  	s14 =	smax.u32 s15, $0x1;
	s15 =	sshrl.u32 s16, $0x3;
	s9 =	sadd.s32 s5, s31  }
0x12: {  	s16 =	simm.s32 $0x5;
	s12 =	sadd.s32 $0x28000, s10;
	s11 =	sadd.s32 $0x10, s9  }
.LBB2_3:
0x13: {  	_ =	swait.ge [sflag:s23], $0x40  }
0x14: {  	[sflag:s23] =	ssyncset.done $0x0  }
0x15: {  	[sflag:s23] =	ssyncadd.s32 $0xFFFFFFC0  }
0x16: {  	_ =	swait.ge [sflag:s24], $0x2000  }
0x17: {  	[sflag:s24] =	ssyncset.done $0x0  }
0x18: {  	[sflag:s24] =	ssyncadd.s32 $0xFFFFE000  }
0x19: {  	[spmem:s1] =	stream.indirect.scatter.add.f32 [tilespmem:s19], [sflag:$0x5], $0x80, s18, s22, $0xb8;
	[tilespmem:$0xA100] =	vst v63  }
0x1a: {  	_ =	swait.ge [sflag:s16], $0x2000  }
0x1b: {  	[sflag:s16] =	ssyncset.done $0x0  }
0x1c: {  	[sflag:s16] =	ssyncadd.s32 $0xFFFFE000  }
.LBB2_5:
0x1d: {  	s25 =	sadd.s32 $0x1, s25  }
0x1e: {  	p0 =	sne.s32 s25, s14  }
.Ltmp1:
0x1f: {  	[bflag:$0x0] =	sbarrier.arrive $0xFFFF;
	(pc) =	sbr.rel @!p0 .LBB2_6-.Ltmp1, $4  }
0x20: {  	[hbm:s13], [sflag:s8] =	dma.local [spmem:s15], $0xC00  }
0x21: {  	_ =	swait.ge [sflag:s16], $0xC00  }
0x22: {  	[sflag:s16] =	ssyncset.done $0x0  }
0x23: {  	[sflag:s16] =	ssyncadd.s32 $0xFFFFF400  }
.LBB2_1:
0x24: {  	[spmem:s15], [sflag:s8] =	dma.local [hbm:s6], $0xC00  }
0x25: {  	_ =	swait.ge [sflag:s16], $0xC00  }
0x26: {  	[sflag:s16] =	ssyncset.done $0x0  }
0x27: {  	[sflag:s16] =	ssyncadd.s32 $0xFFFFF400  }
0x28: {  	[bflag:$0x0] =	sbarrier.arrive $0xFFFF  }
0x29: {  	[tilespmem:s2], [sflag:$0x1] =	stream.linear.gather [hbm4b:s9+s2], $0x40, $0x38;
	[tilespmem:$0xA100] =	vst v63  }
0x2a: {  	_ = 	snop  }
0x2b: {  	[tilespmem:s17], [sflag:$0x3] =	stream.linear.gather [hbm4b:s10+s2], $0x2000, $0x38;
	[tilespmem:$0xA100] =	vst v63  }
0x2c: {  	_ = 	snop  }
0x2d: {  	[tilespmem:s18], [sflag:$0x2] =	stream.linear.gather [hbm4b:s11+s2], $0x40, $0x38;
	[tilespmem:$0xA100] =	vst v63  }
0x2e: {  	s26 =	simm.s32 $0x0  }
0x2f: {  	[tilespmem:s19], [sflag:$0x4] =	stream.linear.gather [hbm4b:s12+s2], $0x2000, $0x38;
	[tilespmem:$0xA100] =	vst v63  }
.LBB2_2:
0x30: {  	_ =	swait.ge [sflag:s20], $0x40  }
0x31: {  	[sflag:s20] =	ssyncset.done $0x0  }
0x32: {  	[sflag:s20] =	ssyncadd.s32 $0xFFFFFFC0  }
0x33: {  	_ =	swait.ge [sflag:s21], $0x2000  }
0x34: {  	p0 =	sne.s32 s26, $0xE;
	[sflag:s21] =	ssyncset.done $0x0  }
.Ltmp2:
0x35: {  	[sflag:s21] =	ssyncadd.s32 $0xFFFFE000;
	(pc) =	sbr.rel @!p0 .LBB2_3-.Ltmp2, $4  }
0x36: {  	[spmem:s1] =	stream.indirect.scatter.add.f32 [tilespmem:s17], [sflag:$0x5], $0x80, s2, s22, $0xb8;
	[tilespmem:$0xA100] =	vst v63  }
0x37: {  	_ =	swait.ge [sflag:s16], $0x2000  }
0x38: {  	[sflag:s16] =	ssyncset.done $0x0  }
0x39: {  	[sflag:s16] =	ssyncadd.s32 $0xFFFFE000  }
0x3a: {  	s28 =	sshll.u32 s26, $0x1  }
0x3b: {  	s29 =	sadd.s32 $0x2, s28  }
0x3c: {  	s30 =	sand.u32 $0xFE, s29  }
0x3d: {  	s30 =	smul.u32 $0xAB, s30;
	_ =	sdelay $0x1  }
0x3e: {  	s30 =	sshrl.u32 s30, $0xA  }
0x3f: {  	s31 =	smul.u32 $0x6, s30  }
0x40: {  	s30 =	sshll.u32 s30, $0x6  }
0x41: {  	s30 =	sadd.s32 s7, s30;
	s29 =	ssub.s32 s29, s31  }
0x42: {  	s0 =	sshll.u32 s30, $0x3;
	s29 =	sand.u32 $0xFE, s29  }
0x43: {  	s31 =	sand.u32 $0x3FC00, s0;
	s0 =	sshll.u32 s29, $0x7  }
0x44: {  	s0 =	sor.u32 s0, s31;
	s31 =	sand.u32 $0x40, s30  }
0x45: {  	s0 =	sor.u32 s31, s0  }
0x46: {  	s0 =	sshrl.u32 s0, $0x3  }
0x47: {  	s31 =	sshll.u32 s30, $0x7;
	s30 =	sadd.s32 $0x3, s28;
	s0 =	sadd.s32 s5, s0  }
0x48: {  	[tilespmem:s2], [sflag:$0x1] =	stream.linear.gather [hbm4b:s0+s2], $0x40, $0x38;
	[tilespmem:$0xA100] =	vst v63  }
0x49: {  	s28 =	sand.u32 $0xFF, s30;
	s0 =	smul.u32 $0x140000, s29  }
0x4a: {  	s28 =	smul.u32 $0xAB, s28  }
0x4b: {  	s0 =	sadd.s32 s0, s31  }
0x4c: {  	s26 =	sadd.s32 $0x1, s26;
	s28 =	sshrl.u32 s28, $0xA;
	s0 =	sshrl.u32 s0, $0x3  }
0x4d: {  	s31 =	smul.u32 $0x6, s28;
	s28 =	sshll.u32 s28, $0x6;
	s0 =	sadd.s32 s4, s0  }
0x4e: {  	[tilespmem:s17], [sflag:$0x3] =	stream.linear.gather [hbm4b:s0+s2], $0x2000, $0x38;
	[tilespmem:$0xA100] =	vst v63  }
0x4f: {  	p0 =	sne.s32 s26, $0xF;
	s28 =	sadd.s32 s7, s28;
	_ =	swait.ge [sflag:s23], $0x40  }
0x50: {  	s0 =	ssub.s32 s30, s31;
	s30 =	sshll.u32 s28, $0x3;
	[sflag:s23] =	ssyncset.done $0x0  }
0x51: {  	s0 =	sand.u32 $0xFF, s0;
	s29 =	sand.u32 $0x3FC00, s30;
	[sflag:s23] =	ssyncadd.s32 $0xFFFFFFC0  }
0x52: {  	s31 =	sshll.u32 s0, $0x7;
	s0 =	smul.u32 $0x140000, s0;
	_ =	swait.ge [sflag:s24], $0x2000  }
0x53: {  	s29 =	sor.u32 s31, s29;
	s31 =	sand.u32 $0x40, s28;
	[sflag:s24] =	ssyncset.done $0x0  }
0x54: {  	s28 =	sshll.u32 s28, $0x7;
	s29 =	sor.u32 s31, s29;
	[sflag:s24] =	ssyncadd.s32 $0xFFFFE000  }
0x55: {  	[spmem:s1] =	stream.indirect.scatter.add.f32 [tilespmem:s19], [sflag:$0x5], $0x80, s18, s22, $0xb8;
	[tilespmem:$0xA100] =	vst v63  }
0x56: {  	s0 =	sadd.s32 s0, s28;
	s29 =	sshrl.u32 s29, $0x3;
	_ =	swait.ge [sflag:s16], $0x2000  }
.Ltmp3:
0x57: {  	s0 =	sshrl.u32 s0, $0x3;
	[sflag:s16] =	ssyncset.done $0x0;
	(pc) =	sbr.rel @p0 .LBB2_2-.Ltmp3, $4  }
.Ltmp4:
0x58: {  	s29 =	sadd.s32 s5, s29;
	[sflag:s16] =	ssyncadd.s32 $0xFFFFE000;
	(pc) =	sbr.rel @!p0 .LBB2_5-.Ltmp4, $4  }
0x59: {  	[tilespmem:s18], [sflag:$0x2] =	stream.linear.gather [hbm4b:s29+s2], $0x40, $0x38;
	[tilespmem:$0xA100] =	vst v63  }
0x5a: {  	s0 =	sadd.s32 s4, s0  }
0x5b: {  	[tilespmem:s19], [sflag:$0x4] =	stream.linear.gather [hbm4b:s0+s2], $0x2000, $0x38;
	[tilespmem:$0xA100] =	vst v63  }
0x5c: {  	_ = 	snop  }
.LBB2_6:
0x5d: {  	_ =	sfence.sel $0x180000  }
0x5e: {  	[bflag:$0x0] =	sbarrier.arrive $0xFFFF  }
0x5f: {  	_ =	strace $0x90000050  }
0x60: {  	[bflag:$0x2] =	sbarrier.arrive $0xFFFF  }
0x61: {  	p0 =	sne.s32 s3, $0x0;
	s0 =	rddreg [dreg:$0x2]  }
0x62: {  	s0 =	sadd.s32 @!p0 $0x100000, s0  }
0x63: {  	[sflag:s0] =	ssyncadd.tile.s32 @!p0 $0x1;
	_ =	shalt  }
.Lfunc_end2:
_tile_overlayer_lowered:
.L_overlay_start_2:
0x64: {  	(tag) =	ssettag $0x2  }
0x65: {  	s0 =	rddreg [dreg:$0x0];
	s2 =	stileid.u32  }
0x66: {  	s1 =	rddreg [dreg:$0x1];
	p0 =	sne.s32 s2, $0x0  }
0x67: {  	s3 =	rddreg [dreg:$0x2];
	[bflag:$0x3] =	sbarrier.arrive $0xFFFF;
	s2 =	simm.s32 @!p0 $0x1C05  }
0x68: {  	[timem:s3], [sflag:s2] =	dma.local @!p0 [hbm:s0], s1  }
0x69: {  	s0 =	simm.s32 @!p0 $0x5  }
0x6a: {  	_ =	swait.ge @!p0 [sflag:s0], s1  }
0x6b: {  	s1 =	ssub.s32 @!p0 $0x0, s1;
	[sflag:s0] =	ssyncset.done @!p0 $0x0  }
0x6c: {  	[sflag:s0] =	ssyncadd.s32 @!p0 s1  }
0x6d: {  	[bflag:$0x3] =	sbarrier.arrive $0xFFFF  }
0x6e: {  	_ =	shalt  }

</sc_bundles>
